<compile_context>
chip_gen: v7x
topology: tpu7x:2x2x1
jax: 0.10.2.dev20260603
libtpu: 0.0.44.dev20260713+nightly
codegen_flags: <defaults>
</compile_context>

<pallas_src>
import numpy as np
import jax
import jax.numpy as jnp
from jax import lax
from jax.experimental import pallas as pl
from jax.experimental.pallas import tpu as pltpu
from jax.experimental.pallas import tpu_sc as plsc

_BASE_RES = 512.0
_MAX_RES = 32768.0
_NL = 8
_TIME_RES = 25
_SCALE = float(np.exp2(np.log2(_MAX_RES / _BASE_RES) / (_NL - 1)))
_RES = [np.float32(_BASE_RES * (_SCALE ** l) - 1.0) for l in range(_NL)]
_P1 = int(np.uint32(2654435761).view(np.int32))
_P2 = int(np.int32(805459861))
_TS = 1 << 19
_TXY = 1 << 14
_TXZ = 1 << 12
_OXZ = _NL * _TXY
_OYZ = _OXZ + _NL * _TXZ
_NDYN = _OYZ + _NL * _TXZ

_N = 262144
_NW = 32
_PT = _N // _NW
_C = 128
_G = _C // 16
_NCH = _PT // _C
_NU = 20


def _lerp_body(w_ref, a_ref, b_ref, o_ref):
    w = w_ref[0, 0]
    o_ref[...] = (1.0 - w) * a_ref[...] + w * b_ref[...]


def _lerp(a, b, w):
    rows = a.shape[0]
    blk = 768
    return pl.pallas_call(
        _lerp_body,
        out_shape=jax.ShapeDtypeStruct(a.shape, jnp.float32),
        grid=(rows // blk,),
        in_specs=[
            pl.BlockSpec(memory_space=pltpu.SMEM),
            pl.BlockSpec((blk, 128), lambda i: (i, 0)),
            pl.BlockSpec((blk, 128), lambda i: (i, 0)),
        ],
        out_specs=pl.BlockSpec((blk, 128), lambda i: (i, 0)),
    )(w, a, b)


def _sc_body(xT, st, dyn, resc, out_s, out_d,
             xb, resb, idxs, idxd, pb, wb, rows_s, rows_d, osb, odb, sem):
    wid = lax.axis_index("s") * 2 + lax.axis_index("c")
    base = wid * _PT
    for j in range(3):
        pltpu.sync_copy(xT.at[pl.ds(j * _N + base, _PT)],
                        xb.at[pl.ds(j * _PT, _PT)])
    pltpu.sync_copy(resc, resb)
    lane = lax.iota(jnp.int32, 16)
    lane32 = lane * 32
    half = jnp.full((16,), 0.5, jnp.float32)
    one = jnp.full((16,), 1.0, jnp.float32)

    def chunk_body(ci, carry):
        co = ci * _C

        def level_body(l, carry2):
            vres = resb[pl.ds(l * 16, 16)]
            soff = l * (_TS // 2)
            oxy = l * (_TXY // 2)
            oxz = (_OXZ + l * _TXZ) // 2
            oyz = (_OYZ + l * _TXZ) // 2

            def grp(g, c3):
                g16 = g * 16
                o = co + g16
                x0 = xb[pl.ds(o, 16)]
                x1 = xb[pl.ds(_PT + o, 16)]
                x2 = xb[pl.ds(2 * _PT + o, 16)]
                pos0 = x0 * vres + half
                pos1 = x1 * vres + half
                pos2 = x2 * vres + half
                pi0 = pos0.astype(jnp.int32)
                pi1 = pos1.astype(jnp.int32)
                pi2 = pos2.astype(jnp.int32)
                w0 = pos0 - pi0.astype(jnp.float32)
                w1 = pos1 - pi1.astype(jnp.float32)
                w2 = pos2 - pi2.astype(jnp.float32)
                m1 = pi1 * _P1
                m2a = pi2 * _P2
                m2b = pi2 * _P1
                a0 = (pi0, pi0 + 1)
                a1 = (m1, m1 + _P1)
                a2s = (m2a, m2a + _P2)
                a2d = (m2b, m2b + _P1)
                ay = (pi1, pi1 + 1)
                ws = ((one - w0, w0), (one - w1, w1), (one - w2, w2))
                for c in range(8):
                    b0 = c & 1
                    b1 = (c >> 1) & 1
                    b2 = (c >> 2) & 1
                    h = (a0[b0] ^ a1[b1] ^ a2s[b2]) & (_TS - 1)
                    idxs[pl.ds(c * _C + g16, 16)] = (h >> 1) + soff
                    pb[c, pl.ds(g16, 16)] = (h & 1) << 2
                    wb[pl.ds(c * _C + g16, 16)] = ws[0][b0] * ws[1][b1] * ws[2][b2]
                planes = (
                    (a0, a1, _TXY - 1, oxy, ws[0], ws[1], 8),
                    (a0, a2d, _TXZ - 1, oxz, ws[0], ws[2], 12),
                    (ay, a2d, _TXZ - 1, oyz, ws[1], ws[2], 16),
                )
                for A, B, mask, off, wA, wB, u0 in planes:
                    for c in range(4):
                        ba = c & 1
                        bb = (c >> 1) & 1
                        u = u0 + c
                        h = (A[ba] ^ B[bb]) & mask
                        idxd[pl.ds((u - 8) * _C + g16, 16)] = (h >> 1) + off
                        pb[u, pl.ds(g16, 16)] = (h & 1) << 2
                        wb[pl.ds(u * _C + g16, 16)] = wA[ba] * wB[bb]
                return c3

            lax.fori_loop(0, _G, grp, 0)

            descs = [
                pltpu.make_async_copy(st.at[idxs], rows_s, sem),
                pltpu.make_async_copy(dyn.at[idxd], rows_d, sem),
            ]
            for dsc in descs:
                dsc.start()
            for dsc in descs:
                dsc.wait()

            def grp2(g, c3):
                g16 = g * 16
                pidx = lane + g16
                obase = lane32 + (g * 512 + 4 * l)
                accs = [jnp.zeros((16,), jnp.float32) for _ in range(4)]
                accp = [[jnp.zeros((16,), jnp.float32) for _ in range(4)]
                        for _ in range(3)]
                for u in range(_NU):
                    wc = wb[pl.ds(u * _C + g16, 16)]
                    pv = pb[u, pl.ds(g16, 16)]
                    if u < 8:
                        tgt, rbuf, ridx = accs, rows_s, pidx + u * _C
                    else:
                        tgt = accp[(u - 8) // 4]
                        rbuf, ridx = rows_d, pidx + (u - 8) * _C
                    for f in range(4):
                        val = plsc.load_gather(rbuf, [ridx, pv + f])
                        tgt[f] = tgt[f] + wc * val
                for f in range(4):
                    plsc.store_scatter(osb, [obase + f], accs[f])
                    plsc.store_scatter(odb, [obase + f],
                                       accp[0][f] * accp[1][f] * accp[2][f])
                return c3

            lax.fori_loop(0, _G, grp2, 0)
            return carry2

        lax.fori_loop(0, _NL, level_body, 0)
        pltpu.sync_copy(osb, out_s.at[pl.ds((base + co) * 32, _C * 32)])
        pltpu.sync_copy(odb, out_d.at[pl.ds((base + co) * 32, _C * 32)])
        return carry

    lax.fori_loop(0, _NCH, chunk_body, 0)


@jax.jit
def _hash_grid4d(x, t, static_table, dyn_xy, dyn_xz, dyn_yz):
    n = x.shape[0]
    tf = t.astype(jnp.float32)
    ti = tf * (_TIME_RES - 1)
    t0 = jnp.floor(ti)
    i1 = t0.astype(jnp.int32)
    i2 = jnp.ceil(ti).astype(jnp.int32)
    wt = (ti - t0).reshape(1, 1)

    def _slices(i):
        return jnp.concatenate([
            jnp.take(dyn_xy, i, axis=0).reshape(-1, 4),
            jnp.take(dyn_xz, i, axis=0).reshape(-1, 4),
            jnp.take(dyn_yz, i, axis=0).reshape(-1, 4),
        ], axis=0).reshape(-1, 128)

    dyneff = _lerp(_slices(i1), _slices(i2), wt).reshape(_NDYN // 2, 8)
    xT = x.T.reshape(-1)
    st = static_table.reshape(-1, 8)
    resc = jnp.asarray(np.repeat(np.asarray(_RES, np.float32), 16))

    mesh = plsc.VectorSubcoreMesh(
        core_axis_name="c", subcore_axis_name="s",
        num_cores=2, num_subcores=16)
    fs, fd = pl.kernel(
        _sc_body,
        out_type=[
            jax.ShapeDtypeStruct((_N * 32,), jnp.float32),
            jax.ShapeDtypeStruct((_N * 32,), jnp.float32),
        ],
        mesh=mesh,
        scratch_types=[
            pltpu.VMEM((3 * _PT,), jnp.float32),
            pltpu.VMEM((_NL * 16,), jnp.float32),
            pltpu.VMEM((8 * _C,), jnp.int32),
            pltpu.VMEM((12 * _C,), jnp.int32),
            pltpu.VMEM((_NU, _C), jnp.int32),
            pltpu.VMEM((_NU * _C,), jnp.float32),
            pltpu.VMEM((8 * _C, 8), jnp.float32),
            pltpu.VMEM((12 * _C, 8), jnp.float32),
            pltpu.VMEM((_C * 32,), jnp.float32),
            pltpu.VMEM((_C * 32,), jnp.float32),
            pltpu.SemaphoreType.DMA,
        ],
        compiler_params=pltpu.CompilerParams(
            needs_layout_passes=False, use_tc_tiling_on_sc=False),
    )(xT, st, dyneff, resc)
    return fs.reshape(n, 32), fd.reshape(n, 32)


def kernel(x, t, static_table, dyn_xy, dyn_xz, dyn_yz):
    return _hash_grid4d(x, t, static_table, dyn_xy, dyn_xz, dyn_yz)

# --- scband reference (transcript-rebuilt; emitter-appended) ---
"""Pipeline reference for scband-hash-grid4-d-22978075034085 (READ-ONLY COPY).

The authoritative reference and input builder live on the scoring server;
editing this copy changes nothing except your own understanding.
"""

import jax, jax.numpy as jnp
import numpy as np

BASE_RES = 512.0
MAX_RES = 32768.0
N_LEVELS = 8
F = 4
TIME_RES = 25
PER_LEVEL_SCALE = float(np.exp2(np.log2(MAX_RES / BASE_RES) / (N_LEVELS - 1)))
PRIMES = (1, 2654435761, 805459861)


def grid_encode(x, table):
    # x: [N, d] in [0,1]; table: [L, T, F] hash table per level
    N, d = x.shape
    L, T, Fd = table.shape
    outs = []
    for l in range(L):
        res = BASE_RES * (PER_LEVEL_SCALE ** l) - 1.0
        pos = x * res + 0.5
        pos0 = jnp.floor(pos)
        w = pos - pos0
        p0 = pos0.astype(jnp.uint32)
        feat = jnp.zeros((N, Fd), dtype=x.dtype)
        for corner in range(2 ** d):
            h = jnp.zeros((N,), dtype=jnp.uint32)
            wc = jnp.ones((N,), dtype=x.dtype)
            for j in range(d):
                bit = (corner >> j) & 1
                cj = p0[:, j] + jnp.uint32(bit)
                h = h ^ (cj * jnp.uint32(PRIMES[j]))
                wc = wc * (w[:, j] if bit else (1.0 - w[:, j]))
            idx = (h % jnp.uint32(T)).astype(jnp.int32)
            feat = feat + wc[:, None] * table[l, idx]
        outs.append(feat)
    return jnp.concatenate(outs, axis=-1)


def hash_grid_t(x2, table4, t):
    # table4: [TIME_RES, L, T, F]; linear interpolation over time slices
    idx = t * (TIME_RES - 1)
    i1 = jnp.floor(idx).astype(jnp.int32)
    i2 = jnp.ceil(idx).astype(jnp.int32)
    w = idx - jnp.floor(idx)
    f1 = grid_encode(x2, jnp.take(table4, i1, axis=0))
    f2 = grid_encode(x2, jnp.take(table4, i2, axis=0))
    # when i1 == i2, w == 0 and this reduces to f1, matching the torch branch
    return (1.0 - w) * f1 + w * f2


def setup_inputs(seed: int = 0):
    key = jax.random.key(seed)
    k = jax.random.split(key, 6)
    N = 262144
    x = jax.random.uniform(k[0], (N, 3), dtype=jnp.float32)
    t = jax.random.uniform(k[1], (), dtype=jnp.float32)
    scale = 1e-2
    static_table = jax.random.normal(k[2], (N_LEVELS, 2 ** 19, F), dtype=jnp.float32) * scale
    dyn_xy = jax.random.normal(k[3], (TIME_RES, N_LEVELS, 2 ** 14, F), dtype=jnp.float32) * scale
    dyn_xz = jax.random.normal(k[4], (TIME_RES, N_LEVELS, 2 ** 12, F), dtype=jnp.float32) * scale
    dyn_yz = jax.random.normal(k[5], (TIME_RES, N_LEVELS, 2 ** 12, F), dtype=jnp.float32) * scale
    return {"x": x, "t": t, "static_table": static_table, "dyn_xy": dyn_xy, "dyn_xz": dyn_xz, "dyn_yz": dyn_yz}


def reference(x, t, static_table, dyn_xy, dyn_xz, dyn_yz):
    feat_static = grid_encode(x, static_table)
    xy = x[:, jnp.array([0, 1])]
    xz = x[:, jnp.array([0, 2])]
    yz = x[:, jnp.array([1, 2])]
    f_xy = hash_grid_t(xy, dyn_xy, t)
    f_xz = hash_grid_t(xz, dyn_xz, t)
    f_yz = hash_grid_t(yz, dyn_yz, t)
    feat_dynamic = f_xy * f_xz * f_yz
    return (feat_static, feat_dynamic)

if __name__ == "__main__":
    import jax
    _d = setup_inputs()
    print(jax.jit(kernel)(*tuple(_d.values())))

</pallas_src>

<mosaic_0001>
#map = affine_map<(d0, d1) -> (0)>
#map1 = affine_map<(d0, d1) -> (0, 0)>
module attributes {stable_mosaic.version = 14 : i64} {
  func.func @_sc_body(%arg0: i32, %arg1: i32, %arg2: memref<786432xf32, #tpu.memory_space<hbm>>, %arg3: memref<2097152x8xf32, #tpu.memory_space<hbm>>, %arg4: memref<98304x8xf32, #tpu.memory_space<hbm>>, %arg5: memref<128xf32, #tpu.memory_space<hbm>>, %arg6: memref<8388608xf32, #tpu.memory_space<hbm>>, %arg7: memref<8388608xf32, #tpu.memory_space<hbm>>, %arg8: memref<24576xf32, #tpu.memory_space<vmem>>, %arg9: memref<128xf32, #tpu.memory_space<vmem>>, %arg10: memref<1024xi32, #tpu.memory_space<vmem>>, %arg11: memref<1536xi32, #tpu.memory_space<vmem>>, %arg12: memref<20x128xi32, #tpu.memory_space<vmem>>, %arg13: memref<2560xf32, #tpu.memory_space<vmem>>, %arg14: memref<1024x8xf32, #tpu.memory_space<vmem>>, %arg15: memref<1536x8xf32, #tpu.memory_space<vmem>>, %arg16: memref<4096xf32, #tpu.memory_space<vmem>>, %arg17: memref<4096xf32, #tpu.memory_space<vmem>>, %arg18: memref<!tpu.dma_semaphore, #tpu.memory_space<semaphore_mem>>) attributes {dimension_semantics = [#tpu.dimension_semantics<core_parallel>, #tpu.dimension_semantics<subcore_parallel>], iteration_bounds = array<i64: 2, 16>, scalar_prefetch = 0 : i64, scratch_operands = 11 : i64, tpu.core_type = #tpu.core_type<sc_vector_subcore>, window_params = [{transform_indices = #map}, {transform_indices = #map1}, {transform_indices = #map1}, {transform_indices = #map}, {transform_indices = #map}, {transform_indices = #map}]} {
    %mul3A = arith.constant 2 : i32
    %mul3A_0 = arith.muli %arg1, %mul3A : i32
    %add3A = arith.addi %mul3A_0, %arg0 : i32
    %mul3A_1 = arith.constant 8192 : i32
    %mul3A_2 = arith.muli %add3A, %mul3A_1 : i32
    %add3A_3 = arith.constant 0 : i32
    %add3A_4 = arith.addi %add3A_3, %mul3A_2 : i32
    "tpu.region"() ({
      %run_scoped3A = tpu.sem_alloc : memref<!tpu.dma_semaphore, #tpu.memory_space<semaphore_mem>>
      %dma_start3A = arith.constant 0 : i32
      %dma_start3A_20 = tpu.memref_slice %arg8[%dma_start3A] : memref<24576xf32, #tpu.memory_space<vmem>> -> memref<8192xf32, #tpu.memory_space<vmem>>
      %dma_start3A_21 = tpu.memref_slice %arg2[%add3A_4] : memref<786432xf32, #tpu.memory_space<hbm>> -> memref<8192xf32, #tpu.memory_space<hbm>>
      %dma_start3A_22 = arith.constant 0 : i32
      %dma_start3A_23 = tpu.memref_slice %arg8[%dma_start3A_22] : memref<24576xf32, #tpu.memory_space<vmem>> -> memref<8192xf32, #tpu.memory_space<vmem>>
      %dma_start3A_24 = tpu.memref_slice %arg2[%add3A_4] : memref<786432xf32, #tpu.memory_space<hbm>> -> memref<8192xf32, #tpu.memory_space<hbm>>
      tpu.enqueue_dma source(%dma_start3A_24 : memref<8192xf32, #tpu.memory_space<hbm>>) target(%dma_start3A_23 : memref<8192xf32, #tpu.memory_space<vmem>>) target_semaphore(%run_scoped3A : memref<!tpu.dma_semaphore, #tpu.memory_space<semaphore_mem>>)
      %dma_wait3A = arith.constant 0 : i32
      %dma_wait3A_25 = tpu.memref_slice %arg8[%dma_wait3A] : memref<24576xf32, #tpu.memory_space<vmem>> -> memref<8192xf32, #tpu.memory_space<vmem>>
      %dma_wait3A_26 = tpu.memref_slice %arg2[%add3A_4] : memref<786432xf32, #tpu.memory_space<hbm>> -> memref<8192xf32, #tpu.memory_space<hbm>>
      %dma_wait3A_27 = arith.constant 0 : i32
      %dma_wait3A_28 = tpu.memref_slice %arg8[%dma_wait3A_27] : memref<24576xf32, #tpu.memory_space<vmem>> -> memref<8192xf32, #tpu.memory_space<vmem>>
      %dma_wait3A_29 = tpu.memref_slice %arg2[%add3A_4] : memref<786432xf32, #tpu.memory_space<hbm>> -> memref<8192xf32, #tpu.memory_space<hbm>>
      tpu.wait_dma2 semaphore(%run_scoped3A : memref<!tpu.dma_semaphore, #tpu.memory_space<semaphore_mem>>) src(%dma_wait3A_29 : memref<8192xf32, #tpu.memory_space<hbm>>) dst(%dma_wait3A_28 : memref<8192xf32, #tpu.memory_space<vmem>>)
      tpu.yield
    }) : () -> ()
    %add3A_5 = arith.constant 262144 : i32
    %add3A_6 = arith.addi %add3A_5, %mul3A_2 : i32
    "tpu.region"() ({
      %run_scoped3A = tpu.sem_alloc : memref<!tpu.dma_semaphore, #tpu.memory_space<semaphore_mem>>
      %dma_start3A = arith.constant 8192 : i32
      %dma_start3A_20 = tpu.memref_slice %arg8[%dma_start3A] : memref<24576xf32, #tpu.memory_space<vmem>> -> memref<8192xf32, #tpu.memory_space<vmem>>
      %dma_start3A_21 = tpu.memref_slice %arg2[%add3A_6] : memref<786432xf32, #tpu.memory_space<hbm>> -> memref<8192xf32, #tpu.memory_space<hbm>>
      %dma_start3A_22 = arith.constant 8192 : i32
      %dma_start3A_23 = tpu.memref_slice %arg8[%dma_start3A_22] : memref<24576xf32, #tpu.memory_space<vmem>> -> memref<8192xf32, #tpu.memory_space<vmem>>
      %dma_start3A_24 = tpu.memref_slice %arg2[%add3A_6] : memref<786432xf32, #tpu.memory_space<hbm>> -> memref<8192xf32, #tpu.memory_space<hbm>>
      tpu.enqueue_dma source(%dma_start3A_24 : memref<8192xf32, #tpu.memory_space<hbm>>) target(%dma_start3A_23 : memref<8192xf32, #tpu.memory_space<vmem>>) target_semaphore(%run_scoped3A : memref<!tpu.dma_semaphore, #tpu.memory_space<semaphore_mem>>)
      %dma_wait3A = arith.constant 8192 : i32
      %dma_wait3A_25 = tpu.memref_slice %arg8[%dma_wait3A] : memref<24576xf32, #tpu.memory_space<vmem>> -> memref<8192xf32, #tpu.memory_space<vmem>>
      %dma_wait3A_26 = tpu.memref_slice %arg2[%add3A_6] : memref<786432xf32, #tpu.memory_space<hbm>> -> memref<8192xf32, #tpu.memory_space<hbm>>
      %dma_wait3A_27 = arith.constant 8192 : i32
      %dma_wait3A_28 = tpu.memref_slice %arg8[%dma_wait3A_27] : memref<24576xf32, #tpu.memory_space<vmem>> -> memref<8192xf32, #tpu.memory_space<vmem>>
      %dma_wait3A_29 = tpu.memref_slice %arg2[%add3A_6] : memref<786432xf32, #tpu.memory_space<hbm>> -> memref<8192xf32, #tpu.memory_space<hbm>>
      tpu.wait_dma2 semaphore(%run_scoped3A : memref<!tpu.dma_semaphore, #tpu.memory_space<semaphore_mem>>) src(%dma_wait3A_29 : memref<8192xf32, #tpu.memory_space<hbm>>) dst(%dma_wait3A_28 : memref<8192xf32, #tpu.memory_space<vmem>>)
      tpu.yield
    }) : () -> ()
    %add3A_7 = arith.constant 524288 : i32
    %add3A_8 = arith.addi %add3A_7, %mul3A_2 : i32
    "tpu.region"() ({
      %run_scoped3A = tpu.sem_alloc : memref<!tpu.dma_semaphore, #tpu.memory_space<semaphore_mem>>
      %dma_start3A = arith.constant 16384 : i32
      %dma_start3A_20 = tpu.memref_slice %arg8[%dma_start3A] : memref<24576xf32, #tpu.memory_space<vmem>> -> memref<8192xf32, #tpu.memory_space<vmem>>
      %dma_start3A_21 = tpu.memref_slice %arg2[%add3A_8] : memref<786432xf32, #tpu.memory_space<hbm>> -> memref<8192xf32, #tpu.memory_space<hbm>>
      %dma_start3A_22 = arith.constant 16384 : i32
      %dma_start3A_23 = tpu.memref_slice %arg8[%dma_start3A_22] : memref<24576xf32, #tpu.memory_space<vmem>> -> memref<8192xf32, #tpu.memory_space<vmem>>
      %dma_start3A_24 = tpu.memref_slice %arg2[%add3A_8] : memref<786432xf32, #tpu.memory_space<hbm>> -> memref<8192xf32, #tpu.memory_space<hbm>>
      tpu.enqueue_dma source(%dma_start3A_24 : memref<8192xf32, #tpu.memory_space<hbm>>) target(%dma_start3A_23 : memref<8192xf32, #tpu.memory_space<vmem>>) target_semaphore(%run_scoped3A : memref<!tpu.dma_semaphore, #tpu.memory_space<semaphore_mem>>)
      %dma_wait3A = arith.constant 16384 : i32
      %dma_wait3A_25 = tpu.memref_slice %arg8[%dma_wait3A] : memref<24576xf32, #tpu.memory_space<vmem>> -> memref<8192xf32, #tpu.memory_space<vmem>>
      %dma_wait3A_26 = tpu.memref_slice %arg2[%add3A_8] : memref<786432xf32, #tpu.memory_space<hbm>> -> memref<8192xf32, #tpu.memory_space<hbm>>
      %dma_wait3A_27 = arith.constant 16384 : i32
      %dma_wait3A_28 = tpu.memref_slice %arg8[%dma_wait3A_27] : memref<24576xf32, #tpu.memory_space<vmem>> -> memref<8192xf32, #tpu.memory_space<vmem>>
      %dma_wait3A_29 = tpu.memref_slice %arg2[%add3A_8] : memref<786432xf32, #tpu.memory_space<hbm>> -> memref<8192xf32, #tpu.memory_space<hbm>>
      tpu.wait_dma2 semaphore(%run_scoped3A : memref<!tpu.dma_semaphore, #tpu.memory_space<semaphore_mem>>) src(%dma_wait3A_29 : memref<8192xf32, #tpu.memory_space<hbm>>) dst(%dma_wait3A_28 : memref<8192xf32, #tpu.memory_space<vmem>>)
      tpu.yield
    }) : () -> ()
    "tpu.region"() ({
      %run_scoped3A = tpu.sem_alloc : memref<!tpu.dma_semaphore, #tpu.memory_space<semaphore_mem>>
      tpu.enqueue_dma source(%arg5 : memref<128xf32, #tpu.memory_space<hbm>>) target(%arg9 : memref<128xf32, #tpu.memory_space<vmem>>) target_semaphore(%run_scoped3A : memref<!tpu.dma_semaphore, #tpu.memory_space<semaphore_mem>>)
      tpu.wait_dma2 semaphore(%run_scoped3A : memref<!tpu.dma_semaphore, #tpu.memory_space<semaphore_mem>>) src(%arg5 : memref<128xf32, #tpu.memory_space<hbm>>) dst(%arg9 : memref<128xf32, #tpu.memory_space<vmem>>)
      tpu.yield
    }) : () -> ()
    %iota3A = tpu.iota {dimensions = array<i32: 0>} : vector<16xi32>
    %mul3A_9 = arith.constant 32 : i32
    %mul3A_10 = vector.broadcast %mul3A_9 : i32 to vector<16xi32>
    %mul3A_11 = arith.muli %iota3A, %mul3A_10 : vector<16xi32>
    %broadcast_in_dim3A = arith.constant 5.000000e-01 : f32
    %broadcast_in_dim3A_12 = vector.broadcast %broadcast_in_dim3A : f32 to vector<16xf32>
    %broadcast_in_dim3A_13 = arith.constant 1.000000e+00 : f32
    %broadcast_in_dim3A_14 = vector.broadcast %broadcast_in_dim3A_13 : f32 to vector<16xf32>
    %scan3A = arith.constant 0 : i32
    %scan3A_15 = arith.constant 0 : i32
    %scan3A_16 = arith.constant 64 : i32
    %scan3A_17 = arith.addi %scan3A_15, %scan3A_16 : i32
    %scan3A_18 = arith.constant 1 : i32
    scf.for %scan3A_20 = %scan3A_15 to %scan3A_17 step %scan3A_18  : i32 {
      %mul3A_21 = arith.constant 128 : i32
      %mul3A_22 = arith.muli %scan3A_20, %mul3A_21 : i32
      %scan3A_23 = arith.constant 0 : i32
      %scan3A_24 = arith.constant 0 : i32
      %scan3A_25 = arith.constant 8 : i32
      %scan3A_26 = arith.addi %scan3A_24, %scan3A_25 : i32
      %scan3A_27 = arith.constant 1 : i32
      scf.for %scan3A_35 = %scan3A_24 to %scan3A_26 step %scan3A_27  : i32 {
        %mul3A_36 = arith.constant 16 : i32
        %mul3A_37 = arith.muli %scan3A_35, %mul3A_36 : i32
        %get3A = arith.index_cast %mul3A_37 : i32 to index
        %get3A_38 = tpu.vector_load %arg9[%get3A] {strides = array<i32>} : memref<128xf32, #tpu.memory_space<vmem>>, vector<16xf32>,
        %mul3A_39 = arith.constant 262144 : i32
        %mul3A_40 = arith.muli %scan3A_35, %mul3A_39 : i32
        %mul3A_41 = arith.constant 8192 : i32
        %mul3A_42 = arith.muli %scan3A_35, %mul3A_41 : i32
        %mul3A_43 = arith.constant 4096 : i32
        %mul3A_44 = arith.muli %scan3A_35, %mul3A_43 : i32
        %add3A_45 = arith.constant 131072 : i32
        %add3A_46 = arith.addi %add3A_45, %mul3A_44 : i32
        %jit3A = arith.constant 2 : i32
        %div3A = arith.divsi %add3A_46, %jit3A : i32
        %sign3A = arith.constant 0 : i32
        %sign3A_47 = arith.cmpi sgt, %add3A_46, %sign3A : i32
        %sign3A_48 = arith.extui %sign3A_47 : i1 to i32
        %sign3A_49 = arith.constant 0 : i32
        %sign3A_50 = arith.cmpi slt, %add3A_46, %sign3A_49 : i32
        %sign3A_51 = arith.extui %sign3A_50 : i1 to i32
        %sign3A_52 = arith.subi %sign3A_48, %sign3A_51 : i32
        %sign3A_53 = arith.constant 0 : i32
        %sign3A_54 = arith.cmpi sgt, %jit3A, %sign3A_53 : i32
        %sign3A_55 = arith.extui %sign3A_54 : i1 to i32
        %sign3A_56 = arith.constant 0 : i32
        %sign3A_57 = arith.cmpi slt, %jit3A, %sign3A_56 : i32
        %sign3A_58 = arith.extui %sign3A_57 : i1 to i32
        %sign3A_59 = arith.subi %sign3A_55, %sign3A_58 : i32
        %ne3A = arith.cmpi ne, %sign3A_52, %sign3A_59 : i32
        %rem3A = arith.remsi %add3A_46, %jit3A : i32
        %ne3A_60 = arith.constant 0 : i32
        %ne3A_61 = arith.cmpi ne, %rem3A, %ne3A_60 : i32
        %and3A = arith.andi %ne3A, %ne3A_61 : i1
        %sub3A = arith.constant 1 : i32
        %sub3A_62 = arith.subi %div3A, %sub3A : i32
        %select_n3A = arith.select %and3A, %sub3A_62, %div3A : i32
        %mul3A_63 = arith.constant 4096 : i32
        %mul3A_64 = arith.muli %scan3A_35, %mul3A_63 : i32
        %add3A_65 = arith.constant 163840 : i32
        %add3A_66 = arith.addi %add3A_65, %mul3A_64 : i32
        %jit3A_67 = arith.constant 2 : i32
        %div3A_68 = arith.divsi %add3A_66, %jit3A_67 : i32
        %sign3A_69 = arith.constant 0 : i32
        %sign3A_70 = arith.cmpi sgt, %add3A_66, %sign3A_69 : i32
        %sign3A_71 = arith.extui %sign3A_70 : i1 to i32
        %sign3A_72 = arith.constant 0 : i32
        %sign3A_73 = arith.cmpi slt, %add3A_66, %sign3A_72 : i32
        %sign3A_74 = arith.extui %sign3A_73 : i1 to i32
        %sign3A_75 = arith.subi %sign3A_71, %sign3A_74 : i32
        %sign3A_76 = arith.constant 0 : i32
        %sign3A_77 = arith.cmpi sgt, %jit3A_67, %sign3A_76 : i32
        %sign3A_78 = arith.extui %sign3A_77 : i1 to i32
        %sign3A_79 = arith.constant 0 : i32
        %sign3A_80 = arith.cmpi slt, %jit3A_67, %sign3A_79 : i32
        %sign3A_81 = arith.extui %sign3A_80 : i1 to i32
        %sign3A_82 = arith.subi %sign3A_78, %sign3A_81 : i32
        %ne3A_83 = arith.cmpi ne, %sign3A_75, %sign3A_82 : i32
        %rem3A_84 = arith.remsi %add3A_66, %jit3A_67 : i32
        %ne3A_85 = arith.constant 0 : i32
        %ne3A_86 = arith.cmpi ne, %rem3A_84, %ne3A_85 : i32
        %and3A_87 = arith.andi %ne3A_83, %ne3A_86 : i1
        %sub3A_88 = arith.constant 1 : i32
        %sub3A_89 = arith.subi %div3A_68, %sub3A_88 : i32
        %select_n3A_90 = arith.select %and3A_87, %sub3A_89, %div3A_68 : i32
        %scan3A_91 = arith.constant 0 : i32
        %scan3A_92 = arith.constant 0 : i32
        %scan3A_93 = arith.constant 8 : i32
        %scan3A_94 = arith.addi %scan3A_92, %scan3A_93 : i32
        %scan3A_95 = arith.constant 1 : i32
        scf.for %scan3A_113 = %scan3A_92 to %scan3A_94 step %scan3A_95  : i32 {
          %mul3A_114 = arith.constant 16 : i32
          %mul3A_115 = arith.muli %scan3A_113, %mul3A_114 : i32
          %add3A_116 = arith.addi %mul3A_22, %mul3A_115 : i32
          %get3A_117 = arith.index_cast %add3A_116 : i32 to index
          %get3A_118 = tpu.vector_load %arg8[%get3A_117] {strides = array<i32>} : memref<24576xf32, #tpu.memory_space<vmem>>, vector<16xf32>,
          %add3A_119 = arith.constant 8192 : i32
          %add3A_120 = arith.addi %add3A_119, %add3A_116 : i32
          %get3A_121 = arith.index_cast %add3A_120 : i32 to index
          %get3A_122 = tpu.vector_load %arg8[%get3A_121] {strides = array<i32>} : memref<24576xf32, #tpu.memory_space<vmem>>, vector<16xf32>,
          %add3A_123 = arith.constant 16384 : i32
          %add3A_124 = arith.addi %add3A_123, %add3A_116 : i32
          %get3A_125 = arith.index_cast %add3A_124 : i32 to index
          %get3A_126 = tpu.vector_load %arg8[%get3A_125] {strides = array<i32>} : memref<24576xf32, #tpu.memory_space<vmem>>, vector<16xf32>,
          %mul3A_127 = arith.mulf %get3A_118, %get3A_38 : vector<16xf32>
          %add3A_128 = arith.addf %mul3A_127, %broadcast_in_dim3A_12 : vector<16xf32>
          %mul3A_129 = arith.mulf %get3A_122, %get3A_38 : vector<16xf32>
          %add3A_130 = arith.addf %mul3A_129, %broadcast_in_dim3A_12 : vector<16xf32>
          %mul3A_131 = arith.mulf %get3A_126, %get3A_38 : vector<16xf32>
          %add3A_132 = arith.addf %mul3A_131, %broadcast_in_dim3A_12 : vector<16xf32>
          %convert_element_type3A = arith.fptosi %add3A_128 : vector<16xf32> to vector<16xi32>
          %convert_element_type3A_133 = arith.fptosi %add3A_130 : vector<16xf32> to vector<16xi32>
          %convert_element_type3A_134 = arith.fptosi %add3A_132 : vector<16xf32> to vector<16xi32>
          %convert_element_type3A_135 = arith.sitofp %convert_element_type3A : vector<16xi32> to vector<16xf32>
          %sub3A_136 = arith.subf %add3A_128, %convert_element_type3A_135 : vector<16xf32>
          %convert_element_type3A_137 = arith.sitofp %convert_element_type3A_133 : vector<16xi32> to vector<16xf32>
          %sub3A_138 = arith.subf %add3A_130, %convert_element_type3A_137 : vector<16xf32>
          %convert_element_type3A_139 = arith.sitofp %convert_element_type3A_134 : vector<16xi32> to vector<16xf32>
          %sub3A_140 = arith.subf %add3A_132, %convert_element_type3A_139 : vector<16xf32>
          %mul3A_141 = arith.constant -1640531535 : i32
          %mul3A_142 = vector.broadcast %mul3A_141 : i32 to vector<16xi32>
          %mul3A_143 = arith.muli %convert_element_type3A_133, %mul3A_142 : vector<16xi32>
          %mul3A_144 = arith.constant 805459861 : i32
          %mul3A_145 = vector.broadcast %mul3A_144 : i32 to vector<16xi32>
          %mul3A_146 = arith.muli %convert_element_type3A_134, %mul3A_145 : vector<16xi32>
          %mul3A_147 = arith.constant -1640531535 : i32
          %mul3A_148 = vector.broadcast %mul3A_147 : i32 to vector<16xi32>
          %mul3A_149 = arith.muli %convert_element_type3A_134, %mul3A_148 : vector<16xi32>
          %add3A_150 = arith.constant 1 : i32
          %add3A_151 = vector.broadcast %add3A_150 : i32 to vector<16xi32>
          %add3A_152 = arith.addi %convert_element_type3A, %add3A_151 : vector<16xi32>
          %add3A_153 = arith.constant -1640531535 : i32
          %add3A_154 = vector.broadcast %add3A_153 : i32 to vector<16xi32>
          %add3A_155 = arith.addi %mul3A_143, %add3A_154 : vector<16xi32>
          %add3A_156 = arith.constant 805459861 : i32
          %add3A_157 = vector.broadcast %add3A_156 : i32 to vector<16xi32>
          %add3A_158 = arith.addi %mul3A_146, %add3A_157 : vector<16xi32>
          %add3A_159 = arith.constant -1640531535 : i32
          %add3A_160 = vector.broadcast %add3A_159 : i32 to vector<16xi32>
          %add3A_161 = arith.addi %mul3A_149, %add3A_160 : vector<16xi32>
          %add3A_162 = arith.constant 1 : i32
          %add3A_163 = vector.broadcast %add3A_162 : i32 to vector<16xi32>
          %add3A_164 = arith.addi %convert_element_type3A_133, %add3A_163 : vector<16xi32>
          %sub3A_165 = arith.subf %broadcast_in_dim3A_14, %sub3A_136 : vector<16xf32>
          %sub3A_166 = arith.subf %broadcast_in_dim3A_14, %sub3A_138 : vector<16xf32>
          %sub3A_167 = arith.subf %broadcast_in_dim3A_14, %sub3A_140 : vector<16xf32>
          %xor3A = arith.xori %convert_element_type3A, %mul3A_143 : vector<16xi32>
          %xor3A_168 = arith.xori %xor3A, %mul3A_146 : vector<16xi32>
          %and3A_169 = arith.constant 524287 : i32
          %and3A_170 = vector.broadcast %and3A_169 : i32 to vector<16xi32>
          %and3A_171 = arith.andi %xor3A_168, %and3A_170 : vector<16xi32>
          %shift_right_arithmetic3A = arith.constant 1 : i32
          %shift_right_arithmetic3A_172 = vector.broadcast %shift_right_arithmetic3A : i32 to vector<16xi32>
          %shift_right_arithmetic3A_173 = arith.shrsi %and3A_171, %shift_right_arithmetic3A_172 : vector<16xi32>
          %add3A_174 = vector.broadcast %mul3A_40 : i32 to vector<16xi32>
          %add3A_175 = arith.addi %shift_right_arithmetic3A_173, %add3A_174 : vector<16xi32>
          %add3A_176 = arith.constant 0 : i32
          %add3A_177 = arith.addi %add3A_176, %mul3A_115 : i32
          %swap3A = arith.index_cast %add3A_177 : i32 to index
          %swap3A_178 = tpu.vector_load %arg10[%swap3A] {strides = array<i32>} : memref<1024xi32, #tpu.memory_space<vmem>>, vector<16xi32>,
          tpu.vector_store %arg10[%swap3A], %add3A_175 {strides = array<i32>} : memref<1024xi32, #tpu.memory_space<vmem>>, vector<16xi32>,
          %and3A_179 = arith.constant 1 : i32
          %and3A_180 = vector.broadcast %and3A_179 : i32 to vector<16xi32>
          %and3A_181 = arith.andi %and3A_171, %and3A_180 : vector<16xi32>
          %shift_left3A = arith.constant 2 : i32
          %shift_left3A_182 = vector.broadcast %shift_left3A : i32 to vector<16xi32>
          %shift_left3A_183 = arith.shli %and3A_181, %shift_left3A_182 : vector<16xi32>
          %swap3A_184 = arith.constant 0 : i32
          %swap3A_185 = arith.index_cast %swap3A_184 : i32 to index
          %swap3A_186 = arith.index_cast %mul3A_115 : i32 to index
          %swap3A_187 = tpu.vector_load %arg12[%swap3A_185, %swap3A_186] {strides = array<i32>} : memref<20x128xi32, #tpu.memory_space<vmem>>, vector<16xi32>,
          tpu.vector_store %arg12[%swap3A_185, %swap3A_186], %shift_left3A_183 {strides = array<i32>} : memref<20x128xi32, #tpu.memory_space<vmem>>, vector<16xi32>,
          %mul3A_188 = arith.mulf %sub3A_165, %sub3A_166 : vector<16xf32>
          %mul3A_189 = arith.mulf %mul3A_188, %sub3A_167 : vector<16xf32>
          %add3A_190 = arith.constant 0 : i32
          %add3A_191 = arith.addi %add3A_190, %mul3A_115 : i32
          %swap3A_192 = arith.index_cast %add3A_191 : i32 to index
          %swap3A_193 = tpu.vector_load %arg13[%swap3A_192] {strides = array<i32>} : memref<2560xf32, #tpu.memory_space<vmem>>, vector<16xf32>,
          tpu.vector_store %arg13[%swap3A_192], %mul3A_189 {strides = array<i32>} : memref<2560xf32, #tpu.memory_space<vmem>>, vector<16xf32>,
          %xor3A_194 = arith.xori %add3A_152, %mul3A_143 : vector<16xi32>
          %xor3A_195 = arith.xori %xor3A_194, %mul3A_146 : vector<16xi32>
          %and3A_196 = arith.constant 524287 : i32
          %and3A_197 = vector.broadcast %and3A_196 : i32 to vector<16xi32>
          %and3A_198 = arith.andi %xor3A_195, %and3A_197 : vector<16xi32>
          %shift_right_arithmetic3A_199 = arith.constant 1 : i32
          %shift_right_arithmetic3A_200 = vector.broadcast %shift_right_arithmetic3A_199 : i32 to vector<16xi32>
          %shift_right_arithmetic3A_201 = arith.shrsi %and3A_198, %shift_right_arithmetic3A_200 : vector<16xi32>
          %add3A_202 = vector.broadcast %mul3A_40 : i32 to vector<16xi32>
          %add3A_203 = arith.addi %shift_right_arithmetic3A_201, %add3A_202 : vector<16xi32>
          %add3A_204 = arith.constant 128 : i32
          %add3A_205 = arith.addi %add3A_204, %mul3A_115 : i32
          %swap3A_206 = arith.index_cast %add3A_205 : i32 to index
          %swap3A_207 = tpu.vector_load %arg10[%swap3A_206] {strides = array<i32>} : memref<1024xi32, #tpu.memory_space<vmem>>, vector<16xi32>,
          tpu.vector_store %arg10[%swap3A_206], %add3A_203 {strides = array<i32>} : memref<1024xi32, #tpu.memory_space<vmem>>, vector<16xi32>,
          %and3A_208 = arith.constant 1 : i32
          %and3A_209 = vector.broadcast %and3A_208 : i32 to vector<16xi32>
          %and3A_210 = arith.andi %and3A_198, %and3A_209 : vector<16xi32>
          %shift_left3A_211 = arith.constant 2 : i32
          %shift_left3A_212 = vector.broadcast %shift_left3A_211 : i32 to vector<16xi32>
          %shift_left3A_213 = arith.shli %and3A_210, %shift_left3A_212 : vector<16xi32>
          %swap3A_214 = arith.constant 1 : i32
          %swap3A_215 = arith.index_cast %swap3A_214 : i32 to index
          %swap3A_216 = arith.index_cast %mul3A_115 : i32 to index
          %swap3A_217 = tpu.vector_load %arg12[%swap3A_215, %swap3A_216] {strides = array<i32>} : memref<20x128xi32, #tpu.memory_space<vmem>>, vector<16xi32>,
          tpu.vector_store %arg12[%swap3A_215, %swap3A_216], %shift_left3A_213 {strides = array<i32>} : memref<20x128xi32, #tpu.memory_space<vmem>>, vector<16xi32>,
          %mul3A_218 = arith.mulf %sub3A_136, %sub3A_166 : vector<16xf32>
          %mul3A_219 = arith.mulf %mul3A_218, %sub3A_167 : vector<16xf32>
          %add3A_220 = arith.constant 128 : i32
          %add3A_221 = arith.addi %add3A_220, %mul3A_115 : i32
          %swap3A_222 = arith.index_cast %add3A_221 : i32 to index
          %swap3A_223 = tpu.vector_load %arg13[%swap3A_222] {strides = array<i32>} : memref<2560xf32, #tpu.memory_space<vmem>>, vector<16xf32>,
          tpu.vector_store %arg13[%swap3A_222], %mul3A_219 {strides = array<i32>} : memref<2560xf32, #tpu.memory_space<vmem>>, vector<16xf32>,
          %xor3A_224 = arith.xori %convert_element_type3A, %add3A_155 : vector<16xi32>
          %xor3A_225 = arith.xori %xor3A_224, %mul3A_146 : vector<16xi32>
          %and3A_226 = arith.constant 524287 : i32
          %and3A_227 = vector.broadcast %and3A_226 : i32 to vector<16xi32>
          %and3A_228 = arith.andi %xor3A_225, %and3A_227 : vector<16xi32>
          %shift_right_arithmetic3A_229 = arith.constant 1 : i32
          %shift_right_arithmetic3A_230 = vector.broadcast %shift_right_arithmetic3A_229 : i32 to vector<16xi32>
          %shift_right_arithmetic3A_231 = arith.shrsi %and3A_228, %shift_right_arithmetic3A_230 : vector<16xi32>
          %add3A_232 = vector.broadcast %mul3A_40 : i32 to vector<16xi32>
          %add3A_233 = arith.addi %shift_right_arithmetic3A_231, %add3A_232 : vector<16xi32>
          %add3A_234 = arith.constant 256 : i32
          %add3A_235 = arith.addi %add3A_234, %mul3A_115 : i32
          %swap3A_236 = arith.index_cast %add3A_235 : i32 to index
          %swap3A_237 = tpu.vector_load %arg10[%swap3A_236] {strides = array<i32>} : memref<1024xi32, #tpu.memory_space<vmem>>, vector<16xi32>,
          tpu.vector_store %arg10[%swap3A_236], %add3A_233 {strides = array<i32>} : memref<1024xi32, #tpu.memory_space<vmem>>, vector<16xi32>,
          %and3A_238 = arith.constant 1 : i32
          %and3A_239 = vector.broadcast %and3A_238 : i32 to vector<16xi32>
          %and3A_240 = arith.andi %and3A_228, %and3A_239 : vector<16xi32>
          %shift_left3A_241 = arith.constant 2 : i32
          %shift_left3A_242 = vector.broadcast %shift_left3A_241 : i32 to vector<16xi32>
          %shift_left3A_243 = arith.shli %and3A_240, %shift_left3A_242 : vector<16xi32>
          %swap3A_244 = arith.constant 2 : i32
          %swap3A_245 = arith.index_cast %swap3A_244 : i32 to index
          %swap3A_246 = arith.index_cast %mul3A_115 : i32 to index
          %swap3A_247 = tpu.vector_load %arg12[%swap3A_245, %swap3A_246] {strides = array<i32>} : memref<20x128xi32, #tpu.memory_space<vmem>>, vector<16xi32>,
          tpu.vector_store %arg12[%swap3A_245, %swap3A_246], %shift_left3A_243 {strides = array<i32>} : memref<20x128xi32, #tpu.memory_space<vmem>>, vector<16xi32>,
          %mul3A_248 = arith.mulf %sub3A_165, %sub3A_138 : vector<16xf32>
          %mul3A_249 = arith.mulf %mul3A_248, %sub3A_167 : vector<16xf32>
          %add3A_250 = arith.constant 256 : i32
          %add3A_251 = arith.addi %add3A_250, %mul3A_115 : i32
          %swap3A_252 = arith.index_cast %add3A_251 : i32 to index
          %swap3A_253 = tpu.vector_load %arg13[%swap3A_252] {strides = array<i32>} : memref<2560xf32, #tpu.memory_space<vmem>>, vector<16xf32>,
          tpu.vector_store %arg13[%swap3A_252], %mul3A_249 {strides = array<i32>} : memref<2560xf32, #tpu.memory_space<vmem>>, vector<16xf32>,
          %xor3A_254 = arith.xori %add3A_152, %add3A_155 : vector<16xi32>
          %xor3A_255 = arith.xori %xor3A_254, %mul3A_146 : vector<16xi32>
          %and3A_256 = arith.constant 524287 : i32
          %and3A_257 = vector.broadcast %and3A_256 : i32 to vector<16xi32>
          %and3A_258 = arith.andi %xor3A_255, %and3A_257 : vector<16xi32>
          %shift_right_arithmetic3A_259 = arith.constant 1 : i32
          %shift_right_arithmetic3A_260 = vector.broadcast %shift_right_arithmetic3A_259 : i32 to vector<16xi32>
          %shift_right_arithmetic3A_261 = arith.shrsi %and3A_258, %shift_right_arithmetic3A_260 : vector<16xi32>
          %add3A_262 = vector.broadcast %mul3A_40 : i32 to vector<16xi32>
          %add3A_263 = arith.addi %shift_right_arithmetic3A_261, %add3A_262 : vector<16xi32>
          %add3A_264 = arith.constant 384 : i32
          %add3A_265 = arith.addi %add3A_264, %mul3A_115 : i32
          %swap3A_266 = arith.index_cast %add3A_265 : i32 to index
          %swap3A_267 = tpu.vector_load %arg10[%swap3A_266] {strides = array<i32>} : memref<1024xi32, #tpu.memory_space<vmem>>, vector<16xi32>,
          tpu.vector_store %arg10[%swap3A_266], %add3A_263 {strides = array<i32>} : memref<1024xi32, #tpu.memory_space<vmem>>, vector<16xi32>,
          %and3A_268 = arith.constant 1 : i32
          %and3A_269 = vector.broadcast %and3A_268 : i32 to vector<16xi32>
          %and3A_270 = arith.andi %and3A_258, %and3A_269 : vector<16xi32>
          %shift_left3A_271 = arith.constant 2 : i32
          %shift_left3A_272 = vector.broadcast %shift_left3A_271 : i32 to vector<16xi32>
          %shift_left3A_273 = arith.shli %and3A_270, %shift_left3A_272 : vector<16xi32>
          %swap3A_274 = arith.constant 3 : i32
          %swap3A_275 = arith.index_cast %swap3A_274 : i32 to index
          %swap3A_276 = arith.index_cast %mul3A_115 : i32 to index
          %swap3A_277 = tpu.vector_load %arg12[%swap3A_275, %swap3A_276] {strides = array<i32>} : memref<20x128xi32, #tpu.memory_space<vmem>>, vector<16xi32>,
          tpu.vector_store %arg12[%swap3A_275, %swap3A_276], %shift_left3A_273 {strides = array<i32>} : memref<20x128xi32, #tpu.memory_space<vmem>>, vector<16xi32>,
          %mul3A_278 = arith.mulf %sub3A_136, %sub3A_138 : vector<16xf32>
          %mul3A_279 = arith.mulf %mul3A_278, %sub3A_167 : vector<16xf32>
          %add3A_280 = arith.constant 384 : i32
          %add3A_281 = arith.addi %add3A_280, %mul3A_115 : i32
          %swap3A_282 = arith.index_cast %add3A_281 : i32 to index
          %swap3A_283 = tpu.vector_load %arg13[%swap3A_282] {strides = array<i32>} : memref<2560xf32, #tpu.memory_space<vmem>>, vector<16xf32>,
          tpu.vector_store %arg13[%swap3A_282], %mul3A_279 {strides = array<i32>} : memref<2560xf32, #tpu.memory_space<vmem>>, vector<16xf32>,
          %xor3A_284 = arith.xori %convert_element_type3A, %mul3A_143 : vector<16xi32>
          %xor3A_285 = arith.xori %xor3A_284, %add3A_158 : vector<16xi32>
          %and3A_286 = arith.constant 524287 : i32
          %and3A_287 = vector.broadcast %and3A_286 : i32 to vector<16xi32>
          %and3A_288 = arith.andi %xor3A_285, %and3A_287 : vector<16xi32>
          %shift_right_arithmetic3A_289 = arith.constant 1 : i32
          %shift_right_arithmetic3A_290 = vector.broadcast %shift_right_arithmetic3A_289 : i32 to vector<16xi32>
          %shift_right_arithmetic3A_291 = arith.shrsi %and3A_288, %shift_right_arithmetic3A_290 : vector<16xi32>
          %add3A_292 = vector.broadcast %mul3A_40 : i32 to vector<16xi32>
          %add3A_293 = arith.addi %shift_right_arithmetic3A_291, %add3A_292 : vector<16xi32>
          %add3A_294 = arith.constant 512 : i32
          %add3A_295 = arith.addi %add3A_294, %mul3A_115 : i32
          %swap3A_296 = arith.index_cast %add3A_295 : i32 to index
          %swap3A_297 = tpu.vector_load %arg10[%swap3A_296] {strides = array<i32>} : memref<1024xi32, #tpu.memory_space<vmem>>, vector<16xi32>,
          tpu.vector_store %arg10[%swap3A_296], %add3A_293 {strides = array<i32>} : memref<1024xi32, #tpu.memory_space<vmem>>, vector<16xi32>,
          %and3A_298 = arith.constant 1 : i32
          %and3A_299 = vector.broadcast %and3A_298 : i32 to vector<16xi32>
          %and3A_300 = arith.andi %and3A_288, %and3A_299 : vector<16xi32>
          %shift_left3A_301 = arith.constant 2 : i32
          %shift_left3A_302 = vector.broadcast %shift_left3A_301 : i32 to vector<16xi32>
          %shift_left3A_303 = arith.shli %and3A_300, %shift_left3A_302 : vector<16xi32>
          %swap3A_304 = arith.constant 4 : i32
          %swap3A_305 = arith.index_cast %swap3A_304 : i32 to index
          %swap3A_306 = arith.index_cast %mul3A_115 : i32 to index
          %swap3A_307 = tpu.vector_load %arg12[%swap3A_305, %swap3A_306] {strides = array<i32>} : memref<20x128xi32, #tpu.memory_space<vmem>>, vector<16xi32>,
          tpu.vector_store %arg12[%swap3A_305, %swap3A_306], %shift_left3A_303 {strides = array<i32>} : memref<20x128xi32, #tpu.memory_space<vmem>>, vector<16xi32>,
          %mul3A_308 = arith.mulf %sub3A_165, %sub3A_166 : vector<16xf32>
          %mul3A_309 = arith.mulf %mul3A_308, %sub3A_140 : vector<16xf32>
          %add3A_310 = arith.constant 512 : i32
          %add3A_311 = arith.addi %add3A_310, %mul3A_115 : i32
          %swap3A_312 = arith.index_cast %add3A_311 : i32 to index
          %swap3A_313 = tpu.vector_load %arg13[%swap3A_312] {strides = array<i32>} : memref<2560xf32, #tpu.memory_space<vmem>>, vector<16xf32>,
          tpu.vector_store %arg13[%swap3A_312], %mul3A_309 {strides = array<i32>} : memref<2560xf32, #tpu.memory_space<vmem>>, vector<16xf32>,
          %xor3A_314 = arith.xori %add3A_152, %mul3A_143 : vector<16xi32>
          %xor3A_315 = arith.xori %xor3A_314, %add3A_158 : vector<16xi32>
          %and3A_316 = arith.constant 524287 : i32
          %and3A_317 = vector.broadcast %and3A_316 : i32 to vector<16xi32>
          %and3A_318 = arith.andi %xor3A_315, %and3A_317 : vector<16xi32>
          %shift_right_arithmetic3A_319 = arith.constant 1 : i32
          %shift_right_arithmetic3A_320 = vector.broadcast %shift_right_arithmetic3A_319 : i32 to vector<16xi32>
          %shift_right_arithmetic3A_321 = arith.shrsi %and3A_318, %shift_right_arithmetic3A_320 : vector<16xi32>
          %add3A_322 = vector.broadcast %mul3A_40 : i32 to vector<16xi32>
          %add3A_323 = arith.addi %shift_right_arithmetic3A_321, %add3A_322 : vector<16xi32>
          %add3A_324 = arith.constant 640 : i32
          %add3A_325 = arith.addi %add3A_324, %mul3A_115 : i32
          %swap3A_326 = arith.index_cast %add3A_325 : i32 to index
          %swap3A_327 = tpu.vector_load %arg10[%swap3A_326] {strides = array<i32>} : memref<1024xi32, #tpu.memory_space<vmem>>, vector<16xi32>,
          tpu.vector_store %arg10[%swap3A_326], %add3A_323 {strides = array<i32>} : memref<1024xi32, #tpu.memory_space<vmem>>, vector<16xi32>,
          %and3A_328 = arith.constant 1 : i32
          %and3A_329 = vector.broadcast %and3A_328 : i32 to vector<16xi32>
          %and3A_330 = arith.andi %and3A_318, %and3A_329 : vector<16xi32>
          %shift_left3A_331 = arith.constant 2 : i32
          %shift_left3A_332 = vector.broadcast %shift_left3A_331 : i32 to vector<16xi32>
          %shift_left3A_333 = arith.shli %and3A_330, %shift_left3A_332 : vector<16xi32>
          %swap3A_334 = arith.constant 5 : i32
          %swap3A_335 = arith.index_cast %swap3A_334 : i32 to index
          %swap3A_336 = arith.index_cast %mul3A_115 : i32 to index
          %swap3A_337 = tpu.vector_load %arg12[%swap3A_335, %swap3A_336] {strides = array<i32>} : memref<20x128xi32, #tpu.memory_space<vmem>>, vector<16xi32>,
          tpu.vector_store %arg12[%swap3A_335, %swap3A_336], %shift_left3A_333 {strides = array<i32>} : memref<20x128xi32, #tpu.memory_space<vmem>>, vector<16xi32>,
          %mul3A_338 = arith.mulf %sub3A_136, %sub3A_166 : vector<16xf32>
          %mul3A_339 = arith.mulf %mul3A_338, %sub3A_140 : vector<16xf32>
          %add3A_340 = arith.constant 640 : i32
          %add3A_341 = arith.addi %add3A_340, %mul3A_115 : i32
          %swap3A_342 = arith.index_cast %add3A_341 : i32 to index
          %swap3A_343 = tpu.vector_load %arg13[%swap3A_342] {strides = array<i32>} : memref<2560xf32, #tpu.memory_space<vmem>>, vector<16xf32>,
          tpu.vector_store %arg13[%swap3A_342], %mul3A_339 {strides = array<i32>} : memref<2560xf32, #tpu.memory_space<vmem>>, vector<16xf32>,
          %xor3A_344 = arith.xori %convert_element_type3A, %add3A_155 : vector<16xi32>
          %xor3A_345 = arith.xori %xor3A_344, %add3A_158 : vector<16xi32>
          %and3A_346 = arith.constant 524287 : i32
          %and3A_347 = vector.broadcast %and3A_346 : i32 to vector<16xi32>
          %and3A_348 = arith.andi %xor3A_345, %and3A_347 : vector<16xi32>
          %shift_right_arithmetic3A_349 = arith.constant 1 : i32
          %shift_right_arithmetic3A_350 = vector.broadcast %shift_right_arithmetic3A_349 : i32 to vector<16xi32>
          %shift_right_arithmetic3A_351 = arith.shrsi %and3A_348, %shift_right_arithmetic3A_350 : vector<16xi32>
          %add3A_352 = vector.broadcast %mul3A_40 : i32 to vector<16xi32>
          %add3A_353 = arith.addi %shift_right_arithmetic3A_351, %add3A_352 : vector<16xi32>
          %add3A_354 = arith.constant 768 : i32
          %add3A_355 = arith.addi %add3A_354, %mul3A_115 : i32
          %swap3A_356 = arith.index_cast %add3A_355 : i32 to index
          %swap3A_357 = tpu.vector_load %arg10[%swap3A_356] {strides = array<i32>} : memref<1024xi32, #tpu.memory_space<vmem>>, vector<16xi32>,
          tpu.vector_store %arg10[%swap3A_356], %add3A_353 {strides = array<i32>} : memref<1024xi32, #tpu.memory_space<vmem>>, vector<16xi32>,
          %and3A_358 = arith.constant 1 : i32
          %and3A_359 = vector.broadcast %and3A_358 : i32 to vector<16xi32>
          %and3A_360 = arith.andi %and3A_348, %and3A_359 : vector<16xi32>
          %shift_left3A_361 = arith.constant 2 : i32
          %shift_left3A_362 = vector.broadcast %shift_left3A_361 : i32 to vector<16xi32>
          %shift_left3A_363 = arith.shli %and3A_360, %shift_left3A_362 : vector<16xi32>
          %swap3A_364 = arith.constant 6 : i32
          %swap3A_365 = arith.index_cast %swap3A_364 : i32 to index
          %swap3A_366 = arith.index_cast %mul3A_115 : i32 to index
          %swap3A_367 = tpu.vector_load %arg12[%swap3A_365, %swap3A_366] {strides = array<i32>} : memref<20x128xi32, #tpu.memory_space<vmem>>, vector<16xi32>,
          tpu.vector_store %arg12[%swap3A_365, %swap3A_366], %shift_left3A_363 {strides = array<i32>} : memref<20x128xi32, #tpu.memory_space<vmem>>, vector<16xi32>,
          %mul3A_368 = arith.mulf %sub3A_165, %sub3A_138 : vector<16xf32>
          %mul3A_369 = arith.mulf %mul3A_368, %sub3A_140 : vector<16xf32>
          %add3A_370 = arith.constant 768 : i32
          %add3A_371 = arith.addi %add3A_370, %mul3A_115 : i32
          %swap3A_372 = arith.index_cast %add3A_371 : i32 to index
          %swap3A_373 = tpu.vector_load %arg13[%swap3A_372] {strides = array<i32>} : memref<2560xf32, #tpu.memory_space<vmem>>, vector<16xf32>,
          tpu.vector_store %arg13[%swap3A_372], %mul3A_369 {strides = array<i32>} : memref<2560xf32, #tpu.memory_space<vmem>>, vector<16xf32>,
          %xor3A_374 = arith.xori %add3A_152, %add3A_155 : vector<16xi32>
          %xor3A_375 = arith.xori %xor3A_374, %add3A_158 : vector<16xi32>
          %and3A_376 = arith.constant 524287 : i32
          %and3A_377 = vector.broadcast %and3A_376 : i32 to vector<16xi32>
          %and3A_378 = arith.andi %xor3A_375, %and3A_377 : vector<16xi32>
          %shift_right_arithmetic3A_379 = arith.constant 1 : i32
          %shift_right_arithmetic3A_380 = vector.broadcast %shift_right_arithmetic3A_379 : i32 to vector<16xi32>
          %shift_right_arithmetic3A_381 = arith.shrsi %and3A_378, %shift_right_arithmetic3A_380 : vector<16xi32>
          %add3A_382 = vector.broadcast %mul3A_40 : i32 to vector<16xi32>
          %add3A_383 = arith.addi %shift_right_arithmetic3A_381, %add3A_382 : vector<16xi32>
          %add3A_384 = arith.constant 896 : i32
          %add3A_385 = arith.addi %add3A_384, %mul3A_115 : i32
          %swap3A_386 = arith.index_cast %add3A_385 : i32 to index
          %swap3A_387 = tpu.vector_load %arg10[%swap3A_386] {strides = array<i32>} : memref<1024xi32, #tpu.memory_space<vmem>>, vector<16xi32>,
          tpu.vector_store %arg10[%swap3A_386], %add3A_383 {strides = array<i32>} : memref<1024xi32, #tpu.memory_space<vmem>>, vector<16xi32>,
          %and3A_388 = arith.constant 1 : i32
          %and3A_389 = vector.broadcast %and3A_388 : i32 to vector<16xi32>
          %and3A_390 = arith.andi %and3A_378, %and3A_389 : vector<16xi32>
          %shift_left3A_391 = arith.constant 2 : i32
          %shift_left3A_392 = vector.broadcast %shift_left3A_391 : i32 to vector<16xi32>
          %shift_left3A_393 = arith.shli %and3A_390, %shift_left3A_392 : vector<16xi32>
          %swap3A_394 = arith.constant 7 : i32
          %swap3A_395 = arith.index_cast %swap3A_394 : i32 to index
          %swap3A_396 = arith.index_cast %mul3A_115 : i32 to index
          %swap3A_397 = tpu.vector_load %arg12[%swap3A_395, %swap3A_396] {strides = array<i32>} : memref<20x128xi32, #tpu.memory_space<vmem>>, vector<16xi32>,
          tpu.vector_store %arg12[%swap3A_395, %swap3A_396], %shift_left3A_393 {strides = array<i32>} : memref<20x128xi32, #tpu.memory_space<vmem>>, vector<16xi32>,
          %mul3A_398 = arith.mulf %sub3A_136, %sub3A_138 : vector<16xf32>
          %mul3A_399 = arith.mulf %mul3A_398, %sub3A_140 : vector<16xf32>
          %add3A_400 = arith.constant 896 : i32
          %add3A_401 = arith.addi %add3A_400, %mul3A_115 : i32
          %swap3A_402 = arith.index_cast %add3A_401 : i32 to index
          %swap3A_403 = tpu.vector_load %arg13[%swap3A_402] {strides = array<i32>} : memref<2560xf32, #tpu.memory_space<vmem>>, vector<16xf32>,
          tpu.vector_store %arg13[%swap3A_402], %mul3A_399 {strides = array<i32>} : memref<2560xf32, #tpu.memory_space<vmem>>, vector<16xf32>,
          %xor3A_404 = arith.xori %convert_element_type3A, %mul3A_143 : vector<16xi32>
          %and3A_405 = arith.constant 16383 : i32
          %and3A_406 = vector.broadcast %and3A_405 : i32 to vector<16xi32>
          %and3A_407 = arith.andi %xor3A_404, %and3A_406 : vector<16xi32>
          %shift_right_arithmetic3A_408 = arith.constant 1 : i32
          %shift_right_arithmetic3A_409 = vector.broadcast %shift_right_arithmetic3A_408 : i32 to vector<16xi32>
          %shift_right_arithmetic3A_410 = arith.shrsi %and3A_407, %shift_right_arithmetic3A_409 : vector<16xi32>
          %add3A_411 = vector.broadcast %mul3A_42 : i32 to vector<16xi32>
          %add3A_412 = arith.addi %shift_right_arithmetic3A_410, %add3A_411 : vector<16xi32>
          %add3A_413 = arith.constant 0 : i32
          %add3A_414 = arith.addi %add3A_413, %mul3A_115 : i32
          %swap3A_415 = arith.index_cast %add3A_414 : i32 to index
          %swap3A_416 = tpu.vector_load %arg11[%swap3A_415] {strides = array<i32>} : memref<1536xi32, #tpu.memory_space<vmem>>, vector<16xi32>,
          tpu.vector_store %arg11[%swap3A_415], %add3A_412 {strides = array<i32>} : memref<1536xi32, #tpu.memory_space<vmem>>, vector<16xi32>,
          %and3A_417 = arith.constant 1 : i32
          %and3A_418 = vector.broadcast %and3A_417 : i32 to vector<16xi32>
          %and3A_419 = arith.andi %and3A_407, %and3A_418 : vector<16xi32>
          %shift_left3A_420 = arith.constant 2 : i32
          %shift_left3A_421 = vector.broadcast %shift_left3A_420 : i32 to vector<16xi32>
          %shift_left3A_422 = arith.shli %and3A_419, %shift_left3A_421 : vector<16xi32>
          %swap3A_423 = arith.constant 8 : i32
          %swap3A_424 = arith.index_cast %swap3A_423 : i32 to index
          %swap3A_425 = arith.index_cast %mul3A_115 : i32 to index
          %swap3A_426 = tpu.vector_load %arg12[%swap3A_424, %swap3A_425] {strides = array<i32>} : memref<20x128xi32, #tpu.memory_space<vmem>>, vector<16xi32>,
          tpu.vector_store %arg12[%swap3A_424, %swap3A_425], %shift_left3A_422 {strides = array<i32>} : memref<20x128xi32, #tpu.memory_space<vmem>>, vector<16xi32>,
          %mul3A_427 = arith.mulf %sub3A_165, %sub3A_166 : vector<16xf32>
          %add3A_428 = arith.constant 1024 : i32
          %add3A_429 = arith.addi %add3A_428, %mul3A_115 : i32
          %swap3A_430 = arith.index_cast %add3A_429 : i32 to index
          %swap3A_431 = tpu.vector_load %arg13[%swap3A_430] {strides = array<i32>} : memref<2560xf32, #tpu.memory_space<vmem>>, vector<16xf32>,
          tpu.vector_store %arg13[%swap3A_430], %mul3A_427 {strides = array<i32>} : memref<2560xf32, #tpu.memory_space<vmem>>, vector<16xf32>,
          %xor3A_432 = arith.xori %add3A_152, %mul3A_143 : vector<16xi32>
          %and3A_433 = arith.constant 16383 : i32
          %and3A_434 = vector.broadcast %and3A_433 : i32 to vector<16xi32>
          %and3A_435 = arith.andi %xor3A_432, %and3A_434 : vector<16xi32>
          %shift_right_arithmetic3A_436 = arith.constant 1 : i32
          %shift_right_arithmetic3A_437 = vector.broadcast %shift_right_arithmetic3A_436 : i32 to vector<16xi32>
          %shift_right_arithmetic3A_438 = arith.shrsi %and3A_435, %shift_right_arithmetic3A_437 : vector<16xi32>
          %add3A_439 = vector.broadcast %mul3A_42 : i32 to vector<16xi32>
          %add3A_440 = arith.addi %shift_right_arithmetic3A_438, %add3A_439 : vector<16xi32>
          %add3A_441 = arith.constant 128 : i32
          %add3A_442 = arith.addi %add3A_441, %mul3A_115 : i32
          %swap3A_443 = arith.index_cast %add3A_442 : i32 to index
          %swap3A_444 = tpu.vector_load %arg11[%swap3A_443] {strides = array<i32>} : memref<1536xi32, #tpu.memory_space<vmem>>, vector<16xi32>,
          tpu.vector_store %arg11[%swap3A_443], %add3A_440 {strides = array<i32>} : memref<1536xi32, #tpu.memory_space<vmem>>, vector<16xi32>,
          %and3A_445 = arith.constant 1 : i32
          %and3A_446 = vector.broadcast %and3A_445 : i32 to vector<16xi32>
          %and3A_447 = arith.andi %and3A_435, %and3A_446 : vector<16xi32>
          %shift_left3A_448 = arith.constant 2 : i32
          %shift_left3A_449 = vector.broadcast %shift_left3A_448 : i32 to vector<16xi32>
          %shift_left3A_450 = arith.shli %and3A_447, %shift_left3A_449 : vector<16xi32>
          %swap3A_451 = arith.constant 9 : i32
          %swap3A_452 = arith.index_cast %swap3A_451 : i32 to index
          %swap3A_453 = arith.index_cast %mul3A_115 : i32 to index
          %swap3A_454 = tpu.vector_load %arg12[%swap3A_452, %swap3A_453] {strides = array<i32>} : memref<20x128xi32, #tpu.memory_space<vmem>>, vector<16xi32>,
          tpu.vector_store %arg12[%swap3A_452, %swap3A_453], %shift_left3A_450 {strides = array<i32>} : memref<20x128xi32, #tpu.memory_space<vmem>>, vector<16xi32>,
          %mul3A_455 = arith.mulf %sub3A_136, %sub3A_166 : vector<16xf32>
          %add3A_456 = arith.constant 1152 : i32
          %add3A_457 = arith.addi %add3A_456, %mul3A_115 : i32
          %swap3A_458 = arith.index_cast %add3A_457 : i32 to index
          %swap3A_459 = tpu.vector_load %arg13[%swap3A_458] {strides = array<i32>} : memref<2560xf32, #tpu.memory_space<vmem>>, vector<16xf32>,
          tpu.vector_store %arg13[%swap3A_458], %mul3A_455 {strides = array<i32>} : memref<2560xf32, #tpu.memory_space<vmem>>, vector<16xf32>,
          %xor3A_460 = arith.xori %convert_element_type3A, %add3A_155 : vector<16xi32>
          %and3A_461 = arith.constant 16383 : i32
          %and3A_462 = vector.broadcast %and3A_461 : i32 to vector<16xi32>
          %and3A_463 = arith.andi %xor3A_460, %and3A_462 : vector<16xi32>
          %shift_right_arithmetic3A_464 = arith.constant 1 : i32
          %shift_right_arithmetic3A_465 = vector.broadcast %shift_right_arithmetic3A_464 : i32 to vector<16xi32>
          %shift_right_arithmetic3A_466 = arith.shrsi %and3A_463, %shift_right_arithmetic3A_465 : vector<16xi32>
          %add3A_467 = vector.broadcast %mul3A_42 : i32 to vector<16xi32>
          %add3A_468 = arith.addi %shift_right_arithmetic3A_466, %add3A_467 : vector<16xi32>
          %add3A_469 = arith.constant 256 : i32
          %add3A_470 = arith.addi %add3A_469, %mul3A_115 : i32
          %swap3A_471 = arith.index_cast %add3A_470 : i32 to index
          %swap3A_472 = tpu.vector_load %arg11[%swap3A_471] {strides = array<i32>} : memref<1536xi32, #tpu.memory_space<vmem>>, vector<16xi32>,
          tpu.vector_store %arg11[%swap3A_471], %add3A_468 {strides = array<i32>} : memref<1536xi32, #tpu.memory_space<vmem>>, vector<16xi32>,
          %and3A_473 = arith.constant 1 : i32
          %and3A_474 = vector.broadcast %and3A_473 : i32 to vector<16xi32>
          %and3A_475 = arith.andi %and3A_463, %and3A_474 : vector<16xi32>
          %shift_left3A_476 = arith.constant 2 : i32
          %shift_left3A_477 = vector.broadcast %shift_left3A_476 : i32 to vector<16xi32>
          %shift_left3A_478 = arith.shli %and3A_475, %shift_left3A_477 : vector<16xi32>
          %swap3A_479 = arith.constant 10 : i32
          %swap3A_480 = arith.index_cast %swap3A_479 : i32 to index
          %swap3A_481 = arith.index_cast %mul3A_115 : i32 to index
          %swap3A_482 = tpu.vector_load %arg12[%swap3A_480, %swap3A_481] {strides = array<i32>} : memref<20x128xi32, #tpu.memory_space<vmem>>, vector<16xi32>,
          tpu.vector_store %arg12[%swap3A_480, %swap3A_481], %shift_left3A_478 {strides = array<i32>} : memref<20x128xi32, #tpu.memory_space<vmem>>, vector<16xi32>,
          %mul3A_483 = arith.mulf %sub3A_165, %sub3A_138 : vector<16xf32>
          %add3A_484 = arith.constant 1280 : i32
          %add3A_485 = arith.addi %add3A_484, %mul3A_115 : i32
          %swap3A_486 = arith.index_cast %add3A_485 : i32 to index
          %swap3A_487 = tpu.vector_load %arg13[%swap3A_486] {strides = array<i32>} : memref<2560xf32, #tpu.memory_space<vmem>>, vector<16xf32>,
          tpu.vector_store %arg13[%swap3A_486], %mul3A_483 {strides = array<i32>} : memref<2560xf32, #tpu.memory_space<vmem>>, vector<16xf32>,
          %xor3A_488 = arith.xori %add3A_152, %add3A_155 : vector<16xi32>
          %and3A_489 = arith.constant 16383 : i32
          %and3A_490 = vector.broadcast %and3A_489 : i32 to vector<16xi32>
          %and3A_491 = arith.andi %xor3A_488, %and3A_490 : vector<16xi32>
          %shift_right_arithmetic3A_492 = arith.constant 1 : i32
          %shift_right_arithmetic3A_493 = vector.broadcast %shift_right_arithmetic3A_492 : i32 to vector<16xi32>
          %shift_right_arithmetic3A_494 = arith.shrsi %and3A_491, %shift_right_arithmetic3A_493 : vector<16xi32>
          %add3A_495 = vector.broadcast %mul3A_42 : i32 to vector<16xi32>
          %add3A_496 = arith.addi %shift_right_arithmetic3A_494, %add3A_495 : vector<16xi32>
          %add3A_497 = arith.constant 384 : i32
          %add3A_498 = arith.addi %add3A_497, %mul3A_115 : i32
          %swap3A_499 = arith.index_cast %add3A_498 : i32 to index
          %swap3A_500 = tpu.vector_load %arg11[%swap3A_499] {strides = array<i32>} : memref<1536xi32, #tpu.memory_space<vmem>>, vector<16xi32>,
          tpu.vector_store %arg11[%swap3A_499], %add3A_496 {strides = array<i32>} : memref<1536xi32, #tpu.memory_space<vmem>>, vector<16xi32>,
          %and3A_501 = arith.constant 1 : i32
          %and3A_502 = vector.broadcast %and3A_501 : i32 to vector<16xi32>
          %and3A_503 = arith.andi %and3A_491, %and3A_502 : vector<16xi32>
          %shift_left3A_504 = arith.constant 2 : i32
          %shift_left3A_505 = vector.broadcast %shift_left3A_504 : i32 to vector<16xi32>
          %shift_left3A_506 = arith.shli %and3A_503, %shift_left3A_505 : vector<16xi32>
          %swap3A_507 = arith.constant 11 : i32
          %swap3A_508 = arith.index_cast %swap3A_507 : i32 to index
          %swap3A_509 = arith.index_cast %mul3A_115 : i32 to index
          %swap3A_510 = tpu.vector_load %arg12[%swap3A_508, %swap3A_509] {strides = array<i32>} : memref<20x128xi32, #tpu.memory_space<vmem>>, vector<16xi32>,
          tpu.vector_store %arg12[%swap3A_508, %swap3A_509], %shift_left3A_506 {strides = array<i32>} : memref<20x128xi32, #tpu.memory_space<vmem>>, vector<16xi32>,
          %mul3A_511 = arith.mulf %sub3A_136, %sub3A_138 : vector<16xf32>
          %add3A_512 = arith.constant 1408 : i32
          %add3A_513 = arith.addi %add3A_512, %mul3A_115 : i32
          %swap3A_514 = arith.index_cast %add3A_513 : i32 to index
          %swap3A_515 = tpu.vector_load %arg13[%swap3A_514] {strides = array<i32>} : memref<2560xf32, #tpu.memory_space<vmem>>, vector<16xf32>,
          tpu.vector_store %arg13[%swap3A_514], %mul3A_511 {strides = array<i32>} : memref<2560xf32, #tpu.memory_space<vmem>>, vector<16xf32>,
          %xor3A_516 = arith.xori %convert_element_type3A, %mul3A_149 : vector<16xi32>
          %and3A_517 = arith.constant 4095 : i32
          %and3A_518 = vector.broadcast %and3A_517 : i32 to vector<16xi32>
          %and3A_519 = arith.andi %xor3A_516, %and3A_518 : vector<16xi32>
          %shift_right_arithmetic3A_520 = arith.constant 1 : i32
          %shift_right_arithmetic3A_521 = vector.broadcast %shift_right_arithmetic3A_520 : i32 to vector<16xi32>
          %shift_right_arithmetic3A_522 = arith.shrsi %and3A_519, %shift_right_arithmetic3A_521 : vector<16xi32>
          %add3A_523 = vector.broadcast %select_n3A : i32 to vector<16xi32>
          %add3A_524 = arith.addi %shift_right_arithmetic3A_522, %add3A_523 : vector<16xi32>
          %add3A_525 = arith.constant 512 : i32
          %add3A_526 = arith.addi %add3A_525, %mul3A_115 : i32
          %swap3A_527 = arith.index_cast %add3A_526 : i32 to index
          %swap3A_528 = tpu.vector_load %arg11[%swap3A_527] {strides = array<i32>} : memref<1536xi32, #tpu.memory_space<vmem>>, vector<16xi32>,
          tpu.vector_store %arg11[%swap3A_527], %add3A_524 {strides = array<i32>} : memref<1536xi32, #tpu.memory_space<vmem>>, vector<16xi32>,
          %and3A_529 = arith.constant 1 : i32
          %and3A_530 = vector.broadcast %and3A_529 : i32 to vector<16xi32>
          %and3A_531 = arith.andi %and3A_519, %and3A_530 : vector<16xi32>
          %shift_left3A_532 = arith.constant 2 : i32
          %shift_left3A_533 = vector.broadcast %shift_left3A_532 : i32 to vector<16xi32>
          %shift_left3A_534 = arith.shli %and3A_531, %shift_left3A_533 : vector<16xi32>
          %swap3A_535 = arith.constant 12 : i32
          %swap3A_536 = arith.index_cast %swap3A_535 : i32 to index
          %swap3A_537 = arith.index_cast %mul3A_115 : i32 to index
          %swap3A_538 = tpu.vector_load %arg12[%swap3A_536, %swap3A_537] {strides = array<i32>} : memref<20x128xi32, #tpu.memory_space<vmem>>, vector<16xi32>,
          tpu.vector_store %arg12[%swap3A_536, %swap3A_537], %shift_left3A_534 {strides = array<i32>} : memref<20x128xi32, #tpu.memory_space<vmem>>, vector<16xi32>,
          %mul3A_539 = arith.mulf %sub3A_165, %sub3A_167 : vector<16xf32>
          %add3A_540 = arith.constant 1536 : i32
          %add3A_541 = arith.addi %add3A_540, %mul3A_115 : i32
          %swap3A_542 = arith.index_cast %add3A_541 : i32 to index
          %swap3A_543 = tpu.vector_load %arg13[%swap3A_542] {strides = array<i32>} : memref<2560xf32, #tpu.memory_space<vmem>>, vector<16xf32>,
          tpu.vector_store %arg13[%swap3A_542], %mul3A_539 {strides = array<i32>} : memref<2560xf32, #tpu.memory_space<vmem>>, vector<16xf32>,
          %xor3A_544 = arith.xori %add3A_152, %mul3A_149 : vector<16xi32>
          %and3A_545 = arith.constant 4095 : i32
          %and3A_546 = vector.broadcast %and3A_545 : i32 to vector<16xi32>
          %and3A_547 = arith.andi %xor3A_544, %and3A_546 : vector<16xi32>
          %shift_right_arithmetic3A_548 = arith.constant 1 : i32
          %shift_right_arithmetic3A_549 = vector.broadcast %shift_right_arithmetic3A_548 : i32 to vector<16xi32>
          %shift_right_arithmetic3A_550 = arith.shrsi %and3A_547, %shift_right_arithmetic3A_549 : vector<16xi32>
          %add3A_551 = vector.broadcast %select_n3A : i32 to vector<16xi32>
          %add3A_552 = arith.addi %shift_right_arithmetic3A_550, %add3A_551 : vector<16xi32>
          %add3A_553 = arith.constant 640 : i32
          %add3A_554 = arith.addi %add3A_553, %mul3A_115 : i32
          %swap3A_555 = arith.index_cast %add3A_554 : i32 to index
          %swap3A_556 = tpu.vector_load %arg11[%swap3A_555] {strides = array<i32>} : memref<1536xi32, #tpu.memory_space<vmem>>, vector<16xi32>,
          tpu.vector_store %arg11[%swap3A_555], %add3A_552 {strides = array<i32>} : memref<1536xi32, #tpu.memory_space<vmem>>, vector<16xi32>,
          %and3A_557 = arith.constant 1 : i32
          %and3A_558 = vector.broadcast %and3A_557 : i32 to vector<16xi32>
          %and3A_559 = arith.andi %and3A_547, %and3A_558 : vector<16xi32>
          %shift_left3A_560 = arith.constant 2 : i32
          %shift_left3A_561 = vector.broadcast %shift_left3A_560 : i32 to vector<16xi32>
          %shift_left3A_562 = arith.shli %and3A_559, %shift_left3A_561 : vector<16xi32>
          %swap3A_563 = arith.constant 13 : i32
          %swap3A_564 = arith.index_cast %swap3A_563 : i32 to index
          %swap3A_565 = arith.index_cast %mul3A_115 : i32 to index
          %swap3A_566 = tpu.vector_load %arg12[%swap3A_564, %swap3A_565] {strides = array<i32>} : memref<20x128xi32, #tpu.memory_space<vmem>>, vector<16xi32>,
          tpu.vector_store %arg12[%swap3A_564, %swap3A_565], %shift_left3A_562 {strides = array<i32>} : memref<20x128xi32, #tpu.memory_space<vmem>>, vector<16xi32>,
          %mul3A_567 = arith.mulf %sub3A_136, %sub3A_167 : vector<16xf32>
          %add3A_568 = arith.constant 1664 : i32
          %add3A_569 = arith.addi %add3A_568, %mul3A_115 : i32
          %swap3A_570 = arith.index_cast %add3A_569 : i32 to index
          %swap3A_571 = tpu.vector_load %arg13[%swap3A_570] {strides = array<i32>} : memref<2560xf32, #tpu.memory_space<vmem>>, vector<16xf32>,
          tpu.vector_store %arg13[%swap3A_570], %mul3A_567 {strides = array<i32>} : memref<2560xf32, #tpu.memory_space<vmem>>, vector<16xf32>,
          %xor3A_572 = arith.xori %convert_element_type3A, %add3A_161 : vector<16xi32>
          %and3A_573 = arith.constant 4095 : i32
          %and3A_574 = vector.broadcast %and3A_573 : i32 to vector<16xi32>
          %and3A_575 = arith.andi %xor3A_572, %and3A_574 : vector<16xi32>
          %shift_right_arithmetic3A_576 = arith.constant 1 : i32
          %shift_right_arithmetic3A_577 = vector.broadcast %shift_right_arithmetic3A_576 : i32 to vector<16xi32>
          %shift_right_arithmetic3A_578 = arith.shrsi %and3A_575, %shift_right_arithmetic3A_577 : vector<16xi32>
          %add3A_579 = vector.broadcast %select_n3A : i32 to vector<16xi32>
          %add3A_580 = arith.addi %shift_right_arithmetic3A_578, %add3A_579 : vector<16xi32>
          %add3A_581 = arith.constant 768 : i32
          %add3A_582 = arith.addi %add3A_581, %mul3A_115 : i32
          %swap3A_583 = arith.index_cast %add3A_582 : i32 to index
          %swap3A_584 = tpu.vector_load %arg11[%swap3A_583] {strides = array<i32>} : memref<1536xi32, #tpu.memory_space<vmem>>, vector<16xi32>,
          tpu.vector_store %arg11[%swap3A_583], %add3A_580 {strides = array<i32>} : memref<1536xi32, #tpu.memory_space<vmem>>, vector<16xi32>,
          %and3A_585 = arith.constant 1 : i32
          %and3A_586 = vector.broadcast %and3A_585 : i32 to vector<16xi32>
          %and3A_587 = arith.andi %and3A_575, %and3A_586 : vector<16xi32>
          %shift_left3A_588 = arith.constant 2 : i32
          %shift_left3A_589 = vector.broadcast %shift_left3A_588 : i32 to vector<16xi32>
          %shift_left3A_590 = arith.shli %and3A_587, %shift_left3A_589 : vector<16xi32>
          %swap3A_591 = arith.constant 14 : i32
          %swap3A_592 = arith.index_cast %swap3A_591 : i32 to index
          %swap3A_593 = arith.index_cast %mul3A_115 : i32 to index
          %swap3A_594 = tpu.vector_load %arg12[%swap3A_592, %swap3A_593] {strides = array<i32>} : memref<20x128xi32, #tpu.memory_space<vmem>>, vector<16xi32>,
          tpu.vector_store %arg12[%swap3A_592, %swap3A_593], %shift_left3A_590 {strides = array<i32>} : memref<20x128xi32, #tpu.memory_space<vmem>>, vector<16xi32>,
          %mul3A_595 = arith.mulf %sub3A_165, %sub3A_140 : vector<16xf32>
          %add3A_596 = arith.constant 1792 : i32
          %add3A_597 = arith.addi %add3A_596, %mul3A_115 : i32
          %swap3A_598 = arith.index_cast %add3A_597 : i32 to index
          %swap3A_599 = tpu.vector_load %arg13[%swap3A_598] {strides = array<i32>} : memref<2560xf32, #tpu.memory_space<vmem>>, vector<16xf32>,
          tpu.vector_store %arg13[%swap3A_598], %mul3A_595 {strides = array<i32>} : memref<2560xf32, #tpu.memory_space<vmem>>, vector<16xf32>,
          %xor3A_600 = arith.xori %add3A_152, %add3A_161 : vector<16xi32>
          %and3A_601 = arith.constant 4095 : i32
          %and3A_602 = vector.broadcast %and3A_601 : i32 to vector<16xi32>
          %and3A_603 = arith.andi %xor3A_600, %and3A_602 : vector<16xi32>
          %shift_right_arithmetic3A_604 = arith.constant 1 : i32
          %shift_right_arithmetic3A_605 = vector.broadcast %shift_right_arithmetic3A_604 : i32 to vector<16xi32>
          %shift_right_arithmetic3A_606 = arith.shrsi %and3A_603, %shift_right_arithmetic3A_605 : vector<16xi32>
          %add3A_607 = vector.broadcast %select_n3A : i32 to vector<16xi32>
          %add3A_608 = arith.addi %shift_right_arithmetic3A_606, %add3A_607 : vector<16xi32>
          %add3A_609 = arith.constant 896 : i32
          %add3A_610 = arith.addi %add3A_609, %mul3A_115 : i32
          %swap3A_611 = arith.index_cast %add3A_610 : i32 to index
          %swap3A_612 = tpu.vector_load %arg11[%swap3A_611] {strides = array<i32>} : memref<1536xi32, #tpu.memory_space<vmem>>, vector<16xi32>,
          tpu.vector_store %arg11[%swap3A_611], %add3A_608 {strides = array<i32>} : memref<1536xi32, #tpu.memory_space<vmem>>, vector<16xi32>,
          %and3A_613 = arith.constant 1 : i32
          %and3A_614 = vector.broadcast %and3A_613 : i32 to vector<16xi32>
          %and3A_615 = arith.andi %and3A_603, %and3A_614 : vector<16xi32>
          %shift_left3A_616 = arith.constant 2 : i32
          %shift_left3A_617 = vector.broadcast %shift_left3A_616 : i32 to vector<16xi32>
          %shift_left3A_618 = arith.shli %and3A_615, %shift_left3A_617 : vector<16xi32>
          %swap3A_619 = arith.constant 15 : i32
          %swap3A_620 = arith.index_cast %swap3A_619 : i32 to index
          %swap3A_621 = arith.index_cast %mul3A_115 : i32 to index
          %swap3A_622 = tpu.vector_load %arg12[%swap3A_620, %swap3A_621] {strides = array<i32>} : memref<20x128xi32, #tpu.memory_space<vmem>>, vector<16xi32>,
          tpu.vector_store %arg12[%swap3A_620, %swap3A_621], %shift_left3A_618 {strides = array<i32>} : memref<20x128xi32, #tpu.memory_space<vmem>>, vector<16xi32>,
          %mul3A_623 = arith.mulf %sub3A_136, %sub3A_140 : vector<16xf32>
          %add3A_624 = arith.constant 1920 : i32
          %add3A_625 = arith.addi %add3A_624, %mul3A_115 : i32
          %swap3A_626 = arith.index_cast %add3A_625 : i32 to index
          %swap3A_627 = tpu.vector_load %arg13[%swap3A_626] {strides = array<i32>} : memref<2560xf32, #tpu.memory_space<vmem>>, vector<16xf32>,
          tpu.vector_store %arg13[%swap3A_626], %mul3A_623 {strides = array<i32>} : memref<2560xf32, #tpu.memory_space<vmem>>, vector<16xf32>,
          %xor3A_628 = arith.xori %convert_element_type3A_133, %mul3A_149 : vector<16xi32>
          %and3A_629 = arith.constant 4095 : i32
          %and3A_630 = vector.broadcast %and3A_629 : i32 to vector<16xi32>
          %and3A_631 = arith.andi %xor3A_628, %and3A_630 : vector<16xi32>
          %shift_right_arithmetic3A_632 = arith.constant 1 : i32
          %shift_right_arithmetic3A_633 = vector.broadcast %shift_right_arithmetic3A_632 : i32 to vector<16xi32>
          %shift_right_arithmetic3A_634 = arith.shrsi %and3A_631, %shift_right_arithmetic3A_633 : vector<16xi32>
          %add3A_635 = vector.broadcast %select_n3A_90 : i32 to vector<16xi32>
          %add3A_636 = arith.addi %shift_right_arithmetic3A_634, %add3A_635 : vector<16xi32>
          %add3A_637 = arith.constant 1024 : i32
          %add3A_638 = arith.addi %add3A_637, %mul3A_115 : i32
          %swap3A_639 = arith.index_cast %add3A_638 : i32 to index
          %swap3A_640 = tpu.vector_load %arg11[%swap3A_639] {strides = array<i32>} : memref<1536xi32, #tpu.memory_space<vmem>>, vector<16xi32>,
          tpu.vector_store %arg11[%swap3A_639], %add3A_636 {strides = array<i32>} : memref<1536xi32, #tpu.memory_space<vmem>>, vector<16xi32>,
          %and3A_641 = arith.constant 1 : i32
          %and3A_642 = vector.broadcast %and3A_641 : i32 to vector<16xi32>
          %and3A_643 = arith.andi %and3A_631, %and3A_642 : vector<16xi32>
          %shift_left3A_644 = arith.constant 2 : i32
          %shift_left3A_645 = vector.broadcast %shift_left3A_644 : i32 to vector<16xi32>
          %shift_left3A_646 = arith.shli %and3A_643, %shift_left3A_645 : vector<16xi32>
          %swap3A_647 = arith.constant 16 : i32
          %swap3A_648 = arith.index_cast %swap3A_647 : i32 to index
          %swap3A_649 = arith.index_cast %mul3A_115 : i32 to index
          %swap3A_650 = tpu.vector_load %arg12[%swap3A_648, %swap3A_649] {strides = array<i32>} : memref<20x128xi32, #tpu.memory_space<vmem>>, vector<16xi32>,
          tpu.vector_store %arg12[%swap3A_648, %swap3A_649], %shift_left3A_646 {strides = array<i32>} : memref<20x128xi32, #tpu.memory_space<vmem>>, vector<16xi32>,
          %mul3A_651 = arith.mulf %sub3A_166, %sub3A_167 : vector<16xf32>
          %add3A_652 = arith.constant 2048 : i32
          %add3A_653 = arith.addi %add3A_652, %mul3A_115 : i32
          %swap3A_654 = arith.index_cast %add3A_653 : i32 to index
          %swap3A_655 = tpu.vector_load %arg13[%swap3A_654] {strides = array<i32>} : memref<2560xf32, #tpu.memory_space<vmem>>, vector<16xf32>,
          tpu.vector_store %arg13[%swap3A_654], %mul3A_651 {strides = array<i32>} : memref<2560xf32, #tpu.memory_space<vmem>>, vector<16xf32>,
          %xor3A_656 = arith.xori %add3A_164, %mul3A_149 : vector<16xi32>
          %and3A_657 = arith.constant 4095 : i32
          %and3A_658 = vector.broadcast %and3A_657 : i32 to vector<16xi32>
          %and3A_659 = arith.andi %xor3A_656, %and3A_658 : vector<16xi32>
          %shift_right_arithmetic3A_660 = arith.constant 1 : i32
          %shift_right_arithmetic3A_661 = vector.broadcast %shift_right_arithmetic3A_660 : i32 to vector<16xi32>
          %shift_right_arithmetic3A_662 = arith.shrsi %and3A_659, %shift_right_arithmetic3A_661 : vector<16xi32>
          %add3A_663 = vector.broadcast %select_n3A_90 : i32 to vector<16xi32>
          %add3A_664 = arith.addi %shift_right_arithmetic3A_662, %add3A_663 : vector<16xi32>
          %add3A_665 = arith.constant 1152 : i32
          %add3A_666 = arith.addi %add3A_665, %mul3A_115 : i32
          %swap3A_667 = arith.index_cast %add3A_666 : i32 to index
          %swap3A_668 = tpu.vector_load %arg11[%swap3A_667] {strides = array<i32>} : memref<1536xi32, #tpu.memory_space<vmem>>, vector<16xi32>,
          tpu.vector_store %arg11[%swap3A_667], %add3A_664 {strides = array<i32>} : memref<1536xi32, #tpu.memory_space<vmem>>, vector<16xi32>,
          %and3A_669 = arith.constant 1 : i32
          %and3A_670 = vector.broadcast %and3A_669 : i32 to vector<16xi32>
          %and3A_671 = arith.andi %and3A_659, %and3A_670 : vector<16xi32>
          %shift_left3A_672 = arith.constant 2 : i32
          %shift_left3A_673 = vector.broadcast %shift_left3A_672 : i32 to vector<16xi32>
          %shift_left3A_674 = arith.shli %and3A_671, %shift_left3A_673 : vector<16xi32>
          %swap3A_675 = arith.constant 17 : i32
          %swap3A_676 = arith.index_cast %swap3A_675 : i32 to index
          %swap3A_677 = arith.index_cast %mul3A_115 : i32 to index
          %swap3A_678 = tpu.vector_load %arg12[%swap3A_676, %swap3A_677] {strides = array<i32>} : memref<20x128xi32, #tpu.memory_space<vmem>>, vector<16xi32>,
          tpu.vector_store %arg12[%swap3A_676, %swap3A_677], %shift_left3A_674 {strides = array<i32>} : memref<20x128xi32, #tpu.memory_space<vmem>>, vector<16xi32>,
          %mul3A_679 = arith.mulf %sub3A_138, %sub3A_167 : vector<16xf32>
          %add3A_680 = arith.constant 2176 : i32
          %add3A_681 = arith.addi %add3A_680, %mul3A_115 : i32
          %swap3A_682 = arith.index_cast %add3A_681 : i32 to index
          %swap3A_683 = tpu.vector_load %arg13[%swap3A_682] {strides = array<i32>} : memref<2560xf32, #tpu.memory_space<vmem>>, vector<16xf32>,
          tpu.vector_store %arg13[%swap3A_682], %mul3A_679 {strides = array<i32>} : memref<2560xf32, #tpu.memory_space<vmem>>, vector<16xf32>,
          %xor3A_684 = arith.xori %convert_element_type3A_133, %add3A_161 : vector<16xi32>
          %and3A_685 = arith.constant 4095 : i32
          %and3A_686 = vector.broadcast %and3A_685 : i32 to vector<16xi32>
          %and3A_687 = arith.andi %xor3A_684, %and3A_686 : vector<16xi32>
          %shift_right_arithmetic3A_688 = arith.constant 1 : i32
          %shift_right_arithmetic3A_689 = vector.broadcast %shift_right_arithmetic3A_688 : i32 to vector<16xi32>
          %shift_right_arithmetic3A_690 = arith.shrsi %and3A_687, %shift_right_arithmetic3A_689 : vector<16xi32>
          %add3A_691 = vector.broadcast %select_n3A_90 : i32 to vector<16xi32>
          %add3A_692 = arith.addi %shift_right_arithmetic3A_690, %add3A_691 : vector<16xi32>
          %add3A_693 = arith.constant 1280 : i32
          %add3A_694 = arith.addi %add3A_693, %mul3A_115 : i32
          %swap3A_695 = arith.index_cast %add3A_694 : i32 to index
          %swap3A_696 = tpu.vector_load %arg11[%swap3A_695] {strides = array<i32>} : memref<1536xi32, #tpu.memory_space<vmem>>, vector<16xi32>,
          tpu.vector_store %arg11[%swap3A_695], %add3A_692 {strides = array<i32>} : memref<1536xi32, #tpu.memory_space<vmem>>, vector<16xi32>,
          %and3A_697 = arith.constant 1 : i32
          %and3A_698 = vector.broadcast %and3A_697 : i32 to vector<16xi32>
          %and3A_699 = arith.andi %and3A_687, %and3A_698 : vector<16xi32>
          %shift_left3A_700 = arith.constant 2 : i32
          %shift_left3A_701 = vector.broadcast %shift_left3A_700 : i32 to vector<16xi32>
          %shift_left3A_702 = arith.shli %and3A_699, %shift_left3A_701 : vector<16xi32>
          %swap3A_703 = arith.constant 18 : i32
          %swap3A_704 = arith.index_cast %swap3A_703 : i32 to index
          %swap3A_705 = arith.index_cast %mul3A_115 : i32 to index
          %swap3A_706 = tpu.vector_load %arg12[%swap3A_704, %swap3A_705] {strides = array<i32>} : memref<20x128xi32, #tpu.memory_space<vmem>>, vector<16xi32>,
          tpu.vector_store %arg12[%swap3A_704, %swap3A_705], %shift_left3A_702 {strides = array<i32>} : memref<20x128xi32, #tpu.memory_space<vmem>>, vector<16xi32>,
          %mul3A_707 = arith.mulf %sub3A_166, %sub3A_140 : vector<16xf32>
          %add3A_708 = arith.constant 2304 : i32
          %add3A_709 = arith.addi %add3A_708, %mul3A_115 : i32
          %swap3A_710 = arith.index_cast %add3A_709 : i32 to index
          %swap3A_711 = tpu.vector_load %arg13[%swap3A_710] {strides = array<i32>} : memref<2560xf32, #tpu.memory_space<vmem>>, vector<16xf32>,
          tpu.vector_store %arg13[%swap3A_710], %mul3A_707 {strides = array<i32>} : memref<2560xf32, #tpu.memory_space<vmem>>, vector<16xf32>,
          %xor3A_712 = arith.xori %add3A_164, %add3A_161 : vector<16xi32>
          %and3A_713 = arith.constant 4095 : i32
          %and3A_714 = vector.broadcast %and3A_713 : i32 to vector<16xi32>
          %and3A_715 = arith.andi %xor3A_712, %and3A_714 : vector<16xi32>
          %shift_right_arithmetic3A_716 = arith.constant 1 : i32
          %shift_right_arithmetic3A_717 = vector.broadcast %shift_right_arithmetic3A_716 : i32 to vector<16xi32>
          %shift_right_arithmetic3A_718 = arith.shrsi %and3A_715, %shift_right_arithmetic3A_717 : vector<16xi32>
          %add3A_719 = vector.broadcast %select_n3A_90 : i32 to vector<16xi32>
          %add3A_720 = arith.addi %shift_right_arithmetic3A_718, %add3A_719 : vector<16xi32>
          %add3A_721 = arith.constant 1408 : i32
          %add3A_722 = arith.addi %add3A_721, %mul3A_115 : i32
          %swap3A_723 = arith.index_cast %add3A_722 : i32 to index
          %swap3A_724 = tpu.vector_load %arg11[%swap3A_723] {strides = array<i32>} : memref<1536xi32, #tpu.memory_space<vmem>>, vector<16xi32>,
          tpu.vector_store %arg11[%swap3A_723], %add3A_720 {strides = array<i32>} : memref<1536xi32, #tpu.memory_space<vmem>>, vector<16xi32>,
          %and3A_725 = arith.constant 1 : i32
          %and3A_726 = vector.broadcast %and3A_725 : i32 to vector<16xi32>
          %and3A_727 = arith.andi %and3A_715, %and3A_726 : vector<16xi32>
          %shift_left3A_728 = arith.constant 2 : i32
          %shift_left3A_729 = vector.broadcast %shift_left3A_728 : i32 to vector<16xi32>
          %shift_left3A_730 = arith.shli %and3A_727, %shift_left3A_729 : vector<16xi32>
          %swap3A_731 = arith.constant 19 : i32
          %swap3A_732 = arith.index_cast %swap3A_731 : i32 to index
          %swap3A_733 = arith.index_cast %mul3A_115 : i32 to index
          %swap3A_734 = tpu.vector_load %arg12[%swap3A_732, %swap3A_733] {strides = array<i32>} : memref<20x128xi32, #tpu.memory_space<vmem>>, vector<16xi32>,
          tpu.vector_store %arg12[%swap3A_732, %swap3A_733], %shift_left3A_730 {strides = array<i32>} : memref<20x128xi32, #tpu.memory_space<vmem>>, vector<16xi32>,
          %mul3A_735 = arith.mulf %sub3A_138, %sub3A_140 : vector<16xf32>
          %add3A_736 = arith.constant 2432 : i32
          %add3A_737 = arith.addi %add3A_736, %mul3A_115 : i32
          %swap3A_738 = arith.index_cast %add3A_737 : i32 to index
          %swap3A_739 = tpu.vector_load %arg13[%swap3A_738] {strides = array<i32>} : memref<2560xf32, #tpu.memory_space<vmem>>, vector<16xf32>,
          tpu.vector_store %arg13[%swap3A_738], %mul3A_735 {strides = array<i32>} : memref<2560xf32, #tpu.memory_space<vmem>>, vector<16xf32>,
        }
        %scan3A_96 = arith.constant 8 : i32
        %dma_start3A = arith.constant 0 : i32
        %dma_start3A_97 = arith.constant 0 : i32
        %dma_start3A_98 = tpu.memref_slice %arg3[%dma_start3A, %dma_start3A_97] : memref<2097152x8xf32, #tpu.memory_space<hbm>> -> memref<2097152x8xf32, #tpu.memory_space<hbm>>
        tpu.enqueue_indirect_dma source(%dma_start3A_98 : memref<2097152x8xf32, #tpu.memory_space<hbm>>) target(%arg14 : memref<1024x8xf32, #tpu.memory_space<vmem>>) offsets(%arg10 : memref<1024xi32, #tpu.memory_space<vmem>>) semaphore(%arg18 : memref<!tpu.dma_semaphore, #tpu.memory_space<semaphore_mem>>)
        %dma_start3A_99 = arith.constant 0 : i32
        %dma_start3A_100 = arith.constant 0 : i32
        %dma_start3A_101 = tpu.memref_slice %arg4[%dma_start3A_99, %dma_start3A_100] : memref<98304x8xf32, #tpu.memory_space<hbm>> -> memref<98304x8xf32, #tpu.memory_space<hbm>>
        tpu.enqueue_indirect_dma source(%dma_start3A_101 : memref<98304x8xf32, #tpu.memory_space<hbm>>) target(%arg15 : memref<1536x8xf32, #tpu.memory_space<vmem>>) offsets(%arg11 : memref<1536xi32, #tpu.memory_space<vmem>>) semaphore(%arg18 : memref<!tpu.dma_semaphore, #tpu.memory_space<semaphore_mem>>)
        %dma_wait3A = arith.constant 0 : i32
        %dma_wait3A_102 = arith.constant 0 : i32
        %dma_wait3A_103 = tpu.memref_slice %arg3[%dma_wait3A, %dma_wait3A_102] : memref<2097152x8xf32, #tpu.memory_space<hbm>> -> memref<2097152x8xf32, #tpu.memory_space<hbm>>
        tpu.wait_indirect_dma semaphore(%arg18 : memref<!tpu.dma_semaphore, #tpu.memory_space<semaphore_mem>>) src(%dma_wait3A_103 : memref<2097152x8xf32, #tpu.memory_space<hbm>>) dst(%arg14 : memref<1024x8xf32, #tpu.memory_space<vmem>>)
        %dma_wait3A_104 = arith.constant 0 : i32
        %dma_wait3A_105 = arith.constant 0 : i32
        %dma_wait3A_106 = tpu.memref_slice %arg4[%dma_wait3A_104, %dma_wait3A_105] : memref<98304x8xf32, #tpu.memory_space<hbm>> -> memref<98304x8xf32, #tpu.memory_space<hbm>>
        tpu.wait_indirect_dma semaphore(%arg18 : memref<!tpu.dma_semaphore, #tpu.memory_space<semaphore_mem>>) src(%dma_wait3A_106 : memref<98304x8xf32, #tpu.memory_space<hbm>>) dst(%arg15 : memref<1536x8xf32, #tpu.memory_space<vmem>>)
        %scan3A_107 = arith.constant 0 : i32
        %scan3A_108 = arith.constant 0 : i32
        %scan3A_109 = arith.constant 8 : i32
        %scan3A_110 = arith.addi %scan3A_108, %scan3A_109 : i32
        %scan3A_111 = arith.constant 1 : i32
        scf.for %scan3A_113 = %scan3A_108 to %scan3A_110 step %scan3A_111  : i32 {
          %mul3A_114 = arith.constant 16 : i32
          %mul3A_115 = arith.muli %scan3A_113, %mul3A_114 : i32
          %add3A_116 = vector.broadcast %mul3A_115 : i32 to vector<16xi32>
          %add3A_117 = arith.addi %iota3A, %add3A_116 : vector<16xi32>
          %mul3A_118 = arith.constant 512 : i32
          %mul3A_119 = arith.muli %scan3A_113, %mul3A_118 : i32
          %mul3A_120 = arith.constant 4 : i32
          %mul3A_121 = arith.muli %mul3A_120, %scan3A_35 : i32
          %add3A_122 = arith.addi %mul3A_119, %mul3A_121 : i32
          %add3A_123 = vector.broadcast %add3A_122 : i32 to vector<16xi32>
          %add3A_124 = arith.addi %mul3A_11, %add3A_123 : vector<16xi32>
          %broadcast_in_dim3A_125 = arith.constant 0.000000e+00 : f32
          %broadcast_in_dim3A_126 = vector.broadcast %broadcast_in_dim3A_125 : f32 to vector<16xf32>
          %broadcast_in_dim3A_127 = arith.constant 0.000000e+00 : f32
          %broadcast_in_dim3A_128 = vector.broadcast %broadcast_in_dim3A_127 : f32 to vector<16xf32>
          %broadcast_in_dim3A_129 = arith.constant 0.000000e+00 : f32
          %broadcast_in_dim3A_130 = vector.broadcast %broadcast_in_dim3A_129 : f32 to vector<16xf32>
          %broadcast_in_dim3A_131 = arith.constant 0.000000e+00 : f32
          %broadcast_in_dim3A_132 = vector.broadcast %broadcast_in_dim3A_131 : f32 to vector<16xf32>
          %broadcast_in_dim3A_133 = arith.constant 0.000000e+00 : f32
          %broadcast_in_dim3A_134 = vector.broadcast %broadcast_in_dim3A_133 : f32 to vector<16xf32>
          %broadcast_in_dim3A_135 = arith.constant 0.000000e+00 : f32
          %broadcast_in_dim3A_136 = vector.broadcast %broadcast_in_dim3A_135 : f32 to vector<16xf32>
          %broadcast_in_dim3A_137 = arith.constant 0.000000e+00 : f32
          %broadcast_in_dim3A_138 = vector.broadcast %broadcast_in_dim3A_137 : f32 to vector<16xf32>
          %broadcast_in_dim3A_139 = arith.constant 0.000000e+00 : f32
          %broadcast_in_dim3A_140 = vector.broadcast %broadcast_in_dim3A_139 : f32 to vector<16xf32>
          %broadcast_in_dim3A_141 = arith.constant 0.000000e+00 : f32
          %broadcast_in_dim3A_142 = vector.broadcast %broadcast_in_dim3A_141 : f32 to vector<16xf32>
          %broadcast_in_dim3A_143 = arith.constant 0.000000e+00 : f32
          %broadcast_in_dim3A_144 = vector.broadcast %broadcast_in_dim3A_143 : f32 to vector<16xf32>
          %broadcast_in_dim3A_145 = arith.constant 0.000000e+00 : f32
          %broadcast_in_dim3A_146 = vector.broadcast %broadcast_in_dim3A_145 : f32 to vector<16xf32>
          %broadcast_in_dim3A_147 = arith.constant 0.000000e+00 : f32
          %broadcast_in_dim3A_148 = vector.broadcast %broadcast_in_dim3A_147 : f32 to vector<16xf32>
          %broadcast_in_dim3A_149 = arith.constant 0.000000e+00 : f32
          %broadcast_in_dim3A_150 = vector.broadcast %broadcast_in_dim3A_149 : f32 to vector<16xf32>
          %broadcast_in_dim3A_151 = arith.constant 0.000000e+00 : f32
          %broadcast_in_dim3A_152 = vector.broadcast %broadcast_in_dim3A_151 : f32 to vector<16xf32>
          %broadcast_in_dim3A_153 = arith.constant 0.000000e+00 : f32
          %broadcast_in_dim3A_154 = vector.broadcast %broadcast_in_dim3A_153 : f32 to vector<16xf32>
          %broadcast_in_dim3A_155 = arith.constant 0.000000e+00 : f32
          %broadcast_in_dim3A_156 = vector.broadcast %broadcast_in_dim3A_155 : f32 to vector<16xf32>
          %add3A_157 = arith.constant 0 : i32
          %add3A_158 = arith.addi %add3A_157, %mul3A_115 : i32
          %get3A_159 = arith.index_cast %add3A_158 : i32 to index
          %get3A_160 = tpu.vector_load %arg13[%get3A_159] {strides = array<i32>} : memref<2560xf32, #tpu.memory_space<vmem>>, vector<16xf32>,
          %get3A_161 = arith.constant 0 : i32
          %get3A_162 = arith.index_cast %get3A_161 : i32 to index
          %get3A_163 = arith.index_cast %mul3A_115 : i32 to index
          %get3A_164 = tpu.vector_load %arg12[%get3A_162, %get3A_163] {strides = array<i32>} : memref<20x128xi32, #tpu.memory_space<vmem>>, vector<16xi32>,
          %add3A_165 = arith.constant 0 : i32
          %add3A_166 = vector.broadcast %add3A_165 : i32 to vector<16xi32>
          %add3A_167 = arith.addi %add3A_117, %add3A_166 : vector<16xi32>
          %add3A_168 = arith.constant 0 : i32
          %add3A_169 = vector.broadcast %add3A_168 : i32 to vector<16xi32>
          %add3A_170 = arith.addi %get3A_164, %add3A_169 : vector<16xi32>
          %gather3A = tpu.vector_load_idx %arg14[%add3A_167, %add3A_170] : memref<1024x8xf32, #tpu.memory_space<vmem>>[vector<16xi32>, vector<16xi32>], vector<16xf32>,
          %mul3A_171 = arith.mulf %get3A_160, %gather3A : vector<16xf32>
          %add3A_172 = arith.addf %broadcast_in_dim3A_126, %mul3A_171 : vector<16xf32>
          %add3A_173 = arith.constant 1 : i32
          %add3A_174 = vector.broadcast %add3A_173 : i32 to vector<16xi32>
          %add3A_175 = arith.addi %get3A_164, %add3A_174 : vector<16xi32>
          %gather3A_176 = tpu.vector_load_idx %arg14[%add3A_167, %add3A_175] : memref<1024x8xf32, #tpu.memory_space<vmem>>[vector<16xi32>, vector<16xi32>], vector<16xf32>,
          %mul3A_177 = arith.mulf %get3A_160, %gather3A_176 : vector<16xf32>
          %add3A_178 = arith.addf %broadcast_in_dim3A_128, %mul3A_177 : vector<16xf32>
          %add3A_179 = arith.constant 2 : i32
          %add3A_180 = vector.broadcast %add3A_179 : i32 to vector<16xi32>
          %add3A_181 = arith.addi %get3A_164, %add3A_180 : vector<16xi32>
          %gather3A_182 = tpu.vector_load_idx %arg14[%add3A_167, %add3A_181] : memref<1024x8xf32, #tpu.memory_space<vmem>>[vector<16xi32>, vector<16xi32>], vector<16xf32>,
          %mul3A_183 = arith.mulf %get3A_160, %gather3A_182 : vector<16xf32>
          %add3A_184 = arith.addf %broadcast_in_dim3A_130, %mul3A_183 : vector<16xf32>
          %add3A_185 = arith.constant 3 : i32
          %add3A_186 = vector.broadcast %add3A_185 : i32 to vector<16xi32>
          %add3A_187 = arith.addi %get3A_164, %add3A_186 : vector<16xi32>
          %gather3A_188 = tpu.vector_load_idx %arg14[%add3A_167, %add3A_187] : memref<1024x8xf32, #tpu.memory_space<vmem>>[vector<16xi32>, vector<16xi32>], vector<16xf32>,
          %mul3A_189 = arith.mulf %get3A_160, %gather3A_188 : vector<16xf32>
          %add3A_190 = arith.addf %broadcast_in_dim3A_132, %mul3A_189 : vector<16xf32>
          %add3A_191 = arith.constant 128 : i32
          %add3A_192 = arith.addi %add3A_191, %mul3A_115 : i32
          %get3A_193 = arith.index_cast %add3A_192 : i32 to index
          %get3A_194 = tpu.vector_load %arg13[%get3A_193] {strides = array<i32>} : memref<2560xf32, #tpu.memory_space<vmem>>, vector<16xf32>,
          %get3A_195 = arith.constant 1 : i32
          %get3A_196 = arith.index_cast %get3A_195 : i32 to index
          %get3A_197 = arith.index_cast %mul3A_115 : i32 to index
          %get3A_198 = tpu.vector_load %arg12[%get3A_196, %get3A_197] {strides = array<i32>} : memref<20x128xi32, #tpu.memory_space<vmem>>, vector<16xi32>,
          %add3A_199 = arith.constant 128 : i32
          %add3A_200 = vector.broadcast %add3A_199 : i32 to vector<16xi32>
          %add3A_201 = arith.addi %add3A_117, %add3A_200 : vector<16xi32>
          %add3A_202 = arith.constant 0 : i32
          %add3A_203 = vector.broadcast %add3A_202 : i32 to vector<16xi32>
          %add3A_204 = arith.addi %get3A_198, %add3A_203 : vector<16xi32>
          %gather3A_205 = tpu.vector_load_idx %arg14[%add3A_201, %add3A_204] : memref<1024x8xf32, #tpu.memory_space<vmem>>[vector<16xi32>, vector<16xi32>], vector<16xf32>,
          %mul3A_206 = arith.mulf %get3A_194, %gather3A_205 : vector<16xf32>
          %add3A_207 = arith.addf %add3A_172, %mul3A_206 : vector<16xf32>
          %add3A_208 = arith.constant 1 : i32
          %add3A_209 = vector.broadcast %add3A_208 : i32 to vector<16xi32>
          %add3A_210 = arith.addi %get3A_198, %add3A_209 : vector<16xi32>
          %gather3A_211 = tpu.vector_load_idx %arg14[%add3A_201, %add3A_210] : memref<1024x8xf32, #tpu.memory_space<vmem>>[vector<16xi32>, vector<16xi32>], vector<16xf32>,
          %mul3A_212 = arith.mulf %get3A_194, %gather3A_211 : vector<16xf32>
          %add3A_213 = arith.addf %add3A_178, %mul3A_212 : vector<16xf32>
          %add3A_214 = arith.constant 2 : i32
          %add3A_215 = vector.broadcast %add3A_214 : i32 to vector<16xi32>
          %add3A_216 = arith.addi %get3A_198, %add3A_215 : vector<16xi32>
          %gather3A_217 = tpu.vector_load_idx %arg14[%add3A_201, %add3A_216] : memref<1024x8xf32, #tpu.memory_space<vmem>>[vector<16xi32>, vector<16xi32>], vector<16xf32>,
          %mul3A_218 = arith.mulf %get3A_194, %gather3A_217 : vector<16xf32>
          %add3A_219 = arith.addf %add3A_184, %mul3A_218 : vector<16xf32>
          %add3A_220 = arith.constant 3 : i32
          %add3A_221 = vector.broadcast %add3A_220 : i32 to vector<16xi32>
          %add3A_222 = arith.addi %get3A_198, %add3A_221 : vector<16xi32>
          %gather3A_223 = tpu.vector_load_idx %arg14[%add3A_201, %add3A_222] : memref<1024x8xf32, #tpu.memory_space<vmem>>[vector<16xi32>, vector<16xi32>], vector<16xf32>,
          %mul3A_224 = arith.mulf %get3A_194, %gather3A_223 : vector<16xf32>
          %add3A_225 = arith.addf %add3A_190, %mul3A_224 : vector<16xf32>
          %add3A_226 = arith.constant 256 : i32
          %add3A_227 = arith.addi %add3A_226, %mul3A_115 : i32
          %get3A_228 = arith.index_cast %add3A_227 : i32 to index
          %get3A_229 = tpu.vector_load %arg13[%get3A_228] {strides = array<i32>} : memref<2560xf32, #tpu.memory_space<vmem>>, vector<16xf32>,
          %get3A_230 = arith.constant 2 : i32
          %get3A_231 = arith.index_cast %get3A_230 : i32 to index
          %get3A_232 = arith.index_cast %mul3A_115 : i32 to index
          %get3A_233 = tpu.vector_load %arg12[%get3A_231, %get3A_232] {strides = array<i32>} : memref<20x128xi32, #tpu.memory_space<vmem>>, vector<16xi32>,
          %add3A_234 = arith.constant 256 : i32
          %add3A_235 = vector.broadcast %add3A_234 : i32 to vector<16xi32>
          %add3A_236 = arith.addi %add3A_117, %add3A_235 : vector<16xi32>
          %add3A_237 = arith.constant 0 : i32
          %add3A_238 = vector.broadcast %add3A_237 : i32 to vector<16xi32>
          %add3A_239 = arith.addi %get3A_233, %add3A_238 : vector<16xi32>
          %gather3A_240 = tpu.vector_load_idx %arg14[%add3A_236, %add3A_239] : memref<1024x8xf32, #tpu.memory_space<vmem>>[vector<16xi32>, vector<16xi32>], vector<16xf32>,
          %mul3A_241 = arith.mulf %get3A_229, %gather3A_240 : vector<16xf32>
          %add3A_242 = arith.addf %add3A_207, %mul3A_241 : vector<16xf32>
          %add3A_243 = arith.constant 1 : i32
          %add3A_244 = vector.broadcast %add3A_243 : i32 to vector<16xi32>
          %add3A_245 = arith.addi %get3A_233, %add3A_244 : vector<16xi32>
          %gather3A_246 = tpu.vector_load_idx %arg14[%add3A_236, %add3A_245] : memref<1024x8xf32, #tpu.memory_space<vmem>>[vector<16xi32>, vector<16xi32>], vector<16xf32>,
          %mul3A_247 = arith.mulf %get3A_229, %gather3A_246 : vector<16xf32>
          %add3A_248 = arith.addf %add3A_213, %mul3A_247 : vector<16xf32>
          %add3A_249 = arith.constant 2 : i32
          %add3A_250 = vector.broadcast %add3A_249 : i32 to vector<16xi32>
          %add3A_251 = arith.addi %get3A_233, %add3A_250 : vector<16xi32>
          %gather3A_252 = tpu.vector_load_idx %arg14[%add3A_236, %add3A_251] : memref<1024x8xf32, #tpu.memory_space<vmem>>[vector<16xi32>, vector<16xi32>], vector<16xf32>,
          %mul3A_253 = arith.mulf %get3A_229, %gather3A_252 : vector<16xf32>
          %add3A_254 = arith.addf %add3A_219, %mul3A_253 : vector<16xf32>
          %add3A_255 = arith.constant 3 : i32
          %add3A_256 = vector.broadcast %add3A_255 : i32 to vector<16xi32>
          %add3A_257 = arith.addi %get3A_233, %add3A_256 : vector<16xi32>
          %gather3A_258 = tpu.vector_load_idx %arg14[%add3A_236, %add3A_257] : memref<1024x8xf32, #tpu.memory_space<vmem>>[vector<16xi32>, vector<16xi32>], vector<16xf32>,
          %mul3A_259 = arith.mulf %get3A_229, %gather3A_258 : vector<16xf32>
          %add3A_260 = arith.addf %add3A_225, %mul3A_259 : vector<16xf32>
          %add3A_261 = arith.constant 384 : i32
          %add3A_262 = arith.addi %add3A_261, %mul3A_115 : i32
          %get3A_263 = arith.index_cast %add3A_262 : i32 to index
          %get3A_264 = tpu.vector_load %arg13[%get3A_263] {strides = array<i32>} : memref<2560xf32, #tpu.memory_space<vmem>>, vector<16xf32>,
          %get3A_265 = arith.constant 3 : i32
          %get3A_266 = arith.index_cast %get3A_265 : i32 to index
          %get3A_267 = arith.index_cast %mul3A_115 : i32 to index
          %get3A_268 = tpu.vector_load %arg12[%get3A_266, %get3A_267] {strides = array<i32>} : memref<20x128xi32, #tpu.memory_space<vmem>>, vector<16xi32>,
          %add3A_269 = arith.constant 384 : i32
          %add3A_270 = vector.broadcast %add3A_269 : i32 to vector<16xi32>
          %add3A_271 = arith.addi %add3A_117, %add3A_270 : vector<16xi32>
          %add3A_272 = arith.constant 0 : i32
          %add3A_273 = vector.broadcast %add3A_272 : i32 to vector<16xi32>
          %add3A_274 = arith.addi %get3A_268, %add3A_273 : vector<16xi32>
          %gather3A_275 = tpu.vector_load_idx %arg14[%add3A_271, %add3A_274] : memref<1024x8xf32, #tpu.memory_space<vmem>>[vector<16xi32>, vector<16xi32>], vector<16xf32>,
          %mul3A_276 = arith.mulf %get3A_264, %gather3A_275 : vector<16xf32>
          %add3A_277 = arith.addf %add3A_242, %mul3A_276 : vector<16xf32>
          %add3A_278 = arith.constant 1 : i32
          %add3A_279 = vector.broadcast %add3A_278 : i32 to vector<16xi32>
          %add3A_280 = arith.addi %get3A_268, %add3A_279 : vector<16xi32>
          %gather3A_281 = tpu.vector_load_idx %arg14[%add3A_271, %add3A_280] : memref<1024x8xf32, #tpu.memory_space<vmem>>[vector<16xi32>, vector<16xi32>], vector<16xf32>,
          %mul3A_282 = arith.mulf %get3A_264, %gather3A_281 : vector<16xf32>
          %add3A_283 = arith.addf %add3A_248, %mul3A_282 : vector<16xf32>
          %add3A_284 = arith.constant 2 : i32
          %add3A_285 = vector.broadcast %add3A_284 : i32 to vector<16xi32>
          %add3A_286 = arith.addi %get3A_268, %add3A_285 : vector<16xi32>
          %gather3A_287 = tpu.vector_load_idx %arg14[%add3A_271, %add3A_286] : memref<1024x8xf32, #tpu.memory_space<vmem>>[vector<16xi32>, vector<16xi32>], vector<16xf32>,
          %mul3A_288 = arith.mulf %get3A_264, %gather3A_287 : vector<16xf32>
          %add3A_289 = arith.addf %add3A_254, %mul3A_288 : vector<16xf32>
          %add3A_290 = arith.constant 3 : i32
          %add3A_291 = vector.broadcast %add3A_290 : i32 to vector<16xi32>
          %add3A_292 = arith.addi %get3A_268, %add3A_291 : vector<16xi32>
          %gather3A_293 = tpu.vector_load_idx %arg14[%add3A_271, %add3A_292] : memref<1024x8xf32, #tpu.memory_space<vmem>>[vector<16xi32>, vector<16xi32>], vector<16xf32>,
          %mul3A_294 = arith.mulf %get3A_264, %gather3A_293 : vector<16xf32>
          %add3A_295 = arith.addf %add3A_260, %mul3A_294 : vector<16xf32>
          %add3A_296 = arith.constant 512 : i32
          %add3A_297 = arith.addi %add3A_296, %mul3A_115 : i32
          %get3A_298 = arith.index_cast %add3A_297 : i32 to index
          %get3A_299 = tpu.vector_load %arg13[%get3A_298] {strides = array<i32>} : memref<2560xf32, #tpu.memory_space<vmem>>, vector<16xf32>,
          %get3A_300 = arith.constant 4 : i32
          %get3A_301 = arith.index_cast %get3A_300 : i32 to index
          %get3A_302 = arith.index_cast %mul3A_115 : i32 to index
          %get3A_303 = tpu.vector_load %arg12[%get3A_301, %get3A_302] {strides = array<i32>} : memref<20x128xi32, #tpu.memory_space<vmem>>, vector<16xi32>,
          %add3A_304 = arith.constant 512 : i32
          %add3A_305 = vector.broadcast %add3A_304 : i32 to vector<16xi32>
          %add3A_306 = arith.addi %add3A_117, %add3A_305 : vector<16xi32>
          %add3A_307 = arith.constant 0 : i32
          %add3A_308 = vector.broadcast %add3A_307 : i32 to vector<16xi32>
          %add3A_309 = arith.addi %get3A_303, %add3A_308 : vector<16xi32>
          %gather3A_310 = tpu.vector_load_idx %arg14[%add3A_306, %add3A_309] : memref<1024x8xf32, #tpu.memory_space<vmem>>[vector<16xi32>, vector<16xi32>], vector<16xf32>,
          %mul3A_311 = arith.mulf %get3A_299, %gather3A_310 : vector<16xf32>
          %add3A_312 = arith.addf %add3A_277, %mul3A_311 : vector<16xf32>
          %add3A_313 = arith.constant 1 : i32
          %add3A_314 = vector.broadcast %add3A_313 : i32 to vector<16xi32>
          %add3A_315 = arith.addi %get3A_303, %add3A_314 : vector<16xi32>
          %gather3A_316 = tpu.vector_load_idx %arg14[%add3A_306, %add3A_315] : memref<1024x8xf32, #tpu.memory_space<vmem>>[vector<16xi32>, vector<16xi32>], vector<16xf32>,
          %mul3A_317 = arith.mulf %get3A_299, %gather3A_316 : vector<16xf32>
          %add3A_318 = arith.addf %add3A_283, %mul3A_317 : vector<16xf32>
          %add3A_319 = arith.constant 2 : i32
          %add3A_320 = vector.broadcast %add3A_319 : i32 to vector<16xi32>
          %add3A_321 = arith.addi %get3A_303, %add3A_320 : vector<16xi32>
          %gather3A_322 = tpu.vector_load_idx %arg14[%add3A_306, %add3A_321] : memref<1024x8xf32, #tpu.memory_space<vmem>>[vector<16xi32>, vector<16xi32>], vector<16xf32>,
          %mul3A_323 = arith.mulf %get3A_299, %gather3A_322 : vector<16xf32>
          %add3A_324 = arith.addf %add3A_289, %mul3A_323 : vector<16xf32>
          %add3A_325 = arith.constant 3 : i32
          %add3A_326 = vector.broadcast %add3A_325 : i32 to vector<16xi32>
          %add3A_327 = arith.addi %get3A_303, %add3A_326 : vector<16xi32>
          %gather3A_328 = tpu.vector_load_idx %arg14[%add3A_306, %add3A_327] : memref<1024x8xf32, #tpu.memory_space<vmem>>[vector<16xi32>, vector<16xi32>], vector<16xf32>,
          %mul3A_329 = arith.mulf %get3A_299, %gather3A_328 : vector<16xf32>
          %add3A_330 = arith.addf %add3A_295, %mul3A_329 : vector<16xf32>
          %add3A_331 = arith.constant 640 : i32
          %add3A_332 = arith.addi %add3A_331, %mul3A_115 : i32
          %get3A_333 = arith.index_cast %add3A_332 : i32 to index
          %get3A_334 = tpu.vector_load %arg13[%get3A_333] {strides = array<i32>} : memref<2560xf32, #tpu.memory_space<vmem>>, vector<16xf32>,
          %get3A_335 = arith.constant 5 : i32
          %get3A_336 = arith.index_cast %get3A_335 : i32 to index
          %get3A_337 = arith.index_cast %mul3A_115 : i32 to index
          %get3A_338 = tpu.vector_load %arg12[%get3A_336, %get3A_337] {strides = array<i32>} : memref<20x128xi32, #tpu.memory_space<vmem>>, vector<16xi32>,
          %add3A_339 = arith.constant 640 : i32
          %add3A_340 = vector.broadcast %add3A_339 : i32 to vector<16xi32>
          %add3A_341 = arith.addi %add3A_117, %add3A_340 : vector<16xi32>
          %add3A_342 = arith.constant 0 : i32
          %add3A_343 = vector.broadcast %add3A_342 : i32 to vector<16xi32>
          %add3A_344 = arith.addi %get3A_338, %add3A_343 : vector<16xi32>
          %gather3A_345 = tpu.vector_load_idx %arg14[%add3A_341, %add3A_344] : memref<1024x8xf32, #tpu.memory_space<vmem>>[vector<16xi32>, vector<16xi32>], vector<16xf32>,
          %mul3A_346 = arith.mulf %get3A_334, %gather3A_345 : vector<16xf32>
          %add3A_347 = arith.addf %add3A_312, %mul3A_346 : vector<16xf32>
          %add3A_348 = arith.constant 1 : i32
          %add3A_349 = vector.broadcast %add3A_348 : i32 to vector<16xi32>
          %add3A_350 = arith.addi %get3A_338, %add3A_349 : vector<16xi32>
          %gather3A_351 = tpu.vector_load_idx %arg14[%add3A_341, %add3A_350] : memref<1024x8xf32, #tpu.memory_space<vmem>>[vector<16xi32>, vector<16xi32>], vector<16xf32>,
          %mul3A_352 = arith.mulf %get3A_334, %gather3A_351 : vector<16xf32>
          %add3A_353 = arith.addf %add3A_318, %mul3A_352 : vector<16xf32>
          %add3A_354 = arith.constant 2 : i32
          %add3A_355 = vector.broadcast %add3A_354 : i32 to vector<16xi32>
          %add3A_356 = arith.addi %get3A_338, %add3A_355 : vector<16xi32>
          %gather3A_357 = tpu.vector_load_idx %arg14[%add3A_341, %add3A_356] : memref<1024x8xf32, #tpu.memory_space<vmem>>[vector<16xi32>, vector<16xi32>], vector<16xf32>,
          %mul3A_358 = arith.mulf %get3A_334, %gather3A_357 : vector<16xf32>
          %add3A_359 = arith.addf %add3A_324, %mul3A_358 : vector<16xf32>
          %add3A_360 = arith.constant 3 : i32
          %add3A_361 = vector.broadcast %add3A_360 : i32 to vector<16xi32>
          %add3A_362 = arith.addi %get3A_338, %add3A_361 : vector<16xi32>
          %gather3A_363 = tpu.vector_load_idx %arg14[%add3A_341, %add3A_362] : memref<1024x8xf32, #tpu.memory_space<vmem>>[vector<16xi32>, vector<16xi32>], vector<16xf32>,
          %mul3A_364 = arith.mulf %get3A_334, %gather3A_363 : vector<16xf32>
          %add3A_365 = arith.addf %add3A_330, %mul3A_364 : vector<16xf32>
          %add3A_366 = arith.constant 768 : i32
          %add3A_367 = arith.addi %add3A_366, %mul3A_115 : i32
          %get3A_368 = arith.index_cast %add3A_367 : i32 to index
          %get3A_369 = tpu.vector_load %arg13[%get3A_368] {strides = array<i32>} : memref<2560xf32, #tpu.memory_space<vmem>>, vector<16xf32>,
          %get3A_370 = arith.constant 6 : i32
          %get3A_371 = arith.index_cast %get3A_370 : i32 to index
          %get3A_372 = arith.index_cast %mul3A_115 : i32 to index
          %get3A_373 = tpu.vector_load %arg12[%get3A_371, %get3A_372] {strides = array<i32>} : memref<20x128xi32, #tpu.memory_space<vmem>>, vector<16xi32>,
          %add3A_374 = arith.constant 768 : i32
          %add3A_375 = vector.broadcast %add3A_374 : i32 to vector<16xi32>
          %add3A_376 = arith.addi %add3A_117, %add3A_375 : vector<16xi32>
          %add3A_377 = arith.constant 0 : i32
          %add3A_378 = vector.broadcast %add3A_377 : i32 to vector<16xi32>
          %add3A_379 = arith.addi %get3A_373, %add3A_378 : vector<16xi32>
          %gather3A_380 = tpu.vector_load_idx %arg14[%add3A_376, %add3A_379] : memref<1024x8xf32, #tpu.memory_space<vmem>>[vector<16xi32>, vector<16xi32>], vector<16xf32>,
          %mul3A_381 = arith.mulf %get3A_369, %gather3A_380 : vector<16xf32>
          %add3A_382 = arith.addf %add3A_347, %mul3A_381 : vector<16xf32>
          %add3A_383 = arith.constant 1 : i32
          %add3A_384 = vector.broadcast %add3A_383 : i32 to vector<16xi32>
          %add3A_385 = arith.addi %get3A_373, %add3A_384 : vector<16xi32>
          %gather3A_386 = tpu.vector_load_idx %arg14[%add3A_376, %add3A_385] : memref<1024x8xf32, #tpu.memory_space<vmem>>[vector<16xi32>, vector<16xi32>], vector<16xf32>,
          %mul3A_387 = arith.mulf %get3A_369, %gather3A_386 : vector<16xf32>
          %add3A_388 = arith.addf %add3A_353, %mul3A_387 : vector<16xf32>
          %add3A_389 = arith.constant 2 : i32
          %add3A_390 = vector.broadcast %add3A_389 : i32 to vector<16xi32>
          %add3A_391 = arith.addi %get3A_373, %add3A_390 : vector<16xi32>
          %gather3A_392 = tpu.vector_load_idx %arg14[%add3A_376, %add3A_391] : memref<1024x8xf32, #tpu.memory_space<vmem>>[vector<16xi32>, vector<16xi32>], vector<16xf32>,
          %mul3A_393 = arith.mulf %get3A_369, %gather3A_392 : vector<16xf32>
          %add3A_394 = arith.addf %add3A_359, %mul3A_393 : vector<16xf32>
          %add3A_395 = arith.constant 3 : i32
          %add3A_396 = vector.broadcast %add3A_395 : i32 to vector<16xi32>
          %add3A_397 = arith.addi %get3A_373, %add3A_396 : vector<16xi32>
          %gather3A_398 = tpu.vector_load_idx %arg14[%add3A_376, %add3A_397] : memref<1024x8xf32, #tpu.memory_space<vmem>>[vector<16xi32>, vector<16xi32>], vector<16xf32>,
          %mul3A_399 = arith.mulf %get3A_369, %gather3A_398 : vector<16xf32>
          %add3A_400 = arith.addf %add3A_365, %mul3A_399 : vector<16xf32>
          %add3A_401 = arith.constant 896 : i32
          %add3A_402 = arith.addi %add3A_401, %mul3A_115 : i32
          %get3A_403 = arith.index_cast %add3A_402 : i32 to index
          %get3A_404 = tpu.vector_load %arg13[%get3A_403] {strides = array<i32>} : memref<2560xf32, #tpu.memory_space<vmem>>, vector<16xf32>,
          %get3A_405 = arith.constant 7 : i32
          %get3A_406 = arith.index_cast %get3A_405 : i32 to index
          %get3A_407 = arith.index_cast %mul3A_115 : i32 to index
          %get3A_408 = tpu.vector_load %arg12[%get3A_406, %get3A_407] {strides = array<i32>} : memref<20x128xi32, #tpu.memory_space<vmem>>, vector<16xi32>,
          %add3A_409 = arith.constant 896 : i32
          %add3A_410 = vector.broadcast %add3A_409 : i32 to vector<16xi32>
          %add3A_411 = arith.addi %add3A_117, %add3A_410 : vector<16xi32>
          %add3A_412 = arith.constant 0 : i32
          %add3A_413 = vector.broadcast %add3A_412 : i32 to vector<16xi32>
          %add3A_414 = arith.addi %get3A_408, %add3A_413 : vector<16xi32>
          %gather3A_415 = tpu.vector_load_idx %arg14[%add3A_411, %add3A_414] : memref<1024x8xf32, #tpu.memory_space<vmem>>[vector<16xi32>, vector<16xi32>], vector<16xf32>,
          %mul3A_416 = arith.mulf %get3A_404, %gather3A_415 : vector<16xf32>
          %add3A_417 = arith.addf %add3A_382, %mul3A_416 : vector<16xf32>
          %add3A_418 = arith.constant 1 : i32
          %add3A_419 = vector.broadcast %add3A_418 : i32 to vector<16xi32>
          %add3A_420 = arith.addi %get3A_408, %add3A_419 : vector<16xi32>
          %gather3A_421 = tpu.vector_load_idx %arg14[%add3A_411, %add3A_420] : memref<1024x8xf32, #tpu.memory_space<vmem>>[vector<16xi32>, vector<16xi32>], vector<16xf32>,
          %mul3A_422 = arith.mulf %get3A_404, %gather3A_421 : vector<16xf32>
          %add3A_423 = arith.addf %add3A_388, %mul3A_422 : vector<16xf32>
          %add3A_424 = arith.constant 2 : i32
          %add3A_425 = vector.broadcast %add3A_424 : i32 to vector<16xi32>
          %add3A_426 = arith.addi %get3A_408, %add3A_425 : vector<16xi32>
          %gather3A_427 = tpu.vector_load_idx %arg14[%add3A_411, %add3A_426] : memref<1024x8xf32, #tpu.memory_space<vmem>>[vector<16xi32>, vector<16xi32>], vector<16xf32>,
          %mul3A_428 = arith.mulf %get3A_404, %gather3A_427 : vector<16xf32>
          %add3A_429 = arith.addf %add3A_394, %mul3A_428 : vector<16xf32>
          %add3A_430 = arith.constant 3 : i32
          %add3A_431 = vector.broadcast %add3A_430 : i32 to vector<16xi32>
          %add3A_432 = arith.addi %get3A_408, %add3A_431 : vector<16xi32>
          %gather3A_433 = tpu.vector_load_idx %arg14[%add3A_411, %add3A_432] : memref<1024x8xf32, #tpu.memory_space<vmem>>[vector<16xi32>, vector<16xi32>], vector<16xf32>,
          %mul3A_434 = arith.mulf %get3A_404, %gather3A_433 : vector<16xf32>
          %add3A_435 = arith.addf %add3A_400, %mul3A_434 : vector<16xf32>
          %add3A_436 = arith.constant 1024 : i32
          %add3A_437 = arith.addi %add3A_436, %mul3A_115 : i32
          %get3A_438 = arith.index_cast %add3A_437 : i32 to index
          %get3A_439 = tpu.vector_load %arg13[%get3A_438] {strides = array<i32>} : memref<2560xf32, #tpu.memory_space<vmem>>, vector<16xf32>,
          %get3A_440 = arith.constant 8 : i32
          %get3A_441 = arith.index_cast %get3A_440 : i32 to index
          %get3A_442 = arith.index_cast %mul3A_115 : i32 to index
          %get3A_443 = tpu.vector_load %arg12[%get3A_441, %get3A_442] {strides = array<i32>} : memref<20x128xi32, #tpu.memory_space<vmem>>, vector<16xi32>,
          %add3A_444 = arith.constant 0 : i32
          %add3A_445 = vector.broadcast %add3A_444 : i32 to vector<16xi32>
          %add3A_446 = arith.addi %add3A_117, %add3A_445 : vector<16xi32>
          %add3A_447 = arith.constant 0 : i32
          %add3A_448 = vector.broadcast %add3A_447 : i32 to vector<16xi32>
          %add3A_449 = arith.addi %get3A_443, %add3A_448 : vector<16xi32>
          %gather3A_450 = tpu.vector_load_idx %arg15[%add3A_446, %add3A_449] : memref<1536x8xf32, #tpu.memory_space<vmem>>[vector<16xi32>, vector<16xi32>], vector<16xf32>,
          %mul3A_451 = arith.mulf %get3A_439, %gather3A_450 : vector<16xf32>
          %add3A_452 = arith.addf %broadcast_in_dim3A_134, %mul3A_451 : vector<16xf32>
          %add3A_453 = arith.constant 1 : i32
          %add3A_454 = vector.broadcast %add3A_453 : i32 to vector<16xi32>
          %add3A_455 = arith.addi %get3A_443, %add3A_454 : vector<16xi32>
          %gather3A_456 = tpu.vector_load_idx %arg15[%add3A_446, %add3A_455] : memref<1536x8xf32, #tpu.memory_space<vmem>>[vector<16xi32>, vector<16xi32>], vector<16xf32>,
          %mul3A_457 = arith.mulf %get3A_439, %gather3A_456 : vector<16xf32>
          %add3A_458 = arith.addf %broadcast_in_dim3A_136, %mul3A_457 : vector<16xf32>
          %add3A_459 = arith.constant 2 : i32
          %add3A_460 = vector.broadcast %add3A_459 : i32 to vector<16xi32>
          %add3A_461 = arith.addi %get3A_443, %add3A_460 : vector<16xi32>
          %gather3A_462 = tpu.vector_load_idx %arg15[%add3A_446, %add3A_461] : memref<1536x8xf32, #tpu.memory_space<vmem>>[vector<16xi32>, vector<16xi32>], vector<16xf32>,
          %mul3A_463 = arith.mulf %get3A_439, %gather3A_462 : vector<16xf32>
          %add3A_464 = arith.addf %broadcast_in_dim3A_138, %mul3A_463 : vector<16xf32>
          %add3A_465 = arith.constant 3 : i32
          %add3A_466 = vector.broadcast %add3A_465 : i32 to vector<16xi32>
          %add3A_467 = arith.addi %get3A_443, %add3A_466 : vector<16xi32>
          %gather3A_468 = tpu.vector_load_idx %arg15[%add3A_446, %add3A_467] : memref<1536x8xf32, #tpu.memory_space<vmem>>[vector<16xi32>, vector<16xi32>], vector<16xf32>,
          %mul3A_469 = arith.mulf %get3A_439, %gather3A_468 : vector<16xf32>
          %add3A_470 = arith.addf %broadcast_in_dim3A_140, %mul3A_469 : vector<16xf32>
          %add3A_471 = arith.constant 1152 : i32
          %add3A_472 = arith.addi %add3A_471, %mul3A_115 : i32
          %get3A_473 = arith.index_cast %add3A_472 : i32 to index
          %get3A_474 = tpu.vector_load %arg13[%get3A_473] {strides = array<i32>} : memref<2560xf32, #tpu.memory_space<vmem>>, vector<16xf32>,
          %get3A_475 = arith.constant 9 : i32
          %get3A_476 = arith.index_cast %get3A_475 : i32 to index
          %get3A_477 = arith.index_cast %mul3A_115 : i32 to index
          %get3A_478 = tpu.vector_load %arg12[%get3A_476, %get3A_477] {strides = array<i32>} : memref<20x128xi32, #tpu.memory_space<vmem>>, vector<16xi32>,
          %add3A_479 = arith.constant 128 : i32
          %add3A_480 = vector.broadcast %add3A_479 : i32 to vector<16xi32>
          %add3A_481 = arith.addi %add3A_117, %add3A_480 : vector<16xi32>
          %add3A_482 = arith.constant 0 : i32
          %add3A_483 = vector.broadcast %add3A_482 : i32 to vector<16xi32>
          %add3A_484 = arith.addi %get3A_478, %add3A_483 : vector<16xi32>
          %gather3A_485 = tpu.vector_load_idx %arg15[%add3A_481, %add3A_484] : memref<1536x8xf32, #tpu.memory_space<vmem>>[vector<16xi32>, vector<16xi32>], vector<16xf32>,
          %mul3A_486 = arith.mulf %get3A_474, %gather3A_485 : vector<16xf32>
          %add3A_487 = arith.addf %add3A_452, %mul3A_486 : vector<16xf32>
          %add3A_488 = arith.constant 1 : i32
          %add3A_489 = vector.broadcast %add3A_488 : i32 to vector<16xi32>
          %add3A_490 = arith.addi %get3A_478, %add3A_489 : vector<16xi32>
          %gather3A_491 = tpu.vector_load_idx %arg15[%add3A_481, %add3A_490] : memref<1536x8xf32, #tpu.memory_space<vmem>>[vector<16xi32>, vector<16xi32>], vector<16xf32>,
          %mul3A_492 = arith.mulf %get3A_474, %gather3A_491 : vector<16xf32>
          %add3A_493 = arith.addf %add3A_458, %mul3A_492 : vector<16xf32>
          %add3A_494 = arith.constant 2 : i32
          %add3A_495 = vector.broadcast %add3A_494 : i32 to vector<16xi32>
          %add3A_496 = arith.addi %get3A_478, %add3A_495 : vector<16xi32>
          %gather3A_497 = tpu.vector_load_idx %arg15[%add3A_481, %add3A_496] : memref<1536x8xf32, #tpu.memory_space<vmem>>[vector<16xi32>, vector<16xi32>], vector<16xf32>,
          %mul3A_498 = arith.mulf %get3A_474, %gather3A_497 : vector<16xf32>
          %add3A_499 = arith.addf %add3A_464, %mul3A_498 : vector<16xf32>
          %add3A_500 = arith.constant 3 : i32
          %add3A_501 = vector.broadcast %add3A_500 : i32 to vector<16xi32>
          %add3A_502 = arith.addi %get3A_478, %add3A_501 : vector<16xi32>
          %gather3A_503 = tpu.vector_load_idx %arg15[%add3A_481, %add3A_502] : memref<1536x8xf32, #tpu.memory_space<vmem>>[vector<16xi32>, vector<16xi32>], vector<16xf32>,
          %mul3A_504 = arith.mulf %get3A_474, %gather3A_503 : vector<16xf32>
          %add3A_505 = arith.addf %add3A_470, %mul3A_504 : vector<16xf32>
          %add3A_506 = arith.constant 1280 : i32
          %add3A_507 = arith.addi %add3A_506, %mul3A_115 : i32
          %get3A_508 = arith.index_cast %add3A_507 : i32 to index
          %get3A_509 = tpu.vector_load %arg13[%get3A_508] {strides = array<i32>} : memref<2560xf32, #tpu.memory_space<vmem>>, vector<16xf32>,
          %get3A_510 = arith.constant 10 : i32
          %get3A_511 = arith.index_cast %get3A_510 : i32 to index
          %get3A_512 = arith.index_cast %mul3A_115 : i32 to index
          %get3A_513 = tpu.vector_load %arg12[%get3A_511, %get3A_512] {strides = array<i32>} : memref<20x128xi32, #tpu.memory_space<vmem>>, vector<16xi32>,
          %add3A_514 = arith.constant 256 : i32
          %add3A_515 = vector.broadcast %add3A_514 : i32 to vector<16xi32>
          %add3A_516 = arith.addi %add3A_117, %add3A_515 : vector<16xi32>
          %add3A_517 = arith.constant 0 : i32
          %add3A_518 = vector.broadcast %add3A_517 : i32 to vector<16xi32>
          %add3A_519 = arith.addi %get3A_513, %add3A_518 : vector<16xi32>
          %gather3A_520 = tpu.vector_load_idx %arg15[%add3A_516, %add3A_519] : memref<1536x8xf32, #tpu.memory_space<vmem>>[vector<16xi32>, vector<16xi32>], vector<16xf32>,
          %mul3A_521 = arith.mulf %get3A_509, %gather3A_520 : vector<16xf32>
          %add3A_522 = arith.addf %add3A_487, %mul3A_521 : vector<16xf32>
          %add3A_523 = arith.constant 1 : i32
          %add3A_524 = vector.broadcast %add3A_523 : i32 to vector<16xi32>
          %add3A_525 = arith.addi %get3A_513, %add3A_524 : vector<16xi32>
          %gather3A_526 = tpu.vector_load_idx %arg15[%add3A_516, %add3A_525] : memref<1536x8xf32, #tpu.memory_space<vmem>>[vector<16xi32>, vector<16xi32>], vector<16xf32>,
          %mul3A_527 = arith.mulf %get3A_509, %gather3A_526 : vector<16xf32>
          %add3A_528 = arith.addf %add3A_493, %mul3A_527 : vector<16xf32>
          %add3A_529 = arith.constant 2 : i32
          %add3A_530 = vector.broadcast %add3A_529 : i32 to vector<16xi32>
          %add3A_531 = arith.addi %get3A_513, %add3A_530 : vector<16xi32>
          %gather3A_532 = tpu.vector_load_idx %arg15[%add3A_516, %add3A_531] : memref<1536x8xf32, #tpu.memory_space<vmem>>[vector<16xi32>, vector<16xi32>], vector<16xf32>,
          %mul3A_533 = arith.mulf %get3A_509, %gather3A_532 : vector<16xf32>
          %add3A_534 = arith.addf %add3A_499, %mul3A_533 : vector<16xf32>
          %add3A_535 = arith.constant 3 : i32
          %add3A_536 = vector.broadcast %add3A_535 : i32 to vector<16xi32>
          %add3A_537 = arith.addi %get3A_513, %add3A_536 : vector<16xi32>
          %gather3A_538 = tpu.vector_load_idx %arg15[%add3A_516, %add3A_537] : memref<1536x8xf32, #tpu.memory_space<vmem>>[vector<16xi32>, vector<16xi32>], vector<16xf32>,
          %mul3A_539 = arith.mulf %get3A_509, %gather3A_538 : vector<16xf32>
          %add3A_540 = arith.addf %add3A_505, %mul3A_539 : vector<16xf32>
          %add3A_541 = arith.constant 1408 : i32
          %add3A_542 = arith.addi %add3A_541, %mul3A_115 : i32
          %get3A_543 = arith.index_cast %add3A_542 : i32 to index
          %get3A_544 = tpu.vector_load %arg13[%get3A_543] {strides = array<i32>} : memref<2560xf32, #tpu.memory_space<vmem>>, vector<16xf32>,
          %get3A_545 = arith.constant 11 : i32
          %get3A_546 = arith.index_cast %get3A_545 : i32 to index
          %get3A_547 = arith.index_cast %mul3A_115 : i32 to index
          %get3A_548 = tpu.vector_load %arg12[%get3A_546, %get3A_547] {strides = array<i32>} : memref<20x128xi32, #tpu.memory_space<vmem>>, vector<16xi32>,
          %add3A_549 = arith.constant 384 : i32
          %add3A_550 = vector.broadcast %add3A_549 : i32 to vector<16xi32>
          %add3A_551 = arith.addi %add3A_117, %add3A_550 : vector<16xi32>
          %add3A_552 = arith.constant 0 : i32
          %add3A_553 = vector.broadcast %add3A_552 : i32 to vector<16xi32>
          %add3A_554 = arith.addi %get3A_548, %add3A_553 : vector<16xi32>
          %gather3A_555 = tpu.vector_load_idx %arg15[%add3A_551, %add3A_554] : memref<1536x8xf32, #tpu.memory_space<vmem>>[vector<16xi32>, vector<16xi32>], vector<16xf32>,
          %mul3A_556 = arith.mulf %get3A_544, %gather3A_555 : vector<16xf32>
          %add3A_557 = arith.addf %add3A_522, %mul3A_556 : vector<16xf32>
          %add3A_558 = arith.constant 1 : i32
          %add3A_559 = vector.broadcast %add3A_558 : i32 to vector<16xi32>
          %add3A_560 = arith.addi %get3A_548, %add3A_559 : vector<16xi32>
          %gather3A_561 = tpu.vector_load_idx %arg15[%add3A_551, %add3A_560] : memref<1536x8xf32, #tpu.memory_space<vmem>>[vector<16xi32>, vector<16xi32>], vector<16xf32>,
          %mul3A_562 = arith.mulf %get3A_544, %gather3A_561 : vector<16xf32>
          %add3A_563 = arith.addf %add3A_528, %mul3A_562 : vector<16xf32>
          %add3A_564 = arith.constant 2 : i32
          %add3A_565 = vector.broadcast %add3A_564 : i32 to vector<16xi32>
          %add3A_566 = arith.addi %get3A_548, %add3A_565 : vector<16xi32>
          %gather3A_567 = tpu.vector_load_idx %arg15[%add3A_551, %add3A_566] : memref<1536x8xf32, #tpu.memory_space<vmem>>[vector<16xi32>, vector<16xi32>], vector<16xf32>,
          %mul3A_568 = arith.mulf %get3A_544, %gather3A_567 : vector<16xf32>
          %add3A_569 = arith.addf %add3A_534, %mul3A_568 : vector<16xf32>
          %add3A_570 = arith.constant 3 : i32
          %add3A_571 = vector.broadcast %add3A_570 : i32 to vector<16xi32>
          %add3A_572 = arith.addi %get3A_548, %add3A_571 : vector<16xi32>
          %gather3A_573 = tpu.vector_load_idx %arg15[%add3A_551, %add3A_572] : memref<1536x8xf32, #tpu.memory_space<vmem>>[vector<16xi32>, vector<16xi32>], vector<16xf32>,
          %mul3A_574 = arith.mulf %get3A_544, %gather3A_573 : vector<16xf32>
          %add3A_575 = arith.addf %add3A_540, %mul3A_574 : vector<16xf32>
          %add3A_576 = arith.constant 1536 : i32
          %add3A_577 = arith.addi %add3A_576, %mul3A_115 : i32
          %get3A_578 = arith.index_cast %add3A_577 : i32 to index
          %get3A_579 = tpu.vector_load %arg13[%get3A_578] {strides = array<i32>} : memref<2560xf32, #tpu.memory_space<vmem>>, vector<16xf32>,
          %get3A_580 = arith.constant 12 : i32
          %get3A_581 = arith.index_cast %get3A_580 : i32 to index
          %get3A_582 = arith.index_cast %mul3A_115 : i32 to index
          %get3A_583 = tpu.vector_load %arg12[%get3A_581, %get3A_582] {strides = array<i32>} : memref<20x128xi32, #tpu.memory_space<vmem>>, vector<16xi32>,
          %add3A_584 = arith.constant 512 : i32
          %add3A_585 = vector.broadcast %add3A_584 : i32 to vector<16xi32>
          %add3A_586 = arith.addi %add3A_117, %add3A_585 : vector<16xi32>
          %add3A_587 = arith.constant 0 : i32
          %add3A_588 = vector.broadcast %add3A_587 : i32 to vector<16xi32>
          %add3A_589 = arith.addi %get3A_583, %add3A_588 : vector<16xi32>
          %gather3A_590 = tpu.vector_load_idx %arg15[%add3A_586, %add3A_589] : memref<1536x8xf32, #tpu.memory_space<vmem>>[vector<16xi32>, vector<16xi32>], vector<16xf32>,
          %mul3A_591 = arith.mulf %get3A_579, %gather3A_590 : vector<16xf32>
          %add3A_592 = arith.addf %broadcast_in_dim3A_142, %mul3A_591 : vector<16xf32>
          %add3A_593 = arith.constant 1 : i32
          %add3A_594 = vector.broadcast %add3A_593 : i32 to vector<16xi32>
          %add3A_595 = arith.addi %get3A_583, %add3A_594 : vector<16xi32>
          %gather3A_596 = tpu.vector_load_idx %arg15[%add3A_586, %add3A_595] : memref<1536x8xf32, #tpu.memory_space<vmem>>[vector<16xi32>, vector<16xi32>], vector<16xf32>,
          %mul3A_597 = arith.mulf %get3A_579, %gather3A_596 : vector<16xf32>
          %add3A_598 = arith.addf %broadcast_in_dim3A_144, %mul3A_597 : vector<16xf32>
          %add3A_599 = arith.constant 2 : i32
          %add3A_600 = vector.broadcast %add3A_599 : i32 to vector<16xi32>
          %add3A_601 = arith.addi %get3A_583, %add3A_600 : vector<16xi32>
          %gather3A_602 = tpu.vector_load_idx %arg15[%add3A_586, %add3A_601] : memref<1536x8xf32, #tpu.memory_space<vmem>>[vector<16xi32>, vector<16xi32>], vector<16xf32>,
          %mul3A_603 = arith.mulf %get3A_579, %gather3A_602 : vector<16xf32>
          %add3A_604 = arith.addf %broadcast_in_dim3A_146, %mul3A_603 : vector<16xf32>
          %add3A_605 = arith.constant 3 : i32
          %add3A_606 = vector.broadcast %add3A_605 : i32 to vector<16xi32>
          %add3A_607 = arith.addi %get3A_583, %add3A_606 : vector<16xi32>
          %gather3A_608 = tpu.vector_load_idx %arg15[%add3A_586, %add3A_607] : memref<1536x8xf32, #tpu.memory_space<vmem>>[vector<16xi32>, vector<16xi32>], vector<16xf32>,
          %mul3A_609 = arith.mulf %get3A_579, %gather3A_608 : vector<16xf32>
          %add3A_610 = arith.addf %broadcast_in_dim3A_148, %mul3A_609 : vector<16xf32>
          %add3A_611 = arith.constant 1664 : i32
          %add3A_612 = arith.addi %add3A_611, %mul3A_115 : i32
          %get3A_613 = arith.index_cast %add3A_612 : i32 to index
          %get3A_614 = tpu.vector_load %arg13[%get3A_613] {strides = array<i32>} : memref<2560xf32, #tpu.memory_space<vmem>>, vector<16xf32>,
          %get3A_615 = arith.constant 13 : i32
          %get3A_616 = arith.index_cast %get3A_615 : i32 to index
          %get3A_617 = arith.index_cast %mul3A_115 : i32 to index
          %get3A_618 = tpu.vector_load %arg12[%get3A_616, %get3A_617] {strides = array<i32>} : memref<20x128xi32, #tpu.memory_space<vmem>>, vector<16xi32>,
          %add3A_619 = arith.constant 640 : i32
          %add3A_620 = vector.broadcast %add3A_619 : i32 to vector<16xi32>
          %add3A_621 = arith.addi %add3A_117, %add3A_620 : vector<16xi32>
          %add3A_622 = arith.constant 0 : i32
          %add3A_623 = vector.broadcast %add3A_622 : i32 to vector<16xi32>
          %add3A_624 = arith.addi %get3A_618, %add3A_623 : vector<16xi32>
          %gather3A_625 = tpu.vector_load_idx %arg15[%add3A_621, %add3A_624] : memref<1536x8xf32, #tpu.memory_space<vmem>>[vector<16xi32>, vector<16xi32>], vector<16xf32>,
          %mul3A_626 = arith.mulf %get3A_614, %gather3A_625 : vector<16xf32>
          %add3A_627 = arith.addf %add3A_592, %mul3A_626 : vector<16xf32>
          %add3A_628 = arith.constant 1 : i32
          %add3A_629 = vector.broadcast %add3A_628 : i32 to vector<16xi32>
          %add3A_630 = arith.addi %get3A_618, %add3A_629 : vector<16xi32>
          %gather3A_631 = tpu.vector_load_idx %arg15[%add3A_621, %add3A_630] : memref<1536x8xf32, #tpu.memory_space<vmem>>[vector<16xi32>, vector<16xi32>], vector<16xf32>,
          %mul3A_632 = arith.mulf %get3A_614, %gather3A_631 : vector<16xf32>
          %add3A_633 = arith.addf %add3A_598, %mul3A_632 : vector<16xf32>
          %add3A_634 = arith.constant 2 : i32
          %add3A_635 = vector.broadcast %add3A_634 : i32 to vector<16xi32>
          %add3A_636 = arith.addi %get3A_618, %add3A_635 : vector<16xi32>
          %gather3A_637 = tpu.vector_load_idx %arg15[%add3A_621, %add3A_636] : memref<1536x8xf32, #tpu.memory_space<vmem>>[vector<16xi32>, vector<16xi32>], vector<16xf32>,
          %mul3A_638 = arith.mulf %get3A_614, %gather3A_637 : vector<16xf32>
          %add3A_639 = arith.addf %add3A_604, %mul3A_638 : vector<16xf32>
          %add3A_640 = arith.constant 3 : i32
          %add3A_641 = vector.broadcast %add3A_640 : i32 to vector<16xi32>
          %add3A_642 = arith.addi %get3A_618, %add3A_641 : vector<16xi32>
          %gather3A_643 = tpu.vector_load_idx %arg15[%add3A_621, %add3A_642] : memref<1536x8xf32, #tpu.memory_space<vmem>>[vector<16xi32>, vector<16xi32>], vector<16xf32>,
          %mul3A_644 = arith.mulf %get3A_614, %gather3A_643 : vector<16xf32>
          %add3A_645 = arith.addf %add3A_610, %mul3A_644 : vector<16xf32>
          %add3A_646 = arith.constant 1792 : i32
          %add3A_647 = arith.addi %add3A_646, %mul3A_115 : i32
          %get3A_648 = arith.index_cast %add3A_647 : i32 to index
          %get3A_649 = tpu.vector_load %arg13[%get3A_648] {strides = array<i32>} : memref<2560xf32, #tpu.memory_space<vmem>>, vector<16xf32>,
          %get3A_650 = arith.constant 14 : i32
          %get3A_651 = arith.index_cast %get3A_650 : i32 to index
          %get3A_652 = arith.index_cast %mul3A_115 : i32 to index
          %get3A_653 = tpu.vector_load %arg12[%get3A_651, %get3A_652] {strides = array<i32>} : memref<20x128xi32, #tpu.memory_space<vmem>>, vector<16xi32>,
          %add3A_654 = arith.constant 768 : i32
          %add3A_655 = vector.broadcast %add3A_654 : i32 to vector<16xi32>
          %add3A_656 = arith.addi %add3A_117, %add3A_655 : vector<16xi32>
          %add3A_657 = arith.constant 0 : i32
          %add3A_658 = vector.broadcast %add3A_657 : i32 to vector<16xi32>
          %add3A_659 = arith.addi %get3A_653, %add3A_658 : vector<16xi32>
          %gather3A_660 = tpu.vector_load_idx %arg15[%add3A_656, %add3A_659] : memref<1536x8xf32, #tpu.memory_space<vmem>>[vector<16xi32>, vector<16xi32>], vector<16xf32>,
          %mul3A_661 = arith.mulf %get3A_649, %gather3A_660 : vector<16xf32>
          %add3A_662 = arith.addf %add3A_627, %mul3A_661 : vector<16xf32>
          %add3A_663 = arith.constant 1 : i32
          %add3A_664 = vector.broadcast %add3A_663 : i32 to vector<16xi32>
          %add3A_665 = arith.addi %get3A_653, %add3A_664 : vector<16xi32>
          %gather3A_666 = tpu.vector_load_idx %arg15[%add3A_656, %add3A_665] : memref<1536x8xf32, #tpu.memory_space<vmem>>[vector<16xi32>, vector<16xi32>], vector<16xf32>,
          %mul3A_667 = arith.mulf %get3A_649, %gather3A_666 : vector<16xf32>
          %add3A_668 = arith.addf %add3A_633, %mul3A_667 : vector<16xf32>
          %add3A_669 = arith.constant 2 : i32
          %add3A_670 = vector.broadcast %add3A_669 : i32 to vector<16xi32>
          %add3A_671 = arith.addi %get3A_653, %add3A_670 : vector<16xi32>
          %gather3A_672 = tpu.vector_load_idx %arg15[%add3A_656, %add3A_671] : memref<1536x8xf32, #tpu.memory_space<vmem>>[vector<16xi32>, vector<16xi32>], vector<16xf32>,
          %mul3A_673 = arith.mulf %get3A_649, %gather3A_672 : vector<16xf32>
          %add3A_674 = arith.addf %add3A_639, %mul3A_673 : vector<16xf32>
          %add3A_675 = arith.constant 3 : i32
          %add3A_676 = vector.broadcast %add3A_675 : i32 to vector<16xi32>
          %add3A_677 = arith.addi %get3A_653, %add3A_676 : vector<16xi32>
          %gather3A_678 = tpu.vector_load_idx %arg15[%add3A_656, %add3A_677] : memref<1536x8xf32, #tpu.memory_space<vmem>>[vector<16xi32>, vector<16xi32>], vector<16xf32>,
          %mul3A_679 = arith.mulf %get3A_649, %gather3A_678 : vector<16xf32>
          %add3A_680 = arith.addf %add3A_645, %mul3A_679 : vector<16xf32>
          %add3A_681 = arith.constant 1920 : i32
          %add3A_682 = arith.addi %add3A_681, %mul3A_115 : i32
          %get3A_683 = arith.index_cast %add3A_682 : i32 to index
          %get3A_684 = tpu.vector_load %arg13[%get3A_683] {strides = array<i32>} : memref<2560xf32, #tpu.memory_space<vmem>>, vector<16xf32>,
          %get3A_685 = arith.constant 15 : i32
          %get3A_686 = arith.index_cast %get3A_685 : i32 to index
          %get3A_687 = arith.index_cast %mul3A_115 : i32 to index
          %get3A_688 = tpu.vector_load %arg12[%get3A_686, %get3A_687] {strides = array<i32>} : memref<20x128xi32, #tpu.memory_space<vmem>>, vector<16xi32>,
          %add3A_689 = arith.constant 896 : i32
          %add3A_690 = vector.broadcast %add3A_689 : i32 to vector<16xi32>
          %add3A_691 = arith.addi %add3A_117, %add3A_690 : vector<16xi32>
          %add3A_692 = arith.constant 0 : i32
          %add3A_693 = vector.broadcast %add3A_692 : i32 to vector<16xi32>
          %add3A_694 = arith.addi %get3A_688, %add3A_693 : vector<16xi32>
          %gather3A_695 = tpu.vector_load_idx %arg15[%add3A_691, %add3A_694] : memref<1536x8xf32, #tpu.memory_space<vmem>>[vector<16xi32>, vector<16xi32>], vector<16xf32>,
          %mul3A_696 = arith.mulf %get3A_684, %gather3A_695 : vector<16xf32>
          %add3A_697 = arith.addf %add3A_662, %mul3A_696 : vector<16xf32>
          %add3A_698 = arith.constant 1 : i32
          %add3A_699 = vector.broadcast %add3A_698 : i32 to vector<16xi32>
          %add3A_700 = arith.addi %get3A_688, %add3A_699 : vector<16xi32>
          %gather3A_701 = tpu.vector_load_idx %arg15[%add3A_691, %add3A_700] : memref<1536x8xf32, #tpu.memory_space<vmem>>[vector<16xi32>, vector<16xi32>], vector<16xf32>,
          %mul3A_702 = arith.mulf %get3A_684, %gather3A_701 : vector<16xf32>
          %add3A_703 = arith.addf %add3A_668, %mul3A_702 : vector<16xf32>
          %add3A_704 = arith.constant 2 : i32
          %add3A_705 = vector.broadcast %add3A_704 : i32 to vector<16xi32>
          %add3A_706 = arith.addi %get3A_688, %add3A_705 : vector<16xi32>
          %gather3A_707 = tpu.vector_load_idx %arg15[%add3A_691, %add3A_706] : memref<1536x8xf32, #tpu.memory_space<vmem>>[vector<16xi32>, vector<16xi32>], vector<16xf32>,
          %mul3A_708 = arith.mulf %get3A_684, %gather3A_707 : vector<16xf32>
          %add3A_709 = arith.addf %add3A_674, %mul3A_708 : vector<16xf32>
          %add3A_710 = arith.constant 3 : i32
          %add3A_711 = vector.broadcast %add3A_710 : i32 to vector<16xi32>
          %add3A_712 = arith.addi %get3A_688, %add3A_711 : vector<16xi32>
          %gather3A_713 = tpu.vector_load_idx %arg15[%add3A_691, %add3A_712] : memref<1536x8xf32, #tpu.memory_space<vmem>>[vector<16xi32>, vector<16xi32>], vector<16xf32>,
          %mul3A_714 = arith.mulf %get3A_684, %gather3A_713 : vector<16xf32>
          %add3A_715 = arith.addf %add3A_680, %mul3A_714 : vector<16xf32>
          %add3A_716 = arith.constant 2048 : i32
          %add3A_717 = arith.addi %add3A_716, %mul3A_115 : i32
          %get3A_718 = arith.index_cast %add3A_717 : i32 to index
          %get3A_719 = tpu.vector_load %arg13[%get3A_718] {strides = array<i32>} : memref<2560xf32, #tpu.memory_space<vmem>>, vector<16xf32>,
          %get3A_720 = arith.constant 16 : i32
          %get3A_721 = arith.index_cast %get3A_720 : i32 to index
          %get3A_722 = arith.index_cast %mul3A_115 : i32 to index
          %get3A_723 = tpu.vector_load %arg12[%get3A_721, %get3A_722] {strides = array<i32>} : memref<20x128xi32, #tpu.memory_space<vmem>>, vector<16xi32>,
          %add3A_724 = arith.constant 1024 : i32
          %add3A_725 = vector.broadcast %add3A_724 : i32 to vector<16xi32>
          %add3A_726 = arith.addi %add3A_117, %add3A_725 : vector<16xi32>
          %add3A_727 = arith.constant 0 : i32
          %add3A_728 = vector.broadcast %add3A_727 : i32 to vector<16xi32>
          %add3A_729 = arith.addi %get3A_723, %add3A_728 : vector<16xi32>
          %gather3A_730 = tpu.vector_load_idx %arg15[%add3A_726, %add3A_729] : memref<1536x8xf32, #tpu.memory_space<vmem>>[vector<16xi32>, vector<16xi32>], vector<16xf32>,
          %mul3A_731 = arith.mulf %get3A_719, %gather3A_730 : vector<16xf32>
          %add3A_732 = arith.addf %broadcast_in_dim3A_150, %mul3A_731 : vector<16xf32>
          %add3A_733 = arith.constant 1 : i32
          %add3A_734 = vector.broadcast %add3A_733 : i32 to vector<16xi32>
          %add3A_735 = arith.addi %get3A_723, %add3A_734 : vector<16xi32>
          %gather3A_736 = tpu.vector_load_idx %arg15[%add3A_726, %add3A_735] : memref<1536x8xf32, #tpu.memory_space<vmem>>[vector<16xi32>, vector<16xi32>], vector<16xf32>,
          %mul3A_737 = arith.mulf %get3A_719, %gather3A_736 : vector<16xf32>
          %add3A_738 = arith.addf %broadcast_in_dim3A_152, %mul3A_737 : vector<16xf32>
          %add3A_739 = arith.constant 2 : i32
          %add3A_740 = vector.broadcast %add3A_739 : i32 to vector<16xi32>
          %add3A_741 = arith.addi %get3A_723, %add3A_740 : vector<16xi32>
          %gather3A_742 = tpu.vector_load_idx %arg15[%add3A_726, %add3A_741] : memref<1536x8xf32, #tpu.memory_space<vmem>>[vector<16xi32>, vector<16xi32>], vector<16xf32>,
          %mul3A_743 = arith.mulf %get3A_719, %gather3A_742 : vector<16xf32>
          %add3A_744 = arith.addf %broadcast_in_dim3A_154, %mul3A_743 : vector<16xf32>
          %add3A_745 = arith.constant 3 : i32
          %add3A_746 = vector.broadcast %add3A_745 : i32 to vector<16xi32>
          %add3A_747 = arith.addi %get3A_723, %add3A_746 : vector<16xi32>
          %gather3A_748 = tpu.vector_load_idx %arg15[%add3A_726, %add3A_747] : memref<1536x8xf32, #tpu.memory_space<vmem>>[vector<16xi32>, vector<16xi32>], vector<16xf32>,
          %mul3A_749 = arith.mulf %get3A_719, %gather3A_748 : vector<16xf32>
          %add3A_750 = arith.addf %broadcast_in_dim3A_156, %mul3A_749 : vector<16xf32>
          %add3A_751 = arith.constant 2176 : i32
          %add3A_752 = arith.addi %add3A_751, %mul3A_115 : i32
          %get3A_753 = arith.index_cast %add3A_752 : i32 to index
          %get3A_754 = tpu.vector_load %arg13[%get3A_753] {strides = array<i32>} : memref<2560xf32, #tpu.memory_space<vmem>>, vector<16xf32>,
          %get3A_755 = arith.constant 17 : i32
          %get3A_756 = arith.index_cast %get3A_755 : i32 to index
          %get3A_757 = arith.index_cast %mul3A_115 : i32 to index
          %get3A_758 = tpu.vector_load %arg12[%get3A_756, %get3A_757] {strides = array<i32>} : memref<20x128xi32, #tpu.memory_space<vmem>>, vector<16xi32>,
          %add3A_759 = arith.constant 1152 : i32
          %add3A_760 = vector.broadcast %add3A_759 : i32 to vector<16xi32>
          %add3A_761 = arith.addi %add3A_117, %add3A_760 : vector<16xi32>
          %add3A_762 = arith.constant 0 : i32
          %add3A_763 = vector.broadcast %add3A_762 : i32 to vector<16xi32>
          %add3A_764 = arith.addi %get3A_758, %add3A_763 : vector<16xi32>
          %gather3A_765 = tpu.vector_load_idx %arg15[%add3A_761, %add3A_764] : memref<1536x8xf32, #tpu.memory_space<vmem>>[vector<16xi32>, vector<16xi32>], vector<16xf32>,
          %mul3A_766 = arith.mulf %get3A_754, %gather3A_765 : vector<16xf32>
          %add3A_767 = arith.addf %add3A_732, %mul3A_766 : vector<16xf32>
          %add3A_768 = arith.constant 1 : i32
          %add3A_769 = vector.broadcast %add3A_768 : i32 to vector<16xi32>
          %add3A_770 = arith.addi %get3A_758, %add3A_769 : vector<16xi32>
          %gather3A_771 = tpu.vector_load_idx %arg15[%add3A_761, %add3A_770] : memref<1536x8xf32, #tpu.memory_space<vmem>>[vector<16xi32>, vector<16xi32>], vector<16xf32>,
          %mul3A_772 = arith.mulf %get3A_754, %gather3A_771 : vector<16xf32>
          %add3A_773 = arith.addf %add3A_738, %mul3A_772 : vector<16xf32>
          %add3A_774 = arith.constant 2 : i32
          %add3A_775 = vector.broadcast %add3A_774 : i32 to vector<16xi32>
          %add3A_776 = arith.addi %get3A_758, %add3A_775 : vector<16xi32>
          %gather3A_777 = tpu.vector_load_idx %arg15[%add3A_761, %add3A_776] : memref<1536x8xf32, #tpu.memory_space<vmem>>[vector<16xi32>, vector<16xi32>], vector<16xf32>,
          %mul3A_778 = arith.mulf %get3A_754, %gather3A_777 : vector<16xf32>
          %add3A_779 = arith.addf %add3A_744, %mul3A_778 : vector<16xf32>
          %add3A_780 = arith.constant 3 : i32
          %add3A_781 = vector.broadcast %add3A_780 : i32 to vector<16xi32>
          %add3A_782 = arith.addi %get3A_758, %add3A_781 : vector<16xi32>
          %gather3A_783 = tpu.vector_load_idx %arg15[%add3A_761, %add3A_782] : memref<1536x8xf32, #tpu.memory_space<vmem>>[vector<16xi32>, vector<16xi32>], vector<16xf32>,
          %mul3A_784 = arith.mulf %get3A_754, %gather3A_783 : vector<16xf32>
          %add3A_785 = arith.addf %add3A_750, %mul3A_784 : vector<16xf32>
          %add3A_786 = arith.constant 2304 : i32
          %add3A_787 = arith.addi %add3A_786, %mul3A_115 : i32
          %get3A_788 = arith.index_cast %add3A_787 : i32 to index
          %get3A_789 = tpu.vector_load %arg13[%get3A_788] {strides = array<i32>} : memref<2560xf32, #tpu.memory_space<vmem>>, vector<16xf32>,
          %get3A_790 = arith.constant 18 : i32
          %get3A_791 = arith.index_cast %get3A_790 : i32 to index
          %get3A_792 = arith.index_cast %mul3A_115 : i32 to index
          %get3A_793 = tpu.vector_load %arg12[%get3A_791, %get3A_792] {strides = array<i32>} : memref<20x128xi32, #tpu.memory_space<vmem>>, vector<16xi32>,
          %add3A_794 = arith.constant 1280 : i32
          %add3A_795 = vector.broadcast %add3A_794 : i32 to vector<16xi32>
          %add3A_796 = arith.addi %add3A_117, %add3A_795 : vector<16xi32>
          %add3A_797 = arith.constant 0 : i32
          %add3A_798 = vector.broadcast %add3A_797 : i32 to vector<16xi32>
          %add3A_799 = arith.addi %get3A_793, %add3A_798 : vector<16xi32>
          %gather3A_800 = tpu.vector_load_idx %arg15[%add3A_796, %add3A_799] : memref<1536x8xf32, #tpu.memory_space<vmem>>[vector<16xi32>, vector<16xi32>], vector<16xf32>,
          %mul3A_801 = arith.mulf %get3A_789, %gather3A_800 : vector<16xf32>
          %add3A_802 = arith.addf %add3A_767, %mul3A_801 : vector<16xf32>
          %add3A_803 = arith.constant 1 : i32
          %add3A_804 = vector.broadcast %add3A_803 : i32 to vector<16xi32>
          %add3A_805 = arith.addi %get3A_793, %add3A_804 : vector<16xi32>
          %gather3A_806 = tpu.vector_load_idx %arg15[%add3A_796, %add3A_805] : memref<1536x8xf32, #tpu.memory_space<vmem>>[vector<16xi32>, vector<16xi32>], vector<16xf32>,
          %mul3A_807 = arith.mulf %get3A_789, %gather3A_806 : vector<16xf32>
          %add3A_808 = arith.addf %add3A_773, %mul3A_807 : vector<16xf32>
          %add3A_809 = arith.constant 2 : i32
          %add3A_810 = vector.broadcast %add3A_809 : i32 to vector<16xi32>
          %add3A_811 = arith.addi %get3A_793, %add3A_810 : vector<16xi32>
          %gather3A_812 = tpu.vector_load_idx %arg15[%add3A_796, %add3A_811] : memref<1536x8xf32, #tpu.memory_space<vmem>>[vector<16xi32>, vector<16xi32>], vector<16xf32>,
          %mul3A_813 = arith.mulf %get3A_789, %gather3A_812 : vector<16xf32>
          %add3A_814 = arith.addf %add3A_779, %mul3A_813 : vector<16xf32>
          %add3A_815 = arith.constant 3 : i32
          %add3A_816 = vector.broadcast %add3A_815 : i32 to vector<16xi32>
          %add3A_817 = arith.addi %get3A_793, %add3A_816 : vector<16xi32>
          %gather3A_818 = tpu.vector_load_idx %arg15[%add3A_796, %add3A_817] : memref<1536x8xf32, #tpu.memory_space<vmem>>[vector<16xi32>, vector<16xi32>], vector<16xf32>,
          %mul3A_819 = arith.mulf %get3A_789, %gather3A_818 : vector<16xf32>
          %add3A_820 = arith.addf %add3A_785, %mul3A_819 : vector<16xf32>
          %add3A_821 = arith.constant 2432 : i32
          %add3A_822 = arith.addi %add3A_821, %mul3A_115 : i32
          %get3A_823 = arith.index_cast %add3A_822 : i32 to index
          %get3A_824 = tpu.vector_load %arg13[%get3A_823] {strides = array<i32>} : memref<2560xf32, #tpu.memory_space<vmem>>, vector<16xf32>,
          %get3A_825 = arith.constant 19 : i32
          %get3A_826 = arith.index_cast %get3A_825 : i32 to index
          %get3A_827 = arith.index_cast %mul3A_115 : i32 to index
          %get3A_828 = tpu.vector_load %arg12[%get3A_826, %get3A_827] {strides = array<i32>} : memref<20x128xi32, #tpu.memory_space<vmem>>, vector<16xi32>,
          %add3A_829 = arith.constant 1408 : i32
          %add3A_830 = vector.broadcast %add3A_829 : i32 to vector<16xi32>
          %add3A_831 = arith.addi %add3A_117, %add3A_830 : vector<16xi32>
          %add3A_832 = arith.constant 0 : i32
          %add3A_833 = vector.broadcast %add3A_832 : i32 to vector<16xi32>
          %add3A_834 = arith.addi %get3A_828, %add3A_833 : vector<16xi32>
          %gather3A_835 = tpu.vector_load_idx %arg15[%add3A_831, %add3A_834] : memref<1536x8xf32, #tpu.memory_space<vmem>>[vector<16xi32>, vector<16xi32>], vector<16xf32>,
          %mul3A_836 = arith.mulf %get3A_824, %gather3A_835 : vector<16xf32>
          %add3A_837 = arith.addf %add3A_802, %mul3A_836 : vector<16xf32>
          %add3A_838 = arith.constant 1 : i32
          %add3A_839 = vector.broadcast %add3A_838 : i32 to vector<16xi32>
          %add3A_840 = arith.addi %get3A_828, %add3A_839 : vector<16xi32>
          %gather3A_841 = tpu.vector_load_idx %arg15[%add3A_831, %add3A_840] : memref<1536x8xf32, #tpu.memory_space<vmem>>[vector<16xi32>, vector<16xi32>], vector<16xf32>,
          %mul3A_842 = arith.mulf %get3A_824, %gather3A_841 : vector<16xf32>
          %add3A_843 = arith.addf %add3A_808, %mul3A_842 : vector<16xf32>
          %add3A_844 = arith.constant 2 : i32
          %add3A_845 = vector.broadcast %add3A_844 : i32 to vector<16xi32>
          %add3A_846 = arith.addi %get3A_828, %add3A_845 : vector<16xi32>
          %gather3A_847 = tpu.vector_load_idx %arg15[%add3A_831, %add3A_846] : memref<1536x8xf32, #tpu.memory_space<vmem>>[vector<16xi32>, vector<16xi32>], vector<16xf32>,
          %mul3A_848 = arith.mulf %get3A_824, %gather3A_847 : vector<16xf32>
          %add3A_849 = arith.addf %add3A_814, %mul3A_848 : vector<16xf32>
          %add3A_850 = arith.constant 3 : i32
          %add3A_851 = vector.broadcast %add3A_850 : i32 to vector<16xi32>
          %add3A_852 = arith.addi %get3A_828, %add3A_851 : vector<16xi32>
          %gather3A_853 = tpu.vector_load_idx %arg15[%add3A_831, %add3A_852] : memref<1536x8xf32, #tpu.memory_space<vmem>>[vector<16xi32>, vector<16xi32>], vector<16xf32>,
          %mul3A_854 = arith.mulf %get3A_824, %gather3A_853 : vector<16xf32>
          %add3A_855 = arith.addf %add3A_820, %mul3A_854 : vector<16xf32>
          %add3A_856 = arith.constant 0 : i32
          %add3A_857 = vector.broadcast %add3A_856 : i32 to vector<16xi32>
          %add3A_858 = arith.addi %add3A_124, %add3A_857 : vector<16xi32>
          tpu.vector_store_idx %arg16[%add3A_858], %add3A_417 : memref<4096xf32, #tpu.memory_space<vmem>>[vector<16xi32>], vector<16xf32>,
          %add3A_859 = arith.constant 0 : i32
          %add3A_860 = vector.broadcast %add3A_859 : i32 to vector<16xi32>
          %add3A_861 = arith.addi %add3A_124, %add3A_860 : vector<16xi32>
          %mul3A_862 = arith.mulf %add3A_557, %add3A_697 : vector<16xf32>
          %mul3A_863 = arith.mulf %mul3A_862, %add3A_837 : vector<16xf32>
          tpu.vector_store_idx %arg17[%add3A_861], %mul3A_863 : memref<4096xf32, #tpu.memory_space<vmem>>[vector<16xi32>], vector<16xf32>,
          %add3A_864 = arith.constant 1 : i32
          %add3A_865 = vector.broadcast %add3A_864 : i32 to vector<16xi32>
          %add3A_866 = arith.addi %add3A_124, %add3A_865 : vector<16xi32>
          tpu.vector_store_idx %arg16[%add3A_866], %add3A_423 : memref<4096xf32, #tpu.memory_space<vmem>>[vector<16xi32>], vector<16xf32>,
          %add3A_867 = arith.constant 1 : i32
          %add3A_868 = vector.broadcast %add3A_867 : i32 to vector<16xi32>
          %add3A_869 = arith.addi %add3A_124, %add3A_868 : vector<16xi32>
          %mul3A_870 = arith.mulf %add3A_563, %add3A_703 : vector<16xf32>
          %mul3A_871 = arith.mulf %mul3A_870, %add3A_843 : vector<16xf32>
          tpu.vector_store_idx %arg17[%add3A_869], %mul3A_871 : memref<4096xf32, #tpu.memory_space<vmem>>[vector<16xi32>], vector<16xf32>,
          %add3A_872 = arith.constant 2 : i32
          %add3A_873 = vector.broadcast %add3A_872 : i32 to vector<16xi32>
          %add3A_874 = arith.addi %add3A_124, %add3A_873 : vector<16xi32>
          tpu.vector_store_idx %arg16[%add3A_874], %add3A_429 : memref<4096xf32, #tpu.memory_space<vmem>>[vector<16xi32>], vector<16xf32>,
          %add3A_875 = arith.constant 2 : i32
          %add3A_876 = vector.broadcast %add3A_875 : i32 to vector<16xi32>
          %add3A_877 = arith.addi %add3A_124, %add3A_876 : vector<16xi32>
          %mul3A_878 = arith.mulf %add3A_569, %add3A_709 : vector<16xf32>
          %mul3A_879 = arith.mulf %mul3A_878, %add3A_849 : vector<16xf32>
          tpu.vector_store_idx %arg17[%add3A_877], %mul3A_879 : memref<4096xf32, #tpu.memory_space<vmem>>[vector<16xi32>], vector<16xf32>,
          %add3A_880 = arith.constant 3 : i32
          %add3A_881 = vector.broadcast %add3A_880 : i32 to vector<16xi32>
          %add3A_882 = arith.addi %add3A_124, %add3A_881 : vector<16xi32>
          tpu.vector_store_idx %arg16[%add3A_882], %add3A_435 : memref<4096xf32, #tpu.memory_space<vmem>>[vector<16xi32>], vector<16xf32>,
          %add3A_883 = arith.constant 3 : i32
          %add3A_884 = vector.broadcast %add3A_883 : i32 to vector<16xi32>
          %add3A_885 = arith.addi %add3A_124, %add3A_884 : vector<16xi32>
          %mul3A_886 = arith.mulf %add3A_575, %add3A_715 : vector<16xf32>
          %mul3A_887 = arith.mulf %mul3A_886, %add3A_855 : vector<16xf32>
          tpu.vector_store_idx %arg17[%add3A_885], %mul3A_887 : memref<4096xf32, #tpu.memory_space<vmem>>[vector<16xi32>], vector<16xf32>,
        }
        %scan3A_112 = arith.constant 8 : i32
      }
      %scan3A_28 = arith.constant 8 : i32
      %add3A_29 = arith.addi %mul3A_2, %mul3A_22 : i32
      %mul3A_30 = arith.constant 32 : i32
      %mul3A_31 = arith.muli %add3A_29, %mul3A_30 : i32
      "tpu.region"() ({
        %run_scoped3A = tpu.sem_alloc : memref<!tpu.dma_semaphore, #tpu.memory_space<semaphore_mem>>
        %dma_start3A = tpu.memref_slice %arg6[%mul3A_31] : memref<8388608xf32, #tpu.memory_space<hbm>> -> memref<4096xf32, #tpu.memory_space<hbm>>
        %dma_start3A_35 = tpu.memref_slice %arg6[%mul3A_31] : memref<8388608xf32, #tpu.memory_space<hbm>> -> memref<4096xf32, #tpu.memory_space<hbm>>
        tpu.enqueue_dma source(%arg16 : memref<4096xf32, #tpu.memory_space<vmem>>) target(%dma_start3A_35 : memref<4096xf32, #tpu.memory_space<hbm>>) target_semaphore(%run_scoped3A : memref<!tpu.dma_semaphore, #tpu.memory_space<semaphore_mem>>)
        %dma_wait3A = tpu.memref_slice %arg6[%mul3A_31] : memref<8388608xf32, #tpu.memory_space<hbm>> -> memref<4096xf32, #tpu.memory_space<hbm>>
        %dma_wait3A_36 = tpu.memref_slice %arg6[%mul3A_31] : memref<8388608xf32, #tpu.memory_space<hbm>> -> memref<4096xf32, #tpu.memory_space<hbm>>
        tpu.wait_dma2 semaphore(%run_scoped3A : memref<!tpu.dma_semaphore, #tpu.memory_space<semaphore_mem>>) src(%arg16 : memref<4096xf32, #tpu.memory_space<vmem>>) dst(%dma_wait3A_36 : memref<4096xf32, #tpu.memory_space<hbm>>)
        tpu.yield
      }) : () -> ()
      %add3A_32 = arith.addi %mul3A_2, %mul3A_22 : i32
      %mul3A_33 = arith.constant 32 : i32
      %mul3A_34 = arith.muli %add3A_32, %mul3A_33 : i32
      "tpu.region"() ({
        %run_scoped3A = tpu.sem_alloc : memref<!tpu.dma_semaphore, #tpu.memory_space<semaphore_mem>>
        %dma_start3A = tpu.memref_slice %arg7[%mul3A_34] : memref<8388608xf32, #tpu.memory_space<hbm>> -> memref<4096xf32, #tpu.memory_space<hbm>>
        %dma_start3A_35 = tpu.memref_slice %arg7[%mul3A_34] : memref<8388608xf32, #tpu.memory_space<hbm>> -> memref<4096xf32, #tpu.memory_space<hbm>>
        tpu.enqueue_dma source(%arg17 : memref<4096xf32, #tpu.memory_space<vmem>>) target(%dma_start3A_35 : memref<4096xf32, #tpu.memory_space<hbm>>) target_semaphore(%run_scoped3A : memref<!tpu.dma_semaphore, #tpu.memory_space<semaphore_mem>>)
        %dma_wait3A = tpu.memref_slice %arg7[%mul3A_34] : memref<8388608xf32, #tpu.memory_space<hbm>> -> memref<4096xf32, #tpu.memory_space<hbm>>
        %dma_wait3A_36 = tpu.memref_slice %arg7[%mul3A_34] : memref<8388608xf32, #tpu.memory_space<hbm>> -> memref<4096xf32, #tpu.memory_space<hbm>>
        tpu.wait_dma2 semaphore(%run_scoped3A : memref<!tpu.dma_semaphore, #tpu.memory_space<semaphore_mem>>) src(%arg17 : memref<4096xf32, #tpu.memory_space<vmem>>) dst(%dma_wait3A_36 : memref<4096xf32, #tpu.memory_space<hbm>>)
        tpu.yield
      }) : () -> ()
    }
    %scan3A_19 = arith.constant 64 : i32
    return
  }
}

module attributes {stable_mosaic.version = 14 : i64} {
  func.func @_lerp_body(%arg0: i32, %arg1: memref<1x1xf32, #tpu.memory_space<smem>>, %arg2: memref<768x128xf32, #tpu.memory_space<vmem>>, %arg3: memref<768x128xf32, #tpu.memory_space<vmem>>, %arg4: memref<768x128xf32, #tpu.memory_space<vmem>>) attributes {dimension_semantics = [#tpu.dimension_semantics<arbitrary>], iteration_bounds = array<i64: 8>, scalar_prefetch = 0 : i64, scratch_operands = 0 : i64, tpu.core_type = #tpu.core_type<tc>, window_params = [{transform_indices = @transform_0, window_bounds = array<i64: 1, 1>}, {transform_indices = @transform_1, window_bounds = array<i64: 768, 128>}, {transform_indices = @transform_2, window_bounds = array<i64: 768, 128>}, {transform_indices = @transform_3, window_bounds = array<i64: 768, 128>}]} {
    %get3A = arith.constant 0 : index
    %get3A_0 = arith.constant 0 : index
    %get3A_1 = memref.load %arg1[%get3A, %get3A_0] : memref<1x1xf32, #tpu.memory_space<smem>>
    %sub3A = arith.constant 1.000000e+00 : f32
    %sub3A_2 = arith.subf %sub3A, %get3A_1 : f32
    %get3A_3 = arith.constant 0 : index
    %get3A_4 = arith.constant 0 : index
    %get3A_5 = vector.load %arg2[%get3A_3, %get3A_4] : memref<768x128xf32, #tpu.memory_space<vmem>>, vector<768x128xf32>
    %mul3A = vector.broadcast %sub3A_2 : f32 to vector<768x128xf32>
    %mul3A_6 = arith.mulf %mul3A, %get3A_5 : vector<768x128xf32>
    %get3A_7 = arith.constant 0 : index
    %get3A_8 = arith.constant 0 : index
    %get3A_9 = vector.load %arg3[%get3A_7, %get3A_8] : memref<768x128xf32, #tpu.memory_space<vmem>>, vector<768x128xf32>
    %mul3A_10 = vector.broadcast %get3A_1 : f32 to vector<768x128xf32>
    %mul3A_11 = arith.mulf %mul3A_10, %get3A_9 : vector<768x128xf32>
    %add3A = arith.addf %mul3A_6, %mul3A_11 : vector<768x128xf32>
    %swap3A = arith.constant 0 : index
    %swap3A_12 = arith.constant 0 : index
    %swap3A_13 = vector.load %arg4[%swap3A, %swap3A_12] : memref<768x128xf32, #tpu.memory_space<vmem>>, vector<768x128xf32>
    tpu.vector_store %arg4[%swap3A, %swap3A_12], %add3A {strides = array<i32>} : memref<768x128xf32, #tpu.memory_space<vmem>>, vector<768x128xf32>,
    return
  }
  func.func @transform_0(%arg0: i32) -> (i32, i32) {
    %c0_i32 = arith.constant 0 : i32
    %c0_i32_0 = arith.constant 0 : i32
    %c0_i32_1 = arith.constant 0 : i32
    return %c0_i32, %c0_i32_0 : i32, i32
  }
  func.func @transform_1(%arg0: i32) -> (i32, i32) {
    %c0_i32 = arith.constant 0 : i32
    %c0_i32_0 = arith.constant 0 : i32
    return %arg0, %c0_i32 : i32, i32
  }
  func.func @transform_2(%arg0: i32) -> (i32, i32) {
    %c0_i32 = arith.constant 0 : i32
    %c0_i32_0 = arith.constant 0 : i32
    return %arg0, %c0_i32 : i32, i32
  }
  func.func @transform_3(%arg0: i32) -> (i32, i32) {
    %c0_i32 = arith.constant 0 : i32
    %c0_i32_0 = arith.constant 0 : i32
    return %arg0, %c0_i32 : i32, i32
  }
}

</mosaic_0001>

<sc_bundles>
// kernel: _hash_grid4d.4.cloned.1.call-start
scs
__scs_entry_jumppad:
0x0: {  	(pc) =	sbr.rel $0x88, $3  }
0x1: {  	(tag) =	ssettag $0x0;
	lr =	simm.s32 $0x1  }
0x2: {  	[smem:$0x3F9B] =	sst lr;
	_ =	strace $0xD0000000  }
0x3: {  	_ = 	snop  }
0x4: {  	_ = 	snop  }
0x5: {  	_ = 	snop  }
0x6: {  	_ = 	snop  }
0x7: {  	_ = 	snop  }
__scs_overlays_trampoline_lowered:
0x8: {  	[smem:$0x3FAA] =	sst s0  }
0x9: {  	[smem:$0x3FAB] =	sst s1  }
0xa: {  	[smem:$0x3FAC] =	sst s2  }
0xb: {  	[smem:$0x3FAD] =	sst s3  }
0xc: {  	[smem:$0x3FAE] =	sst s4  }
0xd: {  	[smem:$0x3FAF] =	sst s5  }
0xe: {  	[smem:$0x3FB0] =	sst s6  }
0xf: {  	[smem:$0x3FB1] =	sst s7  }
0x10: {  	[smem:$0x3FB2] =	sst s8  }
0x11: {  	[smem:$0x3FB3] =	sst s9;
	s0 =	simm.s32 @!p0 $0x0  }
0x12: {  	s1 =	sld [smem:$0x3F99];
	s0 =	simm.s32 @p0 $0x1  }
0x13: {  	[smem:$0x3FB4] =	sst s0;
	s0 =	simm.s32 @!p1 $0x0  }
0x14: {  	s2 =	sld [smem:$0x3F98];
	s0 =	simm.s32 @p1 $0x1  }
0x15: {  	[smem:$0x3FB5] =	sst s0;
	s0 =	simm.s32 @!p2 $0x0  }
0x16: {  	s3 =	sld [smem:$0x3FDB];
	s0 =	simm.s32 @p2 $0x1  }
0x17: {  	s4 =	simm.s32 $0x1BF5;
	[smem:$0x3FB7] =	sst s0  }
0x18: {  	s0 =	sld [smem:$0x3F9A];
	_ =	swait.ge [sflag:s4], $0x0  }
0x19: {  	s7 =	sld [smem:$0x3F9B]  }
0x1a: {  	s8 =	sadd.s32 $0xFFFFE003, lr  }
0x1b: {  	s9 =	sadd.s32 $0xFFFFFEF7, lr;
	s5 =	simm.s32 $0xFFFFFFFF;
	p2 =	slt.u32 s8, $0xFFFFF086  }
0x1c: {  	p1 =	slt.u32 s9, $0xF7A;
	s5 =	simm.s32 @!p2 $0x0  }
0x1d: {  	s5 =	simm.s32 @p1 $0x1;
	p0 =	seq.s32 s7, s2  }
0x1e: {  	s7 =	smul.u32 @!p0 $0xF7A, s2;
	p2 =	seq.s32 @!p0 s5, $0x0  }
0x1f: {  	s9 =	smul.u32 $0xF7A, s1;
	s8 =	simm.s32 @!p0 $0x1BF5;
	p2 =	por !p2, p0  }
0x20: {  	[sflag:s8] =	ssyncset.s32 @!p0 $0xFFFFF086;
	s6 =	sadd.s32 @!p0 s3, s7;
	s7 =	simm.s32 @!p0 $0x108  }
0x21: {  	s3 =	sadd.s32 s3, s9;
	s6 =	sadd.s32 @!p0 $0x88, s6;
	s7 =	simm.s32 @p2 $0x1082  }
0x22: {  	[simem:s7], [sflag:s8] =	dma.local @!p0 [hbm:s6], $0xF7A  }
0x23: {  	s9 =	sor.u32 $0xD0000000, s2;
	s6 =	simm.s32 $0x108;
	_ =	swait.ge @!p0 [sflag:s8], $0x0  }
0x24: {  	s3 =	sadd.s32 $0x88, s3;
	s6 =	simm.s32 @!p1 $0x1082;
	[sflag:s4] =	ssyncset.s32 $0xFFFFF086  }
0x25: {  	[simem:s6], [sflag:s4] =	dma.local [hbm:s3], $0xF7A  }
0x26: {  	[smem:$0x3F9B] =	sst s1;
	(tag) =	ssettag s2;
	_ =	strace s9  }
0x27: {  	s1 =	sld [smem:$0x3FAB]  }
0x28: {  	s2 =	sld [smem:$0x3FAC]  }
0x29: {  	s4 =	sld [smem:$0x3FAE]  }
0x2a: {  	p0 =	seq.s32 s5, $0x0;
	s5 =	sld [smem:$0x3FAF]  }
0x2b: {  	s6 =	sld [smem:$0x3FB0]  }
0x2c: {  	s7 =	sld [smem:$0x3FB1]  }
0x2d: {  	s3 =	simm.s32 $0x108;
	s8 =	sld [smem:$0x3FB2]  }
0x2e: {  	s3 =	simm.s32 @!p0 $0x1082;
	s9 =	sld [smem:$0x3FB3]  }
0x2f: {  	lr =	sadd.s32 s0, s3;
	s0 =	sld [smem:$0x3FAA]  }
0x30: {  	s3 =	sld [smem:$0x3FAD]  }
0x31: {  	[smem:$0x3FB6] =	sst s10  }
0x32: {  	s10 =	sld [smem:$0x3FB4];
	_ =	sdelay $0x3  }
0x33: {  	p0 =	seq.s32 s10, $0x1;
	s10 =	sld [smem:$0x3FB6];
	_ =	sdelay $0x3  }
0x34: {  	[smem:$0x3FB6] =	sst s10  }
0x35: {  	s10 =	sld [smem:$0x3FB5];
	_ =	sdelay $0x3  }
0x36: {  	p1 =	seq.s32 s10, $0x1;
	s10 =	sld [smem:$0x3FB6];
	_ =	sdelay $0x3  }
0x37: {  	[smem:$0x3FB6] =	sst s10  }
0x38: {  	s10 =	sld [smem:$0x3FB7]  }
0x39: {  	_ = 	snop;
	(pc) =	sbr.ind lr, $3  }
0x3a: {  	_ = 	snop  }
0x3b: {  	_ = 	snop  }
0x3c: {  	p2 =	seq.s32 s10, $0x1;
	s10 =	sld [smem:$0x3FB6]  }
0x3d: {  	_ =	shalt  }
0x3e: {  	_ =	shalt  }
0x3f: {  	_ =	shalt  }
0x40: {  	_ =	shalt  }
0x41: {  	_ =	shalt  }
0x42: {  	_ =	shalt  }
0x43: {  	_ =	shalt  }
0x44: {  	_ =	shalt  }
0x45: {  	_ =	shalt  }
0x46: {  	_ =	shalt  }
0x47: {  	_ =	shalt  }
0x48: {  	_ =	shalt  }
0x49: {  	_ =	shalt  }
0x4a: {  	_ =	shalt  }
0x4b: {  	_ =	shalt  }
0x4c: {  	_ =	shalt  }
0x4d: {  	_ =	shalt  }
0x4e: {  	_ =	shalt  }
0x4f: {  	_ =	shalt  }
0x50: {  	_ =	shalt  }
0x51: {  	_ =	shalt  }
0x52: {  	_ =	shalt  }
0x53: {  	_ =	shalt  }
0x54: {  	_ =	shalt  }
0x55: {  	_ =	shalt  }
0x56: {  	_ =	shalt  }
0x57: {  	_ =	shalt  }
0x58: {  	_ =	shalt  }
0x59: {  	_ =	shalt  }
0x5a: {  	_ =	shalt  }
0x5b: {  	_ =	shalt  }
0x5c: {  	_ =	shalt  }
0x5d: {  	_ =	shalt  }
0x5e: {  	_ =	shalt  }
0x5f: {  	_ =	shalt  }
0x60: {  	_ =	shalt  }
0x61: {  	_ =	shalt  }
0x62: {  	_ =	shalt  }
0x63: {  	_ =	shalt  }
0x64: {  	_ =	shalt  }
0x65: {  	_ =	shalt  }
0x66: {  	_ =	shalt  }
0x67: {  	_ =	shalt  }
0x68: {  	_ =	shalt  }
0x69: {  	_ =	shalt  }
0x6a: {  	_ =	shalt  }
0x6b: {  	_ =	shalt  }
0x6c: {  	_ =	shalt  }
0x6d: {  	_ =	shalt  }
0x6e: {  	_ =	shalt  }
0x6f: {  	_ =	shalt  }
0x70: {  	_ =	shalt  }
0x71: {  	_ =	shalt  }
0x72: {  	_ =	shalt  }
0x73: {  	_ =	shalt  }
0x74: {  	_ =	shalt  }
0x75: {  	_ =	shalt  }
0x76: {  	_ =	shalt  }
0x77: {  	_ =	shalt  }
0x78: {  	_ =	shalt  }
0x79: {  	_ =	shalt  }
0x7a: {  	_ =	shalt  }
0x7b: {  	_ =	shalt  }
0x7c: {  	_ =	shalt  }
0x7d: {  	_ =	shalt  }
0x7e: {  	_ =	shalt  }
0x7f: {  	_ =	shalt  }
0x80: {  	_ =	shalt  }
0x81: {  	_ =	shalt  }
0x82: {  	_ =	shalt  }
0x83: {  	_ =	shalt  }
0x84: {  	_ =	shalt  }
0x85: {  	_ =	shalt  }
0x86: {  	_ =	shalt  }
0x87: {  	_ =	shalt  }
.Lfunc_end0:
.L_simem_size_0:
called_computation.2_lowered:
.L_overlay_start_0:
0x88: {  	s2 =	sld [smem:$0x3FD9]  }
0x89: {  	s3 =	sld [smem:$0x3FFE];
	_ =	sdelay $0x1  }
0x8a: {  	s1 =	srdreg.scid  }
0x8b: {  	s0 =	sand.u32 $0x1, s1  }
0x8c: {  	s14 =	sshll.u32 s0, $0xA;
	s2 =	sadd.s32 s3, s2  }
0x8d: {  	s2 =	sadd.s32 s2, s14  }
0x8e: {  	[smem:$0x3FC2] =	sst s2  }
0x8f: {  	_ = 	snop  }
0x90: {  	s2 =	sld [smem:$0x3FD0];
	_ =	sdelay $0x2  }
0x91: {  	s15 =	simm.s32 $0xB;
	s4 =	simm.s32 $0x10  }
0x92: {  	[smem:s4], [sflag:s15] =	dma.local [hbm:s2], $0x1  }
0x93: {  	_ =	swait.eq [sflag:s15], $0x1  }
0x94: {  	[sflag:s15] =	ssyncset.done $0x0  }
0x95: {  	s16 =	sld [smem:$0x10];
	[sflag:s15] =	ssyncadd.s32 $0xFFFFFFFF  }
0x96: {  	s17 =	sld [smem:$0x11];
	(tm) =	ssettm $0x1  }
0x97: {  	s18 =	sld [smem:$0x3FFB];
	_ =	sdelay $0x3  }
0x98: {  	_ =	strace s18  }
0x99: {  	s4 =	sld [smem:$0x3FFC];
	_ =	sdelay $0x3  }
0x9a: {  	_ =	strace s4  }
0x9b: {  	s4 =	sld [smem:$0x3FFD];
	_ =	sdelay $0x3  }
0x9c: {  	_ =	strace s4  }
0x9d: {  	_ =	strace $0x8FFFFFFF  }
0x9e: {  	s19 =	sld [smem:$0x3FDB];
	_ =	sdelay $0x1  }
0x9f: {  	s5 =	simm.s32 $_scs_section_size  }
0xa0: {  	s6 =	simm.s32 $_size__tile_overlayer_lowered;
	s7 =	simm.s32 $_tile_overlayer_lowered  }
0xa1: {  	s22 =	simm.s32 $0x1BFF;
	s21 =	sshll.u32 s7, $0x1;
	s4 =	sadd.s32 s5, s19  }
0xa2: {  	s8 =	simm.s32 $0x0;
	s20 =	sshll.u32 s6, $0x1;
	s6 =	sadd.s32 s21, s4  }
0xa3: {  	[timem:s8], [sflag:s22] =	dma.local [hbm:s6], s20  }
0xa4: {  	_ =	swait.ge [sflag:s22], s20  }
0xa5: {  	s5 =	ssub.s32 $0x0, s20;
	[sflag:s22] =	ssyncset.done $0x0  }
0xa6: {  	[sflag:s22] =	ssyncadd.s32 s5;
	_ =	sdelay $0x1  }
0xa7: {  	s23 =	simm.s32 $0x1B8B  }
0xa8: {  	_ =	swait.ge [sflag:s23], $0x1  }
0xa9: {  	[sflag:s23] =	ssyncset.done $0x0  }
0xaa: {  	s25 =	simm.s32 $0x1B8E;
	s24 =	sld [smem:$0x3FFE];
	[sflag:s23] =	ssyncadd.s32 $0xFFFFFFFF  }
0xab: {  	s26 =	simm.s32 $execute0_lowered;
	[smem:$0x3FD2] =	sst s25  }
0xac: {  	s6 =	sshll.u32 s26, $0x1;
	_ =	strace $0x80000046;
	[dreg:$0x1] =	wrdreg $0xFFFFFFFF  }
0xad: {  	s28 =	simm.s32 $_size_execute0_lowered;
	s4 =	sadd.s32 s4, s6;
	[dreg:$0x0] =	wrdreg $0x0  }
0xae: {  	s6 =	sshll.u32 s28, $0x1;
	[dreg:$0x2] =	wrdreg s4  }
0xaf: {  	[dreg:$0x3] =	wrdreg s6  }
0xb0: {  	[dreg:$0x4] =	wrdreg $0xC0  }
0xb1: {  	_ =	task [dreg:s8], $0x5FFFF  }
0xb2: {  	[dreg:$0x1] =	wrdreg $0xFFFFFFFF  }
0xb3: {  	[dreg:$0x0] =	wrdreg $0x60  }
0xb4: {  	[dreg:$0x2] =	wrdreg s24  }
0xb5: {  	[dreg:$0x3] =	wrdreg s16  }
0xb6: {  	[dreg:$0x4] =	wrdreg s17  }
0xb7: {  	[dreg:$0x5] =	wrdreg $0x9  }
0xb8: {  	_ =	task.clear_ibuf [dreg:s8], $0x6FFFF;
	_ =	strace $0x90000046  }
0xb9: {  	s29 =	simm.s32 $0x9;
	_ =	strace $0x80000048  }
0xba: {  	_ =	swait.ge [sflag:s29], $0x1  }
0xbb: {  	[sflag:s29] =	ssyncadd.s32 $0xFFFFFFFF  }
0xbc: {  	_ =	strace $0x90000048  }
0xbd: {  	_ =	sfence  }
0xbe: {  	s30 =	sld [smem:$0x0];
	_ =	sdelay $0x2  }
0xbf: {  	s31 =	sshll.u32 s1, $0xD;
	s1 =	sshrl.u32 s1, $0x2  }
0xc0: {  	s3 =	sand.u32 $0x4000, s31;
	s1 =	sadd.s32 s1, s30  }
0xc1: {  	s0 =	sor.u32 s3, s0;
	s1 =	sshll.u32 s1, $0x11  }
0xc2: {  	s0 =	sor.u32 s1, s0  }
0xc3: {  	s0 =	sadd.s32 $0x8F2B, s0  }
0xc4: {  	[sflag:s0] =	ssyncadd.remote.s32 $0x1  }
0xc5: {  	_ =	sfence.sel $0xFFFF  }
0xc6: {  	[dreg:$0x0] =	wrdreg $0xFFFFFFFF;
	(pc) =	sbr.abs _section_cstart, $3  }
0xc7: {  	[dreg:$0x1] =	wrdreg $0xFFFFFFFF  }
0xc8: {  	_ =	task.clear_ibuf [dreg:s8], $0x2FFFF;
	_ =	strace $0x9FFFFFFF  }
0xc9: {  	(tm) =	ssettm $0x7FFFFFFF  }
tec
execute0_lowered:
.L_overlay_start_1:
0x0: {  	(tag) =	ssettag $0x1  }
0x1: {  	s0 =	rddreg [dreg:$0x0]  }
0x2: {  	s2 =	rddreg [dreg:$0x1]  }
0x3: {  	s3 =	rddreg [dreg:$0x2]  }
0x4: {  	s1 =	srdreg.scid;
	s5 =	stileid.u32;
	s4 =	simm.s32 $0x0  }
0x5: {  	s13 =	simm.s32 $0x2;
	s17 =	simm.s32 $0x400;
	s18 =	simm.s32 $0x6080  }
0x6: {  	s19 =	simm.s32 $0x7E80;
	s20 =	simm.s32 $0x600;
	s21 =	simm.s32 $0x6480  }
0x7: {  	s22 =	simm.s32 $0x9E80;
	s23 =	simm.s32 $0x1;
	s24 =	simm.s32 $0xCE80  }
0x8: {  	v1 =	vlaneseq.u32;
	s25 =	simm.s32 $0xDE80;
	s26 =	simm.s32 $0x0;
	s1 =	sand.u32 $0x1, s1  }
0x9: {  	s5 =	sshll.u32 s5, $0xE;
	v0 =	vmul.u32 $0x8, v1;
	s6 =	sshll.u32 s1, $0xD;
	s1 =	ssub.s32 $0x2, s1  }
0xa: {  	[smem:$0x7FF] =	sst s4;
	v1 =	vmul.u32 $0x20, v1;
	s5 =	sor.u32 s6, s5;
	s9 =	sshrl.u32 s1, $0x1  }
0xb: {  	s7 =	sadd.s32 $0x1A000, s0;
	v2 =	vor.u32 $0x2C00, v0;
	v3 =	vor.u32 $0x2800, v0;
	v4 =	vor.u32 $0x2400, v0;
	s6 =	sshrl.u32 s5, $0x3;
	s31 =	ssub.s32 s1, s9  }
0xc: {  	v5 =	vor.u32 $0x2000, v0;
	v6 =	vor.u32 $0x1C00, v0;
	v7 =	vor.u32 $0x1800, v0;
	s11 =	sadd.s32 s6, s0;
	s6 =	sadd.s32 $0x4002000, s0;
	s0 =	sadd.s32 $0x1E00, s0  }
0xd: {  	_ =	strace $0x80000047;
	v8 =	vor.u32 $0x1400, v0;
	v9 =	vor.u32 $0x1000, v0;
	v10 =	vor.u32 $0xC00, v0;
	s12 =	smax.u32 s31, $0x1;
	[dreg:$0x4] =	wrdreg s0  }
0xe: {  	v11 =	vor.u32 $0x800, v0;
	v12 =	vor.u32 $0x400, v0;
	v13 =	vor.u32 $0x1, v1;
	s9 =	sadd.s32 $0x2000, s11;
	s10 =	sadd.s32 $0xA000, s11;
	s11 =	sadd.s32 $0x12000, s11  }
.LBB2_1:
0xf: {  	[tilespmem:s4], [sflag:$0x2] =	stream.linear.gather [hbm4b:s9+s4], $0x2000, $0x38;
	[tilespmem:$0xEE80] =	vst v63  }
0x10: {  	_ =	swait.ge [sflag:s13], $0x2000  }
0x11: {  	[sflag:s13] =	ssyncset.done $0x0  }
0x12: {  	s0 =	simm.s32 $0x2000;
	[sflag:s13] =	ssyncadd.s32 $0xFFFFE000  }
0x13: {  	[tilespmem:s0], [sflag:$0x2] =	stream.linear.gather [hbm4b:s10+s4], $0x2000, $0x38;
	[tilespmem:$0xEE80] =	vst v63  }
0x14: {  	_ =	swait.ge [sflag:s13], $0x2000  }
0x15: {  	[sflag:s13] =	ssyncset.done $0x0  }
0x16: {  	s30 =	simm.s32 $0x4000;
	[sflag:s13] =	ssyncadd.s32 $0xFFFFE000  }
0x17: {  	[tilespmem:s30], [sflag:$0x2] =	stream.linear.gather [hbm4b:s11+s4], $0x2000, $0x38;
	[tilespmem:$0xEE80] =	vst v63  }
0x18: {  	_ =	swait.ge [sflag:s13], $0x2000  }
0x19: {  	[sflag:s13] =	ssyncset.done $0x0  }
0x1a: {  	s1 =	simm.s32 $0x6000;
	s31 =	rddreg [dreg:$0x4];
	[sflag:s13] =	ssyncadd.s32 $0xFFFFE000  }
0x1b: {  	[tilespmem:s1], [sflag:$0x2] =	stream.linear.gather [hbm4b:s31+s4], $0x80, $0x38;
	[tilespmem:$0xEE80] =	vst v63  }
0x1c: {  	_ =	swait.ge [sflag:s13], $0x80  }
0x1d: {  	[sflag:s13] =	ssyncset.done $0x0  }
0x1e: {  	s28 =	simm.s32 $0x0;
	s29 =	simm.s32 $0x0;
	[sflag:s13] =	ssyncadd.s32 $0xFFFFFF80  }
.LBB2_2:
0x1f: {  	v14 =	vmov s28;
	_ =	sdelay $0x2  }
0x20: {  	s30 =	sshll.u32 s29, $0x7;
	s16 =	simm.s32 $0x0;
	s0 =	simm.s32 $0x0  }
.LBB2_3:
0x21: {  	s1 =	sshll.u32 s0, $0x4  }
0x22: {  	s14 =	sshll.u32 s0, $0x12;
	s15 =	sshll.u32 s0, $0xB;
	s31 =	sshll.u32 s0, $0xD  }
0x23: {  	s1 =	sand.u32 $0x3FFFFFF0, s1;
	s8 =	sor.u32 $0x10000, s15;
	s15 =	sor.u32 $0x14000, s15;
	v15 =	vmov s14  }
0x24: {  	v17 =	vmov s31;
	v16 =	vld [tilespmem:s1+$0x6000];
	v18 =	vmov s8;
	v19 =	vmov s15;
	s1 =	simm.s32 $0x0  }
.LBB2_4:
0x25: {  	s14 =	sshra.s32 s1, $0x2  }
0x26: {  	v20 =	vld.idx.msk [tilespmem:v14+s14+$0x0 ss:$0x1], $0xffff  }
0x27: {  	v21 =	vld.idx.msk [tilespmem:v14+s14+$0x2000 ss:$0x1], $0xffff  }
0x28: {  	v22 =	vld.idx.msk [tilespmem:v14+s14+$0x4000 ss:$0x1], $0xffff;
	_ =	sdelay $0x3  }
0x29: {  	v20 =	vmul.f32 v20, v16;
	v21 =	vmul.f32 v21, v16  }
0x2a: {  	v22 =	vmul.f32 v22, v16  }
0x2b: {  	v20 =	vadd.f32 $5.000000000e-01, v20;
	v21 =	vadd.f32 $5.000000000e-01, v21  }
0x2c: {  	v23 =	vadd.f32 $5.000000000e-01, v22  }
0x2d: {  	v45 =	vtrunc.f32 v20;
	v46 =	vtrunc.f32 v21  }
0x2e: {  	v24 =	vtrunc.f32 v23;
	v26 =	vcvt.f32.s32 v45  }
0x2f: {  	v22 =	vcvt.f32.s32 v46;
	v29 =	vcvt.f32.s32 v24  }
0x30: {  	v47 =	vcvt.s32.f32 v26  }
0x31: {  	v27 =	vcvt.s32.f32 v22;
	v28 =	vcvt.s32.f32 v29  }
0x32: {  	v30 =	vmul.u32 $0x9E3779B1, v22;
	v25 =	vsub.f32 v20, v47  }
0x33: {  	v31 =	vmul.u32 $0x30025795, v29;
	v20 =	vsub.f32 v21, v27;
	v21 =	vsub.f32 v23, v28  }
0x34: {  	v28 =	vadd.s32 $0x1, v26;
	v32 =	vxor.u32 v26, v30;
	v34 =	vadd.s32 $0x9E3779B1, v30  }
0x35: {  	v33 =	vxor.u32 v31, v32;
	v30 =	vxor.u32 v28, v30;
	v39 =	vxor.u32 v26, v34  }
0x36: {  	v34 =	vxor.u32 v28, v34;
	v27 =	vsub.f32 $1.000000000e+00, v25;
	v23 =	vsub.f32 $1.000000000e+00, v20  }
0x37: {  	v35 =	vshrl.u32 v33, $0x1;
	v33 =	vshll.u32 v33, $0x2;
	v37 =	vxor.u32 v31, v30  }
0x38: {  	v51 =	vxor.u32 v31, v39;
	v35 =	vand.u32 $0x3FFFF, v35;
	v33 =	vand.u32 $0x4, v33  }
0x39: {  	v56 =	vxor.u32 v31, v34;
	v50 =	vshll.u32 v37, $0x2;
	v35 =	vor.u32 v15, v35;
	[tilespmem:s14+$0x6A80] =	vst v33  }
0x3a: {  	v31 =	vadd.s32 $0x30025795, v31;
	v55 =	vshll.u32 v51, $0x2;
	v52 =	vand.u32 $0x4, v50;
	[tilespmem:s14+$0x6080] =	vst v35  }
0x3b: {  	v38 =	vshrl.u32 v37, $0x1;
	v60 =	vshll.u32 v56, $0x2;
	v57 =	vand.u32 $0x4, v55;
	[tilespmem:s14+$0x6B00] =	vst v52  }
0x3c: {  	v61 =	vxor.u32 v32, v31;
	v49 =	vand.u32 $0x3FFFF, v38;
	v62 =	vand.u32 $0x4, v60;
	[tilespmem:s14+$0x6B80] =	vst v57  }
0x3d: {  	v45 =	vshll.u32 v61, $0x2;
	v33 =	vor.u32 v15, v49;
	[tilespmem:s14+$0x6C00] =	vst v62  }
0x3e: {  	v36 =	vmul.f32 v23, v27;
	v47 =	vand.u32 $0x4, v45;
	[tilespmem:s14+$0x6100] =	vst v33  }
0x3f: {  	v40 =	vshrl.u32 v51, $0x1;
	v41 =	vshrl.u32 v56, $0x1;
	v38 =	vmul.f32 v23, v25;
	[tilespmem:s14+$0x6C80] =	vst v47  }
0x40: {  	v46 =	vxor.u32 v30, v31;
	v54 =	vand.u32 $0x3FFFF, v40;
	v40 =	vmul.f32 v20, v27;
	[tilespmem:s14+$0x7880] =	vst v36  }
0x41: {  	v59 =	vand.u32 $0x3FFFF, v41;
	v41 =	vmul.f32 v20, v25;
	v42 =	vshrl.u32 v61, $0x1;
	[tilespmem:s14+$0x7900] =	vst v38  }
0x42: {  	v24 =	vsub.f32 $1.000000000e+00, v21;
	v51 =	vshll.u32 v46, $0x2;
	v44 =	vand.u32 $0x3FFFF, v42;
	[tilespmem:s14+$0x7980] =	vst v40  }
0x43: {  	v42 =	vshrl.u32 v30, $0x1;
	v30 =	vshll.u32 v30, $0x2;
	v33 =	vor.u32 v15, v54;
	[tilespmem:s14+$0x7A00] =	vst v41  }
0x44: {  	v49 =	vshrl.u32 v46, $0x1;
	v46 =	vshll.u32 v39, $0x2;
	v30 =	vand.u32 $0x4, v30;
	[tilespmem:s14+$0x6180] =	vst v33  }
0x45: {  	v48 =	vmul.f32 v24, v36;
	v47 =	vand.u32 $0x4, v46;
	[tilespmem:s14+$0x6F00] =	vst v30  }
0x46: {  	v53 =	vmul.f32 v24, v38;
	[tilespmem:s14+$0x6F80] =	vst v47  }
0x47: {  	v58 =	vmul.f32 v24, v40;
	[tilespmem:s14+$0x7480] =	vst v48  }
0x48: {  	[tilespmem:s14+$0x7500] =	vst v53  }
0x49: {  	v63 =	vmul.f32 v24, v41;
	v33 =	vor.u32 v15, v59;
	[tilespmem:s14+$0x7580] =	vst v58  }
0x4a: {  	v52 =	vxor.u32 v31, v39;
	v31 =	vxor.u32 v31, v34;
	v54 =	vmul.f32 v38, v21;
	[tilespmem:s14+$0x6200] =	vst v33  }
0x4b: {  	v60 =	vshrl.u32 v31, $0x1;
	v31 =	vshll.u32 v31, $0x2;
	[tilespmem:s14+$0x7600] =	vst v63  }
0x4c: {  	v62 =	vmul.f32 v21, v41;
	v31 =	vand.u32 $0x4, v31;
	[tilespmem:s14+$0x7700] =	vst v54  }
0x4d: {  	[tilespmem:s14+$0x6E00] =	vst v31  }
0x4e: {  	v33 =	vor.u32 v15, v44;
	[tilespmem:s14+$0x7800] =	vst v62  }
0x4f: {  	v57 =	vshll.u32 v52, $0x2;
	v53 =	vand.u32 $0x4, v51;
	[tilespmem:s14+$0x6280] =	vst v33  }
0x50: {  	v59 =	vmul.f32 v21, v40;
	v58 =	vand.u32 $0x4, v57;
	[tilespmem:s14+$0x6D00] =	vst v53  }
0x51: {  	v48 =	vmul.f32 v36, v21;
	[tilespmem:s14+$0x6D80] =	vst v58  }
0x52: {  	v50 =	vand.u32 $0x3FFFF, v49;
	[tilespmem:s14+$0x7780] =	vst v59  }
0x53: {  	v63 =	vshrl.u32 v32, $0x1;
	v32 =	vshll.u32 v32, $0x2;
	v33 =	vor.u32 v15, v50;
	[tilespmem:s14+$0x7680] =	vst v48  }
0x54: {  	v36 =	vmul.f32 v24, v25;
	v37 =	vand.u32 $0x4, v32;
	[tilespmem:s14+$0x6300] =	vst v33  }
0x55: {  	v55 =	vshrl.u32 v52, $0x1;
	v25 =	vmul.f32 v21, v25;
	[tilespmem:s14+$0x6E80] =	vst v37  }
0x56: {  	v29 =	vmul.u32 $0x9E3779B1, v29;
	v56 =	vand.u32 $0x3FFFF, v55;
	[tilespmem:s14+$0x7B00] =	vst v36  }
0x57: {  	v44 =	vshrl.u32 v39, $0x1;
	v35 =	vand.u32 $0x1FFF, v63;
	v33 =	vor.u32 v15, v56;
	[tilespmem:s14+$0x7C00] =	vst v25  }
0x58: {  	v45 =	vand.u32 $0x1FFF, v44;
	v31 =	vor.u32 v17, v35;
	[tilespmem:s14+$0x6380] =	vst v33  }
0x59: {  	v51 =	vxor.u32 v26, v29;
	v50 =	vshll.u32 v34, $0x2;
	v30 =	vor.u32 v17, v45;
	[tilespmem:s14+$0x6480] =	vst v31  }
0x5a: {  	v55 =	vshll.u32 v51, $0x2;
	v52 =	vand.u32 $0x4, v50;
	[tilespmem:s14+$0x6580] =	vst v30  }
0x5b: {  	v58 =	vmul.f32 v24, v27;
	v57 =	vand.u32 $0x4, v55;
	[tilespmem:s14+$0x7000] =	vst v52  }
0x5c: {  	v27 =	vmul.f32 v21, v27;
	[tilespmem:s14+$0x7080] =	vst v57  }
0x5d: {  	v53 =	vshrl.u32 v51, $0x1;
	v51 =	vmul.f32 v24, v23;
	[tilespmem:s14+$0x7A80] =	vst v58  }
0x5e: {  	v24 =	vmul.f32 v24, v20;
	[tilespmem:s14+$0x7B80] =	vst v27  }
0x5f: {  	v23 =	vmul.f32 v21, v23;
	[tilespmem:s14+$0x7C80] =	vst v51  }
0x60: {  	v61 =	vand.u32 $0x3FFFF, v60;
	v60 =	vadd.s32 $0x9E3779B1, v29;
	v20 =	vmul.f32 v21, v20;
	[tilespmem:s14+$0x7D00] =	vst v24  }
0x61: {  	v43 =	vand.u32 $0x1FFF, v42;
	v42 =	vxor.u32 v22, v29;
	v26 =	vxor.u32 v26, v60;
	[tilespmem:s14+$0x7D80] =	vst v23  }
0x62: {  	v44 =	vshrl.u32 v42, $0x1;
	v48 =	vshrl.u32 v34, $0x1;
	v33 =	vor.u32 v15, v61;
	[tilespmem:s14+$0x7E00] =	vst v20  }
0x63: {  	v37 =	vshrl.u32 v26, $0x1;
	v26 =	vshll.u32 v26, $0x2;
	v31 =	vor.u32 v17, v43;
	[tilespmem:s14+$0x6400] =	vst v33  }
0x64: {  	v56 =	vxor.u32 v28, v29;
	v46 =	vand.u32 $0x7FF, v44;
	v26 =	vand.u32 $0x4, v26;
	[tilespmem:s14+$0x6500] =	vst v31  }
0x65: {  	v28 =	vxor.u32 v28, v60;
	v49 =	vand.u32 $0x1FFF, v48;
	v47 =	vor.u32 v19, v46;
	[tilespmem:s14+$0x7180] =	vst v26  }
0x66: {  	v45 =	vadd.s32 $0x1, v22;
	v62 =	vshll.u32 v56, $0x2;
	v30 =	vor.u32 v17, v49;
	[tilespmem:s14+$0x6880] =	vst v47  }
0x67: {  	v22 =	vxor.u32 v22, v60;
	v41 =	vshll.u32 v28, $0x2;
	v63 =	vand.u32 $0x4, v62;
	[tilespmem:s14+$0x6600] =	vst v30  }
0x68: {  	v59 =	vshrl.u32 v56, $0x1;
	v48 =	vshll.u32 v42, $0x2;
	v43 =	vand.u32 $0x4, v41;
	[tilespmem:s14+$0x7100] =	vst v63  }
0x69: {  	v56 =	vshrl.u32 v22, $0x1;
	v22 =	vshll.u32 v22, $0x2;
	v50 =	vand.u32 $0x4, v48;
	[tilespmem:s14+$0x7200] =	vst v43  }
0x6a: {  	v54 =	vand.u32 $0x7FF, v53;
	v39 =	vshrl.u32 v28, $0x1;
	v22 =	vand.u32 $0x4, v22;
	[tilespmem:s14+$0x7280] =	vst v50  }
0x6b: {  	v40 =	vand.u32 $0x7FF, v39;
	v30 =	vor.u32 v18, v54;
	[tilespmem:s14+$0x7380] =	vst v22  }
0x6c: {  	v57 =	vand.u32 $0x7FF, v56;
	v26 =	vor.u32 v18, v40;
	[tilespmem:s14+$0x6680] =	vst v30  }
0x6d: {  	v61 =	vand.u32 $0x7FF, v59;
	v49 =	vxor.u32 v45, v29;
	v58 =	vor.u32 v19, v57;
	[tilespmem:s14+$0x6800] =	vst v26  }
0x6e: {  	v59 =	vxor.u32 v45, v60;
	v54 =	vshll.u32 v49, $0x2;
	v30 =	vor.u32 v18, v61;
	[tilespmem:s14+$0x6980] =	vst v58  }
0x6f: {  	p0 =	sne.s32 s1, $0x1C0;
	v62 =	vshll.u32 v59, $0x2;
	v55 =	vand.u32 $0x4, v54;
	[tilespmem:s14+$0x6700] =	vst v30  }
.Ltmp0:
0x70: {  	v38 =	vand.u32 $0x7FF, v37;
	v52 =	vshrl.u32 v49, $0x1;
	v63 =	vand.u32 $0x4, v62;
	[tilespmem:s14+$0x7300] =	vst v55;
	(pc) =	sbr.rel @p0 .LBB2_4-.Ltmp0, $4  }
0x71: {  	v60 =	vshrl.u32 v59, $0x1;
	v53 =	vand.u32 $0x7FF, v52;
	v30 =	vor.u32 v18, v38;
	[tilespmem:s14+$0x7400] =	vst v63  }
0x72: {  	v61 =	vand.u32 $0x7FF, v60;
	v25 =	vor.u32 v19, v53;
	[tilespmem:s14+$0x6780] =	vst v30  }
0x73: {  	v22 =	vor.u32 v19, v61;
	[tilespmem:s14+$0x6900] =	vst v25  }
0x74: {  	s1 =	sadd.s32 $0x40, s1;
	[tilespmem:s14+$0x6A00] =	vst v22  }
0x75: {  	[tilespmem:s19], [sflag:$0x1] =	stream.indirect.gather [hbm4b:s6+s17], $0x8, s18, s17, $0xb8;
	[tilespmem:$0xEE80] =	vst v63  }
0x76: {  	_ = 	snop  }
0x77: {  	[tilespmem:s22], [sflag:$0x1] =	stream.indirect.gather [hbm4b:s7+s20], $0x8, s21, s20, $0xb8;
	[tilespmem:$0xEE80] =	vst v63  }
0x78: {  	_ =	swait.ge [sflag:s23], $0x2000  }
0x79: {  	[sflag:s23] =	ssyncset.done $0x0  }
0x7a: {  	[sflag:s23] =	ssyncadd.s32 $0xFFFFE000  }
0x7b: {  	_ =	swait.ge [sflag:s23], $0x3000  }
0x7c: {  	s1 =	simm.s32 $0x0;
	s14 =	simm.s32 $0x6F80;
	[sflag:s23] =	ssyncset.done $0x0  }
0x7d: {  	s15 =	simm.s32 $0x7980;
	s31 =	smov.u32 s16;
	[sflag:s23] =	ssyncadd.s32 $0xFFFFD000  }
.LBB2_6:
0x7e: {  	v16 =	vld [tilespmem:s14+$0xFFFFFB00];
	_ =	sdelay $0x1  }
0x7f: {  	v38 =	vld [tilespmem:s14+$0xFFFFFB80]  }
0x80: {  	v15 =	vmov s1;
	v42 =	vld [tilespmem:s14+$0xFFFFFC00]  }
0x81: {  	v15 =	vshll.u32 v15, $0x3  }
0x82: {  	v32 =	vld [tilespmem:s14+$0xFFFFFC80];
	v17 =	vor.u32 v0, v15;
	v18 =	vand.u32 $0xFFFFFFF8, v16  }
0x83: {  	v19 =	vadd.s32 $0x1, v16;
	v20 =	vand.u32 $0x7, v16;
	v39 =	vadd.s32 $0x2, v16  }
0x84: {  	v16 =	vadd.s32 $0x3, v16;
	v40 =	vand.u32 $0xFFFFFFF8, v38;
	v24 =	vadd.s32 $0x1, v38  }
0x85: {  	v26 =	vand.u32 $0x7, v38;
	v43 =	vadd.s32 $0x2, v38;
	v47 =	vand.u32 $0xFFFFFFF8, v42  }
0x86: {  	v30 =	vand.u32 $0x7, v42;
	v31 =	vadd.s32 $0x1, v42;
	v33 =	vadd.s32 $0x2, v42  }
0x87: {  	v49 =	vand.u32 $0xFFFFFFF8, v32;
	v50 =	vadd.s32 $0x1, v32;
	v36 =	vand.u32 $0x7, v32  }
0x88: {  	v53 =	vadd.s32 $0x2, v32;
	v32 =	vadd.s32 $0x3, v32;
	v18 =	vadd.s32 v17, v18  }
0x89: {  	v21 =	vand.u32 $0xFFFFFFF8, v19;
	v19 =	vand.u32 $0x7, v19;
	v22 =	vand.u32 $0xFFFFFFF8, v39  }
0x8a: {  	v23 =	vand.u32 $0xFFFFFFF8, v16;
	v16 =	vand.u32 $0x7, v16;
	v27 =	vand.u32 $0xFFFFFFF8, v24  }
0x8b: {  	v24 =	vand.u32 $0x7, v24;
	v18 =	vor.u32 v20, v18;
	v37 =	vadd.s32 v17, v21  }
0x8c: {  	v20 =	vand.u32 $0x7, v39;
	v22 =	vadd.s32 v17, v22;
	v19 =	vor.u32 v19, v37  }
0x8d: {  	v25 =	vld [tilespmem:s15+$0xFFFFFB00];
	v23 =	vadd.s32 v17, v23;
	v20 =	vor.u32 v20, v22;
	v22 =	vor.u32 v12, v15  }
0x8e: {  	v21 =	vadd.s32 $0x3, v38;
	v38 =	vld [tilespmem:s14+$0xFFFFFD00];
	v16 =	vor.u32 v16, v23;
	v23 =	vadd.s32 v22, v40  }
0x8f: {  	v44 =	vand.u32 $0xFFFFFFF8, v43;
	v41 =	vadd.s32 v22, v27;
	v23 =	vor.u32 v26, v23;
	v26 =	vld [tilespmem:s15+$0xFFFFFB80]  }
0x90: {  	v48 =	vand.u32 $0xFFFFFFF8, v31;
	v31 =	vand.u32 $0x7, v31;
	v24 =	vor.u32 v24, v41;
	v18 =	vld.idx.msk [tilespmem:v18+s19+$0x0], $0xffff  }
0x91: {  	v34 =	vand.u32 $0xFFFFFFF8, v33;
	v33 =	vand.u32 $0x7, v33;
	v51 =	vand.u32 $0x7, v50;
	v19 =	vld.idx.msk [tilespmem:v19+s19+$0x0], $0xffff  }
0x92: {  	v54 =	vand.u32 $0xFFFFFFF8, v53;
	v55 =	vand.u32 $0x7, v53;
	v56 =	vand.u32 $0xFFFFFFF8, v32;
	v20 =	vld.idx.msk [tilespmem:v20+s19+$0x0], $0xffff  }
0x93: {  	v32 =	vand.u32 $0x7, v32;
	v45 =	vand.u32 $0xFFFFFFF8, v21;
	v21 =	vand.u32 $0x7, v21;
	v16 =	vld.idx.msk [tilespmem:v16+s19+$0x0], $0xffff  }
0x94: {  	v37 =	vand.u32 $0xFFFFFFF8, v50;
	v46 =	vadd.s32 v22, v45;
	v27 =	vadd.s32 $0x3, v42;
	v23 =	vld.idx.msk [tilespmem:v23+s19+$0x0], $0xffff  }
0x95: {  	v21 =	vor.u32 v21, v46;
	v35 =	vand.u32 $0xFFFFFFF8, v27;
	v27 =	vand.u32 $0x7, v27;
	v24 =	vld.idx.msk [tilespmem:v24+s19+$0x0], $0xffff  }
0x96: {  	v41 =	vand.u32 $0xFFFFFFF8, v38;
	v42 =	vand.u32 $0x7, v38;
	v45 =	vadd.s32 $0x2, v38  }
0x97: {  	v60 =	vand.u32 $0xFFFFFFF8, v45;
	v18 =	vmul.f32 v18, v25;
	v19 =	vmul.f32 v19, v25  }
0x98: {  	v20 =	vmul.f32 v20, v25;
	v16 =	vmul.f32 v16, v25;
	v25 =	vor.u32 v11, v15  }
0x99: {  	v61 =	vand.u32 $0x7, v45;
	v18 =	vadd.f32 $0.0e+00, v18;
	v34 =	vadd.s32 v25, v34  }
0x9a: {  	v35 =	vadd.s32 v25, v35;
	v28 =	vmul.f32 v23, v26;
	v29 =	vmul.f32 v24, v26  }
0x9b: {  	v23 =	vand.u32 $0x7, v43;
	v24 =	vadd.s32 v22, v44;
	v33 =	vor.u32 v33, v34  }
0x9c: {  	v19 =	vadd.f32 $0.0e+00, v19;
	v20 =	vadd.f32 $0.0e+00, v20;
	v23 =	vor.u32 v23, v24  }
0x9d: {  	v16 =	vadd.f32 $0.0e+00, v16;
	v27 =	vor.u32 v27, v35;
	v24 =	vadd.s32 v25, v47  }
0x9e: {  	v40 =	vld [tilespmem:s15+$0xFFFFFC00];
	v43 =	vadd.s32 $0x1, v38;
	v30 =	vor.u32 v30, v24;
	v24 =	vadd.s32 v25, v48  }
0x9f: {  	v39 =	vld.idx.msk [tilespmem:v21+s19+$0x0], $0xffff;
	v38 =	vadd.s32 $0x3, v38;
	v31 =	vor.u32 v31, v24;
	v24 =	vor.u32 v10, v15  }
0xa0: {  	v59 =	vand.u32 $0xFFFFFFF8, v43;
	v43 =	vand.u32 $0x7, v43;
	v52 =	vadd.s32 v24, v37;
	v33 =	vld.idx.msk [tilespmem:v33+s19+$0x0], $0xffff  }
0xa1: {  	v62 =	vand.u32 $0xFFFFFFF8, v38;
	v21 =	vor.u32 v51, v52;
	v34 =	vld.idx.msk [tilespmem:v23+s19+$0x0], $0xffff;
	v23 =	vadd.s32 v24, v49  }
0xa2: {  	v57 =	vadd.s32 v24, v56;
	v27 =	vld.idx.msk [tilespmem:v27+s19+$0x0], $0xffff;
	v36 =	vor.u32 v36, v23;
	v23 =	vadd.s32 v24, v54  }
0xa3: {  	v32 =	vor.u32 v32, v57;
	v30 =	vld.idx.msk [tilespmem:v30+s19+$0x0], $0xffff;
	v35 =	vor.u32 v55, v23;
	v23 =	vor.u32 v9, v15  }
0xa4: {  	v63 =	vand.u32 $0x7, v38;
	v18 =	vadd.f32 v28, v18;
	v31 =	vld.idx.msk [tilespmem:v31+s19+$0x0], $0xffff;
	v41 =	vadd.s32 v23, v41  }
0xa5: {  	v19 =	vadd.f32 v29, v19;
	v47 =	vadd.s32 v23, v62;
	v58 =	vor.u32 v42, v41;
	v42 =	vld [tilespmem:s14+$0xFFFFFD80]  }
0xa6: {  	v41 =	vadd.s32 v23, v59;
	v46 =	vld.idx.msk [tilespmem:v21+s19+$0x0], $0xffff;
	v38 =	vor.u32 v63, v47;
	v21 =	vor.u32 v8, v15  }
0xa7: {  	v44 =	vld [tilespmem:s15+$0xFFFFFC80];
	v57 =	vmul.f32 v33, v40;
	v41 =	vor.u32 v43, v41;
	v34 =	vmul.f32 v34, v26  }
0xa8: {  	v32 =	vld.idx.msk [tilespmem:v32+s19+$0x0], $0xffff;
	v43 =	vadd.s32 v23, v60;
	v26 =	vmul.f32 v39, v26;
	v30 =	vmul.f32 v30, v40  }
0xa9: {  	v27 =	vmul.f32 v27, v40;
	v43 =	vor.u32 v61, v43;
	v20 =	vadd.f32 v34, v20  }
0xaa: {  	v36 =	vld.idx.msk [tilespmem:v36+s19+$0x0], $0xffff;
	v31 =	vmul.f32 v31, v40;
	v16 =	vadd.f32 v26, v16;
	v18 =	vadd.f32 v30, v18  }
0xab: {  	v49 =	vld [tilespmem:s15+$0xFFFFFD00];
	v48 =	vand.u32 $0xFFFFFFF8, v42;
	v47 =	vand.u32 $0x7, v42;
	v52 =	vadd.s32 $0x1, v42  }
0xac: {  	v35 =	vld.idx.msk [tilespmem:v35+s19+$0x0], $0xffff;
	v19 =	vadd.f32 v31, v19;
	v20 =	vadd.f32 v57, v20;
	v60 =	vmul.f32 v46, v44  }
0xad: {  	v40 =	vld [tilespmem:s14+$0xFFFFFE00];
	v16 =	vadd.f32 v27, v16;
	v61 =	vmul.f32 v32, v44;
	v45 =	vadd.s32 v21, v48  }
0xae: {  	v50 =	vld.idx.msk [tilespmem:v58+s19+$0x0], $0xffff;
	v27 =	vor.u32 v7, v15;
	v54 =	vand.u32 $0xFFFFFFF8, v52;
	v51 =	vor.u32 v47, v45  }
0xaf: {  	v53 =	vld.idx.msk [tilespmem:v41+s19+$0x0], $0xffff;
	v45 =	vand.u32 $0x7, v52;
	v41 =	vadd.s32 v21, v54;
	v58 =	vmul.f32 v36, v44  }
0xb0: {  	v55 =	vld.idx.msk [tilespmem:v38+s19+$0x0], $0xffff;
	v19 =	vadd.f32 v60, v19;
	v16 =	vadd.f32 v61, v16;
	v56 =	vor.u32 v45, v41  }
0xb1: {  	v35 =	vmul.f32 v35, v44;
	v41 =	vadd.s32 $0x2, v42;
	v44 =	vadd.s32 $0x3, v42  }
0xb2: {  	v43 =	vld.idx.msk [tilespmem:v43+s19+$0x0], $0xffff;
	v48 =	vand.u32 $0xFFFFFFF8, v40;
	v52 =	vadd.s32 $0x2, v40;
	v31 =	vadd.s32 $0x3, v40  }
0xb3: {  	v18 =	vadd.f32 v58, v18;
	v45 =	vand.u32 $0xFFFFFFF8, v44;
	v46 =	vand.u32 $0x7, v44  }
0xb4: {  	v54 =	vand.u32 $0xFFFFFFF8, v31;
	v31 =	vand.u32 $0x7, v31;
	v20 =	vadd.f32 v35, v20  }
0xb5: {  	v62 =	vmul.f32 v50, v49;
	v38 =	vmul.f32 v55, v49;
	v47 =	vadd.s32 v21, v45  }
0xb6: {  	v50 =	vadd.s32 $0x1, v40;
	v36 =	vmul.f32 v53, v49;
	v29 =	vor.u32 v46, v47  }
0xb7: {  	v34 =	vand.u32 $0x7, v50;
	v53 =	vand.u32 $0xFFFFFFF8, v52;
	v37 =	vmul.f32 v43, v49  }
0xb8: {  	v35 =	vld [tilespmem:s14+$0xFFFFFE80];
	v18 =	vadd.f32 v62, v18;
	v32 =	vadd.f32 v38, v16;
	v43 =	vand.u32 $0xFFFFFFF8, v41  }
0xb9: {  	v59 =	vld.idx.msk [tilespmem:v51+s19+$0x0], $0xffff;
	v16 =	vand.u32 $0x7, v41;
	v49 =	vand.u32 $0x7, v40;
	v51 =	vand.u32 $0xFFFFFFF8, v50  }
0xba: {  	v55 =	vld [tilespmem:s14+$0xFFFFFF00];
	v38 =	vadd.s32 v27, v54;
	v19 =	vadd.f32 v36, v19;
	v26 =	vadd.s32 v21, v43  }
0xbb: {  	v44 =	vld [tilespmem:s14+$0xFFFFFF80];
	v36 =	vand.u32 $0x7, v52;
	v31 =	vor.u32 v31, v38;
	v20 =	vadd.f32 v37, v20  }
0xbc: {  	v16 =	vor.u32 v16, v26;
	v26 =	vadd.s32 v27, v48;
	v37 =	vadd.s32 v27, v53  }
0xbd: {  	v33 =	vor.u32 v49, v26;
	v26 =	vadd.s32 v27, v51;
	v36 =	vor.u32 v36, v37  }
0xbe: {  	v57 =	vand.u32 $0xFFFFFFF8, v35;
	v58 =	vadd.s32 $0x1, v35;
	v61 =	vadd.s32 $0x2, v35  }
0xbf: {  	v48 =	vand.u32 $0xFFFFFFF8, v55;
	v49 =	vand.u32 $0x7, v55;
	v50 =	vadd.s32 $0x1, v55  }
0xc0: {  	v30 =	vld [tilespmem:s15+$0xFFFFFD80];
	v53 =	vadd.s32 $0x2, v55;
	v37 =	vadd.s32 $0x3, v55;
	v55 =	vand.u32 $0xFFFFFFF8, v44  }
0xc1: {  	v34 =	vor.u32 v34, v26;
	v26 =	vor.u32 v6, v15;
	v60 =	vand.u32 $0xFFFFFFF8, v58  }
0xc2: {  	v63 =	vld.idx.msk [tilespmem:v56+s19+$0x0], $0xffff;
	v62 =	vand.u32 $0xFFFFFFF8, v61;
	v43 =	vadd.s32 v17, v48;
	v51 =	vand.u32 $0xFFFFFFF8, v50  }
0xc3: {  	v42 =	vld [tilespmem:s15+$0xFFFFFE00];
	v45 =	vand.u32 $0x7, v50;
	v54 =	vand.u32 $0xFFFFFFF8, v53;
	v47 =	vand.u32 $0x7, v53  }
0xc4: {  	v29 =	vld.idx.msk [tilespmem:v29+s19+$0x0], $0xffff;
	v48 =	vand.u32 $0xFFFFFFF8, v37;
	v37 =	vand.u32 $0x7, v37;
	v50 =	vadd.s32 $0x1, v44  }
0xc5: {  	v53 =	vadd.s32 $0x2, v44;
	v39 =	vmul.f32 v59, v30;
	v52 =	vadd.s32 v17, v51;
	v51 =	vld [tilespmem:s14+$0x0]  }
0xc6: {  	v59 =	vand.u32 $0x7, v35;
	v41 =	vadd.s32 v26, v60;
	v43 =	vor.u32 v49, v43;
	v31 =	vld.idx.msk [tilespmem:v31+s19+$0x0], $0xffff  }
0xc7: {  	v46 =	vadd.s32 v17, v54;
	v17 =	vadd.s32 v17, v48;
	v28 =	vmul.f32 v63, v30;
	v56 =	vld.idx.msk [tilespmem:v16+s19+$0x0], $0xffff  }
0xc8: {  	v63 =	vand.u32 $0x7, v61;
	v45 =	vor.u32 v45, v52;
	v46 =	vor.u32 v47, v46;
	v33 =	vld.idx.msk [tilespmem:v33+s19+$0x0], $0xffff  }
0xc9: {  	v17 =	vor.u32 v37, v17;
	v18 =	vadd.f32 v39, v18;
	v16 =	vadd.s32 v26, v57;
	v36 =	vld.idx.msk [tilespmem:v36+s19+$0x0], $0xffff  }
0xca: {  	v39 =	vand.u32 $0x7, v58;
	v40 =	vor.u32 v59, v16;
	v16 =	vadd.s32 v26, v62;
	v34 =	vld.idx.msk [tilespmem:v34+s19+$0x0], $0xffff  }
0xcb: {  	v48 =	vadd.s32 $0x3, v35;
	v39 =	vor.u32 v39, v41;
	v41 =	vor.u32 v63, v16;
	v16 =	vld [tilespmem:s15+$0xFFFFFE80]  }
0xcc: {  	v54 =	vand.u32 $0xFFFFFFF8, v53;
	v37 =	vadd.s32 v22, v55;
	v57 =	vand.u32 $0x7, v44;
	v59 =	vld.idx.msk [tilespmem:v43+s22+$0x0], $0xffff  }
0xcd: {  	v49 =	vand.u32 $0xFFFFFFF8, v48;
	v37 =	vor.u32 v57, v37;
	v29 =	vmul.f32 v29, v30;
	v61 =	vld.idx.msk [tilespmem:v45+s22+$0x0], $0xffff  }
0xce: {  	v52 =	vand.u32 $0xFFFFFFF8, v50;
	v55 =	vadd.s32 $0x3, v44;
	v19 =	vadd.f32 v28, v19;
	v63 =	vld.idx.msk [tilespmem:v46+s22+$0x0], $0xffff  }
0xcf: {  	v57 =	vand.u32 $0xFFFFFFF8, v55;
	v29 =	vadd.f32 v29, v32;
	v31 =	vmul.f32 v31, v42;
	v45 =	vld.idx.msk [tilespmem:v17+s22+$0x0], $0xffff  }
0xd0: {  	v32 =	vand.u32 $0x7, v48;
	v48 =	vadd.s32 $0x2, v51;
	v38 =	vmul.f32 v56, v30;
	v56 =	vld [tilespmem:s15+$0xFFFFFF00]  }
0xd1: {  	v40 =	vld.idx.msk [tilespmem:v40+s19+$0x0], $0xffff;
	v58 =	vmul.f32 v33, v42;
	v62 =	vmul.f32 v36, v42;
	v17 =	vadd.f32 v31, v29  }
0xd2: {  	v47 =	vld.idx.msk [tilespmem:v37+s22+$0x0], $0xffff;
	v36 =	vand.u32 $0x7, v50;
	v37 =	vadd.s32 $0x3, v51;
	v20 =	vadd.f32 v38, v20  }
0xd3: {  	v39 =	vld.idx.msk [tilespmem:v39+s19+$0x0], $0xffff;
	v60 =	vmul.f32 v34, v42;
	v38 =	vadd.s32 v22, v52;
	v50 =	vand.u32 $0xFFFFFFF8, v37  }
0xd4: {  	v29 =	vld [tilespmem:s15+$0xFFFFFF80];
	v37 =	vand.u32 $0x7, v37;
	v18 =	vadd.f32 v58, v18;
	v36 =	vor.u32 v36, v38  }
0xd5: {  	v41 =	vld.idx.msk [tilespmem:v41+s19+$0x0], $0xffff;
	v58 =	vand.u32 $0x7, v55;
	v19 =	vadd.f32 v60, v19;
	v28 =	vadd.f32 v62, v20  }
0xd6: {  	v60 =	vand.u32 $0x7, v51;
	v33 =	vmul.f32 v59, v56;
	v34 =	vmul.f32 v61, v56  }
0xd7: {  	v35 =	vmul.f32 v63, v56;
	v30 =	vmul.f32 v45, v56;
	v59 =	vand.u32 $0xFFFFFFF8, v51  }
0xd8: {  	v61 =	vadd.s32 $0x1, v51;
	v42 =	vmul.f32 v40, v16;
	v43 =	vmul.f32 v39, v16  }
0xd9: {  	v31 =	vmul.f32 v47, v29;
	v39 =	vand.u32 $0x7, v53;
	v40 =	vadd.s32 v22, v54  }
0xda: {  	v55 =	vld [tilespmem:s14+$0x100];
	v22 =	vadd.s32 v22, v57;
	v62 =	vand.u32 $0xFFFFFFF8, v61;
	v46 =	vmul.f32 v41, v16  }
0xdb: {  	v33 =	vadd.f32 $0.0e+00, v33;
	v34 =	vadd.f32 $0.0e+00, v34;
	v56 =	vor.u32 v39, v40  }
0xdc: {  	v39 =	vadd.s32 v25, v59;
	v22 =	vor.u32 v58, v22;
	v35 =	vadd.f32 $0.0e+00, v35  }
0xdd: {  	v40 =	vadd.s32 v25, v62;
	v30 =	vadd.f32 $0.0e+00, v30;
	v20 =	vadd.f32 v42, v18  }
0xde: {  	v63 =	vld [tilespmem:s14+$0x80];
	v18 =	vadd.f32 v43, v19;
	v39 =	vor.u32 v60, v39;
	v42 =	vand.u32 $0x7, v61  }
0xdf: {  	v43 =	vand.u32 $0x7, v48;
	v60 =	vand.u32 $0xFFFFFFF8, v55;
	v61 =	vand.u32 $0x7, v55  }
0xe0: {  	v62 =	vadd.s32 $0x1, v55;
	v19 =	vadd.f32 v46, v28;
	v28 =	vadd.s32 v26, v49  }
0xe1: {  	v40 =	vor.u32 v42, v40;
	v49 =	vand.u32 $0xFFFFFFF8, v48;
	v48 =	vand.u32 $0x7, v62  }
0xe2: {  	v46 =	vadd.s32 $0x3, v55;
	v31 =	vadd.f32 v31, v33;
	v42 =	vadd.s32 v25, v49  }
0xe3: {  	v25 =	vadd.s32 v25, v50;
	v51 =	vand.u32 $0xFFFFFFF8, v63;
	v52 =	vadd.s32 $0x1, v63  }
0xe4: {  	v45 =	vld [tilespmem:s15+$0x0];
	v53 =	vand.u32 $0x7, v63;
	v57 =	vadd.s32 $0x2, v63;
	v41 =	vadd.s32 $0x3, v63  }
0xe5: {  	v36 =	vld.idx.msk [tilespmem:v36+s22+$0x0], $0xffff;
	v63 =	vand.u32 $0xFFFFFFF8, v62;
	v50 =	vadd.s32 $0x2, v55;
	v42 =	vor.u32 v43, v42  }
0xe6: {  	v49 =	vld [tilespmem:s15+$0x80];
	v25 =	vor.u32 v37, v25;
	v37 =	vadd.s32 v24, v51;
	v54 =	vand.u32 $0xFFFFFFF8, v52  }
0xe7: {  	v55 =	vld [tilespmem:s15+$0x100];
	v43 =	vand.u32 $0x7, v52;
	v58 =	vand.u32 $0xFFFFFFF8, v57;
	v44 =	vand.u32 $0x7, v57  }
0xe8: {  	v59 =	vand.u32 $0xFFFFFFF8, v41;
	v41 =	vand.u32 $0x7, v41;
	v51 =	vand.u32 $0xFFFFFFF8, v50;
	v38 =	vld.idx.msk [tilespmem:v56+s22+$0x0], $0xffff  }
0xe9: {  	v52 =	vand.u32 $0x7, v50;
	v22 =	vld.idx.msk [tilespmem:v22+s22+$0x0], $0xffff;
	v37 =	vor.u32 v53, v37;
	v56 =	vadd.s32 v24, v54  }
0xea: {  	v47 =	vadd.s32 v24, v58;
	v24 =	vadd.s32 v24, v59;
	v53 =	vadd.s32 v23, v51;
	v39 =	vld.idx.msk [tilespmem:v39+s22+$0x0], $0xffff  }
0xeb: {  	v43 =	vor.u32 v43, v56;
	v44 =	vor.u32 v44, v47;
	v47 =	vadd.s32 v23, v63;
	v63 =	vld [tilespmem:s14+$0x180]  }
0xec: {  	v54 =	vand.u32 $0xFFFFFFF8, v46;
	v46 =	vand.u32 $0x7, v46;
	v24 =	vor.u32 v41, v24;
	v40 =	vld.idx.msk [tilespmem:v40+s22+$0x0], $0xffff  }
0xed: {  	v41 =	vadd.s32 v23, v60;
	v36 =	vmul.f32 v36, v29;
	v23 =	vadd.s32 v23, v54;
	v42 =	vld.idx.msk [tilespmem:v42+s22+$0x0], $0xffff  }
0xee: {  	v41 =	vor.u32 v61, v41;
	v47 =	vor.u32 v48, v47;
	v48 =	vor.u32 v52, v53;
	v25 =	vld.idx.msk [tilespmem:v25+s22+$0x0], $0xffff  }
0xef: {  	v23 =	vor.u32 v46, v23;
	v34 =	vadd.f32 v36, v34;
	v37 =	vld.idx.msk [tilespmem:v37+s22+$0x0], $0xffff;
	v56 =	vmul.f32 v38, v29  }
0xf0: {  	v22 =	vmul.f32 v22, v29;
	v43 =	vld.idx.msk [tilespmem:v43+s22+$0x0], $0xffff;
	v58 =	vmul.f32 v39, v45;
	v51 =	vand.u32 $0xFFFFFFF8, v63  }
0xf1: {  	v44 =	vld.idx.msk [tilespmem:v44+s22+$0x0], $0xffff;
	v52 =	vand.u32 $0x7, v63;
	v53 =	vadd.s32 $0x1, v63;
	v36 =	vadd.s32 $0x3, v63  }
0xf2: {  	v24 =	vld.idx.msk [tilespmem:v24+s22+$0x0], $0xffff;
	v59 =	vmul.f32 v40, v45;
	v33 =	vadd.f32 v56, v35;
	v22 =	vadd.f32 v22, v30  }
0xf3: {  	v57 =	vld.idx.msk [tilespmem:v41+s22+$0x0], $0xffff;
	v54 =	vand.u32 $0xFFFFFFF8, v53;
	v56 =	vadd.s32 $0x2, v63;
	v31 =	vadd.f32 v58, v31  }
0xf4: {  	v62 =	vld.idx.msk [tilespmem:v48+s22+$0x0], $0xffff;
	v38 =	vand.u32 $0x7, v56;
	v58 =	vand.u32 $0xFFFFFFF8, v36;
	v61 =	vmul.f32 v42, v45  }
0xf5: {  	v63 =	vld [tilespmem:s14+$0x280];
	v36 =	vand.u32 $0x7, v36;
	v34 =	vadd.f32 v59, v34;
	v25 =	vmul.f32 v25, v45  }
0xf6: {  	v45 =	vmul.f32 v37, v49;
	v30 =	vadd.f32 v61, v33;
	v46 =	vmul.f32 v43, v49  }
0xf7: {  	v60 =	vld.idx.msk [tilespmem:v47+s22+$0x0], $0xffff;
	v22 =	vadd.f32 v25, v22;
	v47 =	vmul.f32 v44, v49;
	v48 =	vmul.f32 v24, v49  }
0xf8: {  	v25 =	vor.u32 v32, v28;
	v32 =	vadd.s32 v21, v51;
	v33 =	vadd.s32 v21, v54  }
0xf9: {  	v49 =	vld.idx.msk [tilespmem:v23+s22+$0x0], $0xffff;
	v28 =	vadd.f32 v45, v31;
	v29 =	vmul.f32 v57, v55;
	v31 =	vmul.f32 v62, v55  }
0xfa: {  	v32 =	vor.u32 v52, v32;
	v57 =	vand.u32 $0xFFFFFFF8, v56;
	v50 =	vand.u32 $0xFFFFFFF8, v63  }
0xfb: {  	v51 =	vand.u32 $0x7, v63;
	v52 =	vadd.s32 $0x1, v63;
	v54 =	vadd.s32 $0x2, v63  }
0xfc: {  	v41 =	vadd.s32 $0x3, v63;
	v24 =	vadd.f32 v46, v34;
	v23 =	vadd.f32 v47, v30  }
0xfd: {  	v44 =	vld [tilespmem:s14+$0x300];
	v22 =	vadd.f32 v48, v22;
	v30 =	vmul.f32 v60, v55;
	v34 =	vand.u32 $0x7, v53  }
0xfe: {  	v53 =	vand.u32 $0xFFFFFFF8, v52;
	v42 =	vand.u32 $0x7, v52;
	v35 =	vmul.f32 v49, v55;
	v55 =	vld [tilespmem:s14+$0x200]  }
0xff: {  	v45 =	vand.u32 $0x7, v54;
	v56 =	vand.u32 $0xFFFFFFF8, v41;
	v41 =	vand.u32 $0x7, v41  }
0x100: {  	v33 =	vor.u32 v34, v33;
	v34 =	vadd.s32 v21, v57;
	v21 =	vadd.s32 v21, v58  }
0x101: {  	v29 =	vadd.f32 $0.0e+00, v29;
	v31 =	vadd.f32 $0.0e+00, v31;
	v34 =	vor.u32 v38, v34  }
0x102: {  	v21 =	vor.u32 v36, v21;
	v30 =	vadd.f32 $0.0e+00, v30;
	v58 =	vand.u32 $0xFFFFFFF8, v44  }
0x103: {  	v35 =	vadd.f32 $0.0e+00, v35;
	v59 =	vand.u32 $0xFFFFFFF8, v55;
	v60 =	vadd.s32 $0x1, v55  }
0x104: {  	v61 =	vand.u32 $0x7, v55;
	v47 =	vadd.s32 $0x2, v55;
	v37 =	vadd.s32 $0x3, v55  }
0x105: {  	v43 =	vld [tilespmem:s15+$0x180];
	v55 =	vand.u32 $0xFFFFFFF8, v54;
	v36 =	vadd.s32 v27, v59;
	v62 =	vand.u32 $0xFFFFFFF8, v60  }
0x106: {  	v52 =	vld [tilespmem:s15+$0x280];
	v38 =	vand.u32 $0x7, v60;
	v48 =	vand.u32 $0xFFFFFFF8, v47;
	v39 =	vand.u32 $0x7, v47  }
0x107: {  	v32 =	vld.idx.msk [tilespmem:v32+s22+$0x0], $0xffff;
	v49 =	vand.u32 $0xFFFFFFF8, v37;
	v37 =	vand.u32 $0x7, v37;
	v36 =	vor.u32 v61, v36  }
0x108: {  	v33 =	vld.idx.msk [tilespmem:v33+s22+$0x0], $0xffff;
	v46 =	vadd.s32 v27, v62;
	v40 =	vadd.s32 v27, v48;
	v27 =	vadd.s32 v27, v49  }
0x109: {  	v34 =	vld.idx.msk [tilespmem:v34+s22+$0x0], $0xffff;
	v61 =	vadd.s32 $0x2, v44;
	v38 =	vor.u32 v38, v46;
	v39 =	vor.u32 v39, v40  }
0x10a: {  	v21 =	vld.idx.msk [tilespmem:v21+s22+$0x0], $0xffff;
	v27 =	vor.u32 v37, v27;
	v37 =	vadd.s32 v26, v50;
	v46 =	vadd.s32 v26, v55  }
0x10b: {  	v48 =	vld [tilespmem:s15+$0x200];
	v63 =	vand.u32 $0xFFFFFFF8, v61;
	v57 =	vor.u32 v45, v46;
	v46 =	vor.u32 v5, v15  }
0x10c: {  	v40 =	vadd.s32 v26, v53;
	v37 =	vor.u32 v51, v37;
	v51 =	vadd.s32 v46, v63;
	v63 =	vld [tilespmem:s14+$0x380]  }
0x10d: {  	v59 =	vand.u32 $0x7, v44;
	v60 =	vadd.s32 $0x1, v44;
	v40 =	vor.u32 v42, v40;
	v36 =	vld.idx.msk [tilespmem:v36+s22+$0x0], $0xffff  }
0x10e: {  	v32 =	vmul.f32 v32, v43;
	v62 =	vand.u32 $0xFFFFFFF8, v60;
	v26 =	vadd.s32 v26, v56;
	v38 =	vld.idx.msk [tilespmem:v38+s22+$0x0], $0xffff  }
0x10f: {  	v47 =	vand.u32 $0x7, v60;
	v44 =	vadd.s32 $0x3, v44;
	v26 =	vor.u32 v41, v26;
	v39 =	vld.idx.msk [tilespmem:v39+s22+$0x0], $0xffff  }
0x110: {  	v49 =	vand.u32 $0x7, v61;
	v33 =	vmul.f32 v33, v43;
	v29 =	vadd.f32 v32, v29;
	v27 =	vld.idx.msk [tilespmem:v27+s22+$0x0], $0xffff  }
0x111: {  	v32 =	vand.u32 $0x7, v44;
	v53 =	vmul.f32 v34, v43;
	v50 =	vadd.s32 v46, v62;
	v37 =	vld.idx.msk [tilespmem:v37+s22+$0x0], $0xffff  }
0x112: {  	v21 =	vmul.f32 v21, v43;
	v45 =	vand.u32 $0xFFFFFFF8, v44;
	v50 =	vor.u32 v47, v50;
	v40 =	vld.idx.msk [tilespmem:v40+s22+$0x0], $0xffff  }
0x113: {  	v41 =	vadd.s32 v46, v58;
	v30 =	vadd.f32 v33, v30;
	v51 =	vor.u32 v49, v51;
	v42 =	vld.idx.msk [tilespmem:v57+s22+$0x0], $0xffff  }
0x114: {  	v41 =	vor.u32 v59, v41;
	v31 =	vadd.f32 v53, v31;
	v21 =	vadd.f32 v21, v35;
	v26 =	vld.idx.msk [tilespmem:v26+s22+$0x0], $0xffff  }
0x115: {  	v47 =	vor.u32 v4, v15;
	v49 =	vand.u32 $0x7, v63;
	v54 =	vmul.f32 v36, v48  }
0x116: {  	v53 =	vadd.s32 $0x2, v63;
	v55 =	vmul.f32 v38, v48;
	v56 =	vmul.f32 v39, v48  }
0x117: {  	v58 =	vld.idx.msk [tilespmem:v50+s22+$0x0], $0xffff;
	v27 =	vmul.f32 v27, v48;
	v48 =	vadd.s32 $0x1, v63;
	v38 =	vadd.s32 $0x3, v63  }
0x118: {  	v61 =	vld.idx.msk [tilespmem:v51+s22+$0x0], $0xffff;
	v29 =	vadd.f32 v54, v29;
	v59 =	vmul.f32 v37, v52;
	v60 =	vmul.f32 v40, v52  }
0x119: {  	v51 =	vld [tilespmem:s14+$0x400];
	v62 =	vmul.f32 v42, v52;
	v26 =	vmul.f32 v26, v52;
	v50 =	vand.u32 $0xFFFFFFF8, v48  }
0x11a: {  	v57 =	vld.idx.msk [tilespmem:v41+s22+$0x0], $0xffff;
	v37 =	vand.u32 $0x7, v48;
	v54 =	vand.u32 $0xFFFFFFF8, v53;
	v30 =	vadd.f32 v55, v30  }
0x11b: {  	v36 =	vld [tilespmem:s15+$0x300];
	v31 =	vadd.f32 v56, v31;
	v21 =	vadd.f32 v27, v21;
	v40 =	vadd.s32 v47, v50  }
0x11c: {  	v55 =	vand.u32 $0x7, v53;
	v39 =	vadd.s32 v47, v54;
	v56 =	vand.u32 $0xFFFFFFF8, v38  }
0x11d: {  	v38 =	vand.u32 $0x7, v38;
	v29 =	vadd.f32 v59, v29;
	v37 =	vor.u32 v37, v40  }
0x11e: {  	v39 =	vor.u32 v55, v39;
	v35 =	vadd.s32 v47, v56;
	v59 =	vand.u32 $0x7, v51  }
0x11f: {  	v52 =	vadd.s32 $0x2, v51;
	v41 =	vadd.s32 $0x3, v51;
	v30 =	vadd.f32 v60, v30  }
0x120: {  	v27 =	vadd.f32 v62, v31;
	v21 =	vadd.f32 v26, v21;
	v31 =	vmul.f32 v57, v36  }
0x121: {  	v26 =	vadd.s32 v46, v45;
	v33 =	vmul.f32 v58, v36;
	v34 =	vmul.f32 v61, v36  }
0x122: {  	v46 =	vand.u32 $0xFFFFFFF8, v63;
	v57 =	vand.u32 $0xFFFFFFF8, v51;
	v58 =	vor.u32 v3, v15  }
0x123: {  	v60 =	vadd.s32 $0x1, v51;
	v35 =	vor.u32 v38, v35;
	v54 =	vand.u32 $0xFFFFFFF8, v52  }
0x124: {  	v45 =	vand.u32 $0x7, v52;
	v55 =	vand.u32 $0xFFFFFFF8, v41;
	v41 =	vand.u32 $0x7, v41  }
0x125: {  	v63 =	vld [tilespmem:s14+$0x480];
	v15 =	vor.u32 v2, v15;
	v26 =	vor.u32 v32, v26;
	v32 =	vadd.s32 v47, v46  }
0x126: {  	v53 =	vld [tilespmem:s15+$0x380];
	v40 =	vadd.s32 v58, v57;
	v62 =	vand.u32 $0xFFFFFFF8, v60;
	v44 =	vand.u32 $0x7, v60  }
0x127: {  	v42 =	vadd.s32 v58, v55;
	v32 =	vor.u32 v49, v32;
	v61 =	vor.u32 v59, v40;
	v59 =	vld [tilespmem:s15+$0x400]  }
0x128: {  	v28 =	vmul.f32 v29, v28;
	v40 =	vadd.s32 v58, v62;
	v31 =	vadd.f32 $0.0e+00, v31;
	v37 =	vld.idx.msk [tilespmem:v37+s22+$0x0], $0xffff  }
0x129: {  	v41 =	vor.u32 v41, v42;
	v33 =	vadd.f32 $0.0e+00, v33;
	v34 =	vadd.f32 $0.0e+00, v34;
	v39 =	vld.idx.msk [tilespmem:v39+s22+$0x0], $0xffff  }
0x12a: {  	v40 =	vor.u32 v44, v40;
	v44 =	vadd.s32 v58, v54;
	v56 =	vand.u32 $0xFFFFFFF8, v63;
	v35 =	vld.idx.msk [tilespmem:v35+s22+$0x0], $0xffff  }
0x12b: {  	v57 =	vand.u32 $0x7, v63;
	v58 =	vadd.s32 $0x1, v63;
	v26 =	vld.idx.msk [tilespmem:v26+s22+$0x0], $0xffff;
	v42 =	vadd.s32 v15, v56  }
0x12c: {  	v44 =	vor.u32 v45, v44;
	v60 =	vand.u32 $0xFFFFFFF8, v58;
	v32 =	vld.idx.msk [tilespmem:v32+s22+$0x0], $0xffff;
	v42 =	vor.u32 v57, v42  }
0x12d: {  	v47 =	vand.u32 $0x7, v58;
	v38 =	vld.idx.msk [tilespmem:v61+s22+$0x0], $0xffff;
	v45 =	vadd.s32 v15, v60;
	v61 =	vadd.s32 $0x2, v63  }
0x12e: {  	v43 =	vadd.s32 $0x3, v63;
	v41 =	vld.idx.msk [tilespmem:v41+s22+$0x0], $0xffff;
	v45 =	vor.u32 v47, v45;
	v62 =	vand.u32 $0xFFFFFFF8, v61  }
0x12f: {  	v63 =	vand.u32 $0xFFFFFFF8, v43;
	v40 =	vld.idx.msk [tilespmem:v40+s22+$0x0], $0xffff;
	v48 =	vand.u32 $0x7, v61;
	v47 =	vadd.s32 v15, v62  }
0x130: {  	v43 =	vand.u32 $0x7, v43;
	v15 =	vadd.s32 v15, v63;
	v47 =	vor.u32 v48, v47;
	v48 =	vld [tilespmem:s15+$0x480]  }
0x131: {  	v24 =	vmul.f32 v30, v24;
	v23 =	vmul.f32 v27, v23;
	v15 =	vor.u32 v43, v15;
	v42 =	vld.idx.msk [tilespmem:v42+s22+$0x0], $0xffff  }
0x132: {  	v54 =	vor.u32 s31, v1;
	v44 =	vld.idx.msk [tilespmem:v44+s22+$0x0], $0xffff;
	v37 =	vmul.f32 v37, v53;
	v32 =	vmul.f32 v32, v53  }
0x133: {  	v57 =	vor.u32 s31, v13;
	v39 =	vmul.f32 v39, v53;
	v35 =	vmul.f32 v35, v53;
	v45 =	vld.idx.msk [tilespmem:v45+s22+$0x0], $0xffff  }
0x134: {  	v26 =	vmul.f32 v26, v36;
	v50 =	vmul.f32 v38, v59;
	v31 =	vadd.f32 v32, v31  }
0x135: {  	v49 =	vadd.f32 v37, v33;
	v34 =	vadd.f32 v39, v34;
	v36 =	vmul.f32 v41, v59;
	v52 =	vld.idx.msk [tilespmem:v47+s22+$0x0], $0xffff  }
0x136: {  	v51 =	vmul.f32 v40, v59;
	v15 =	vld.idx.msk [tilespmem:v15+s22+$0x0], $0xffff;
	v31 =	vadd.f32 v50, v31;
	v55 =	vmul.f32 v42, v48  }
0x137: {  	v26 =	vadd.f32 $0.0e+00, v26;
	v53 =	vmul.f32 v44, v59;
	v59 =	vor.u32 $0x2, v1  }
0x138: {  	v25 =	vld.idx.msk [tilespmem:v25+s19+$0x0], $0xffff;
	v32 =	vadd.f32 v51, v49;
	v56 =	vmul.f32 v45, v48;
	v31 =	vadd.f32 v55, v31  }
0x139: {  	v26 =	vadd.f32 v35, v26;
	v60 =	vor.u32 s31, v59;
	v33 =	vadd.f32 v53, v34  }
0x13a: {  	v32 =	vadd.f32 v56, v32;
	v58 =	vmul.f32 v52, v48;
	v28 =	vmul.f32 v31, v28  }
0x13b: {  	v62 =	vor.u32 $0x3, v1;
	[tilespmem:v54+s24+$0x0] =	vst.idx.msk $0xffff, v20;
	v26 =	vadd.f32 v36, v26;
	v15 =	vmul.f32 v15, v48  }
0x13c: {  	v20 =	vor.u32 s31, v62;
	v61 =	vadd.f32 v58, v33;
	v24 =	vmul.f32 v32, v24;
	[tilespmem:v54+s25+$0x0] =	vst.idx.msk $0xffff, v28  }
0x13d: {  	p0 =	sne.s32 s1, $0x70;
	v16 =	vmul.f32 v25, v16;
	v21 =	vmul.f32 v21, v22;
	[tilespmem:v57+s24+$0x0] =	vst.idx.msk $0xffff, v18  }
.Ltmp1:
0x13e: {  	v15 =	vadd.f32 v15, v26;
	v63 =	vmul.f32 v61, v23;
	[tilespmem:v57+s25+$0x0] =	vst.idx.msk $0xffff, v24;
	(pc) =	sbr.rel @p0 .LBB2_6-.Ltmp1, $4  }
0x13f: {  	v16 =	vadd.f32 v16, v17;
	[tilespmem:v60+s24+$0x0] =	vst.idx.msk $0xffff, v19  }
0x140: {  	v15 =	vmul.f32 v15, v21;
	[tilespmem:v60+s25+$0x0] =	vst.idx.msk $0xffff, v63  }
0x141: {  	s1 =	sadd.s32 $0x10, s1;
	[tilespmem:v20+s24+$0x0] =	vst.idx.msk $0xffff, v16  }
0x142: {  	s14 =	sadd.s32 $0x10, s14;
	s15 =	sadd.s32 $0x10, s15;
	s31 =	sadd.s32 $0x200, s31;
	[tilespmem:v20+s25+$0x0] =	vst.idx.msk $0xffff, v15  }
0x143: {  	s0 =	sadd.s32 $0x1, s0  }
0x144: {  	p0 =	sne.s32 s0, $0x8  }
.Ltmp2:
0x145: {  	_ = 	snop;
	(pc) =	sbr.rel @p0 .LBB2_3-.Ltmp2, $2  }
0x146: {  	_ =	sdelay $0x2  }
0x147: {  	s16 =	sadd.s32 $0x4, s16  }
0x148: {  	s0 =	sor.u32 s5, s30  }
0x149: {  	s0 =	sshll.u32 s0, $0x2  }
0x14a: {  	s1 =	sadd.s32 s2, s0  }
0x14b: {  	[hbm4b:s1+s4] =	stream.linear.scatter [tilespmem:s24], [sflag:$0x2], $0x1000, $0x38;
	[tilespmem:$0xEE80] =	vst v63  }
0x14c: {  	s29 =	sadd.s32 $0x1, s29;
	_ =	swait.ge [sflag:s13], $0x1000  }
0x14d: {  	p0 =	sne.s32 s29, $0x40;
	[sflag:s13] =	ssyncset.done $0x0  }
.Ltmp3:
0x14e: {  	s0 =	sadd.s32 s3, s0;
	[sflag:s13] =	ssyncadd.s32 $0xFFFFF000;
	(pc) =	sbr.rel @p0 .LBB2_2-.Ltmp3, $4  }
0x14f: {  	[hbm4b:s0+s4] =	stream.linear.scatter [tilespmem:s25], [sflag:$0x2], $0x1000, $0x38;
	[tilespmem:$0xEE80] =	vst v63  }
0x150: {  	_ =	swait.ge [sflag:s13], $0x1000  }
0x151: {  	[sflag:s13] =	ssyncset.done $0x0  }
0x152: {  	s28 =	sadd.s32 $0x80, s28;
	[sflag:s13] =	ssyncadd.s32 $0xFFFFF000  }
0x153: {  	s26 =	sadd.s32 $0x1, s26  }
0x154: {  	p0 =	sne.s32 s26, s12  }
.Ltmp4:
0x155: {  	_ = 	snop;
	(pc) =	sbr.rel @p0 .LBB2_1-.Ltmp4, $1  }
0x156: {  	_ =	sdelay $0x3  }
0x157: {  	_ =	sfence.sel $0x180000  }
0x158: {  	[bflag:$0x0] =	sbarrier.arrive $0xFFFF  }
0x159: {  	_ =	strace $0x90000047  }
0x15a: {  	s0 =	stileid.u32;
	[bflag:$0x2] =	sbarrier.arrive $0xFFFF  }
0x15b: {  	p0 =	sne.s32 s0, $0x0;
	s0 =	rddreg [dreg:$0x3]  }
0x15c: {  	s0 =	sadd.s32 @!p0 $0x100000, s0  }
0x15d: {  	[sflag:s0] =	ssyncadd.tile.s32 @!p0 $0x1;
	_ =	shalt  }
.Lfunc_end2:
_tile_overlayer_lowered:
.L_overlay_start_2:
0x15e: {  	(tag) =	ssettag $0x2  }
0x15f: {  	s0 =	rddreg [dreg:$0x0];
	s2 =	stileid.u32  }
0x160: {  	s1 =	rddreg [dreg:$0x1];
	p0 =	sne.s32 s2, $0x0  }
0x161: {  	s3 =	rddreg [dreg:$0x2];
	[bflag:$0x3] =	sbarrier.arrive $0xFFFF;
	s2 =	simm.s32 @!p0 $0x1C02  }
0x162: {  	[timem:s3], [sflag:s2] =	dma.local @!p0 [hbm:s0], s1  }
0x163: {  	s0 =	simm.s32 @!p0 $0x2  }
0x164: {  	_ =	swait.ge @!p0 [sflag:s0], s1  }
0x165: {  	s1 =	ssub.s32 @!p0 $0x0, s1;
	[sflag:s0] =	ssyncset.done @!p0 $0x0  }
0x166: {  	[sflag:s0] =	ssyncadd.s32 @!p0 s1  }
0x167: {  	[bflag:$0x3] =	sbarrier.arrive $0xFFFF  }
0x168: {  	_ =	shalt  }

// kernel: sparse-core-data-format-call.1.cloned.1.call-start
scs
called_computation.1_lowered:
.L_overlay_start_0:
0x0: {  	s2 =	sld [smem:$0x3FD9]  }
0x1: {  	s3 =	sld [smem:$0x3FFE];
	_ =	sdelay $0x1  }
0x2: {  	s1 =	srdreg.scid  }
0x3: {  	s0 =	sand.u32 $0x1, s1  }
0x4: {  	s15 =	sshll.u32 s0, $0xA;
	s2 =	sadd.s32 s3, s2  }
0x5: {  	s2 =	sadd.s32 s2, s15  }
0x6: {  	[smem:$0x3FC2] =	sst s2  }
0x7: {  	_ = 	snop  }
0x8: {  	s2 =	sld [smem:$0x3FD0];
	_ =	sdelay $0x2  }
0x9: {  	s16 =	simm.s32 $0xB;
	s4 =	simm.s32 $0x10  }
0xa: {  	[smem:s4], [sflag:s16] =	dma.local [hbm:s2], $0x1  }
0xb: {  	_ =	swait.eq [sflag:s16], $0x1  }
0xc: {  	[sflag:s16] =	ssyncset.done $0x0  }
0xd: {  	[sflag:s16] =	ssyncadd.s32 $0xFFFFFFFF  }
0xe: {  	s17 =	sld [smem:$0x10];
	(tm) =	ssettm $0x1  }
0xf: {  	s18 =	sld [smem:$0x3FFB];
	_ =	sdelay $0x3  }
0x10: {  	_ =	strace s18  }
0x11: {  	s3 =	sld [smem:$0x3FFC];
	_ =	sdelay $0x3  }
0x12: {  	_ =	strace s3  }
0x13: {  	s3 =	sld [smem:$0x3FFD];
	_ =	sdelay $0x3  }
0x14: {  	_ =	strace s3  }
0x15: {  	_ =	strace $0x8FFFFFFF  }
0x16: {  	s19 =	sld [smem:$0x3FDB];
	_ =	sdelay $0x1  }
0x17: {  	s20 =	simm.s32 $_scs_section_size  }
0x18: {  	s5 =	simm.s32 $_size__tile_overlayer_lowered;
	s6 =	simm.s32 $_tile_overlayer_lowered  }
0x19: {  	s23 =	simm.s32 $0x1BFF;
	s22 =	sshll.u32 s6, $0x1;
	s3 =	sadd.s32 s20, s19  }
0x1a: {  	s7 =	simm.s32 $0x0;
	s21 =	sshll.u32 s5, $0x1;
	s5 =	sadd.s32 s22, s3  }
0x1b: {  	[timem:s7], [sflag:s23] =	dma.local [hbm:s5], s21  }
0x1c: {  	_ =	swait.ge [sflag:s23], s21  }
0x1d: {  	s4 =	ssub.s32 $0x0, s21;
	[sflag:s23] =	ssyncset.done $0x0  }
0x1e: {  	[sflag:s23] =	ssyncadd.s32 s4;
	_ =	sdelay $0x1  }
0x1f: {  	s24 =	simm.s32 $0x1B8B  }
0x20: {  	_ =	swait.ge [sflag:s24], $0x1  }
0x21: {  	[sflag:s24] =	ssyncset.done $0x0  }
0x22: {  	s26 =	simm.s32 $0x1B8E;
	s25 =	sld [smem:$0x3FFE];
	[sflag:s24] =	ssyncadd.s32 $0xFFFFFFFF  }
0x23: {  	s27 =	simm.s32 $execute0_lowered;
	[smem:$0x3FD2] =	sst s26  }
0x24: {  	s5 =	sshll.u32 s27, $0x1;
	_ =	strace $0x80000049;
	[dreg:$0x1] =	wrdreg $0xFFFFFFFF  }
0x25: {  	s28 =	simm.s32 $_size_execute0_lowered;
	s3 =	sadd.s32 s3, s5;
	[dreg:$0x0] =	wrdreg $0x0  }
0x26: {  	s5 =	sshll.u32 s28, $0x1;
	[dreg:$0x2] =	wrdreg s3  }
0x27: {  	[dreg:$0x3] =	wrdreg s5  }
0x28: {  	[dreg:$0x4] =	wrdreg $0xC0  }
0x29: {  	_ =	task [dreg:s7], $0x5FFFF  }
0x2a: {  	[dreg:$0x1] =	wrdreg $0xFFFFFFFF  }
0x2b: {  	[dreg:$0x0] =	wrdreg $0x60  }
0x2c: {  	[dreg:$0x2] =	wrdreg s25  }
0x2d: {  	[dreg:$0x3] =	wrdreg s17  }
0x2e: {  	[dreg:$0x4] =	wrdreg $0xA  }
0x2f: {  	_ =	task.clear_ibuf [dreg:s7], $0x5FFFF;
	_ =	strace $0x90000049  }
0x30: {  	s29 =	simm.s32 $0xA;
	_ =	strace $0x8000004B  }
0x31: {  	_ =	swait.ge [sflag:s29], $0x1  }
0x32: {  	[sflag:s29] =	ssyncadd.s32 $0xFFFFFFFF  }
0x33: {  	_ =	strace $0x9000004B  }
0x34: {  	_ =	sfence  }
0x35: {  	s30 =	sld [smem:$0x0];
	_ =	sdelay $0x2  }
0x36: {  	s31 =	sshll.u32 s1, $0xD;
	s1 =	sshrl.u32 s1, $0x2  }
0x37: {  	s3 =	sand.u32 $0x4000, s31;
	s1 =	sadd.s32 s1, s30  }
0x38: {  	s0 =	sor.u32 s3, s0;
	s1 =	sshll.u32 s1, $0x11  }
0x39: {  	s0 =	sor.u32 s1, s0  }
0x3a: {  	s0 =	sadd.s32 $0x8F2B, s0  }
0x3b: {  	[sflag:s0] =	ssyncadd.remote.s32 $0x1  }
0x3c: {  	_ =	sfence.sel $0xFFFF  }
0x3d: {  	[dreg:$0x0] =	wrdreg $0xFFFFFFFF;
	(pc) =	sbr.abs _section_cstart, $3  }
0x3e: {  	[dreg:$0x1] =	wrdreg $0xFFFFFFFF  }
0x3f: {  	_ =	task.clear_ibuf [dreg:s7], $0x2FFFF;
	_ =	strace $0x9FFFFFFF  }
0x40: {  	(tm) =	ssettm $0x7FFFFFFF  }
0x41: {  	_ =	shalt  }
tec
execute0_lowered:
.L_overlay_start_1:
0x0: {  	(tag) =	ssettag $0x1  }
0x1: {  	s0 =	srdreg.scid  }
0x2: {  	s1 =	sshll.u32 s0, $0x4  }
0x3: {  	s4 =	rddreg [dreg:$0x0];
	s0 =	stileid.u32;
	s1 =	sand.u32 $0x10, s1  }
0x4: {  	s2 =	rddreg [dreg:$0x1];
	s7 =	simm.s32 $0x1;
	s1 =	sor.u32 s0, s1  }
0x5: {  	s8 =	simm.s32 $0x2;
	s11 =	simm.s32 $0x0;
	s3 =	sshll.u32 s1, $0x7  }
0x6: {  	s10 =	simm.s32 $0x0;
	s4 =	sadd.s32 $0x1E00, s4;
	s6 =	ssub.s32 $0x40000, s3  }
.Ltmp0:
0x7: {  	s1 =	rddreg [dreg:$0x2];
	s5 =	sand.u32 $0xF80, s6;
	(pc) =	sbr.rel .LBB1_1-.Ltmp0, $4  }
0x8: {  	_ =	strace $0x8000004A;
	s9 =	smov.u32 s3;
	p0 =	sne.s32 s5, $0x0  }
0x9: {  	s6 =	sshrl.u32 s6, $0xC;
	s5 =	simm.s32 $0x1;
	s7 =	simm.s32 @!p0 $0x0  }
0xa: {  	[sflag:s5] =	ssyncpa.u1 $0x0;
	p0 =	por $0x0, $0x0;
	s6 =	sadd.s32 s7, s6  }
0xb: {  	[sflag:s8] =	ssyncpa.u1 $0x0;
	s8 =	simm.s32 $0x200000;
	s7 =	sadd.s32 $0x1, s6  }
.LBB1_4:
0xc: {  	s13 =	sshll.u32 s11, $0x3  }
0xd: {  	s15 =	sand.u32 $0x78, s11;
	s13 =	sand.u32 $0x3FC00, s13  }
0xe: {  	s30 =	sand.u32 $0xF8000, s11;
	s31 =	sand.u32 $0x7, s11;
	s13 =	sor.u32 s15, s13  }
0xf: {  	s11 =	sshll.u32 s31, $0x12;
	s15 =	sadd.s32 s2, s30;
	s13 =	sshrl.u32 s13, $0x3  }
0x10: {  	[tilespmem:s14+$0x0 ss:$0x81] =	vst.msk $0xffff, v0;
	s11 =	sor.u32 $0x400, s11;
	s13 =	sadd.s32 s13, s15  }
0x11: {  	[hbm4b:s13+s11] =	stream.strided.scatter [tilespmem:s12], [sflag:$0x2], $0x1000, s8, s11, $0x20;
	[tilespmem:$0x4040] =	vst v63  }
.LBB1_5:
0x12: {  	s13 =	sadd.s32 $0x1000, s9  }
0x13: {  	p2 =	sgt.s32 s13, $0x3FFFF  }
0x14: {  	s13 =	smov.u32 @p2 s3;
	p2 =	sne.s32 s10, s7  }
.Ltmp1:
0x15: {  	p1 =	slt.u32 s10, $0x2;
	(pc) =	sbr.rel @!p2 .LBB1_6-.Ltmp1, $4  }
0x16: {  	s12 =	simm.s32 @!p1 $0x2  }
0x17: {  	s14 =	sadd.s32 $0x1, s10;
	_ =	swait.ge @!p1 [sflag:s12], $0x1000  }
0x18: {  	s11 =	smov.u32 s9;
	p0 =	por !p0, !p0;
	[sflag:s12] =	ssyncset.done @!p1 $0x0  }
0x19: {  	s10 =	smov.u32 s14;
	s9 =	smov.u32 s13;
	[sflag:s12] =	ssyncadd.s32 @!p1 $0xFFFFF000  }
.LBB1_1:
0x1a: {  	p1 =	sge.u32 s10, s6  }
0x1b: {  	s31 =	sadd.s32 $0xFFFFFFFF, s10;
	s12 =	sxor.u32 @!p1 $0xFFFFFFFF, s10;
	s13 =	sshll.u32 @!p1 s9, $0x4  }
0x1c: {  	s14 =	simm.s32 @!p1 $0x20;
	s12 =	sshll.u32 @!p1 s12, $0xC;
	s13 =	sand.u32 @!p1 $0x3FFFF0, s13  }
0x1d: {  	s15 =	simm.s32 @!p1 $0x80;
	s12 =	sand.u32 @!p1 $0x1000, s12;
	s13 =	sadd.s32 @!p1 s4, s13  }
0x1e: {  	[tilespmem:s12], [sflag:$0x1] =	stream.strided.gather @!p1 [hbm4b:s13+s14], $0x1000, s15, s14, $0x38;
	[tilespmem:$0x4040] =	vst v63  }
0x1f: {  	p1 =	sge.u32 s31, s6  }
.Ltmp2:
0x20: {  	_ = 	snop;
	(pc) =	sbr.rel @p1 .LBB1_5-.Ltmp2, $1  }
0x21: {  	_ =	sdelay $0x3  }
0x22: {  	s12 =	simm.s32 $0x1  }
0x23: {  	_ =	swait.ge [sflag:s5], $0x1000;
	s12 =	simm.s32 @!p0 $0x0  }
0x24: {  	[sflag:s5] =	ssyncset.done $0x0;
	s13 =	sshll.u32 s12, $0xC  }
0x25: {  	[sflag:s5] =	ssyncadd.s32 $0xFFFFF000;
	s16 =	sor.u32 $0x10, s13  }
0x26: {  	s12 =	smul.u32 $0x4080, s12;
	v1 =	vld [tilespmem:s16+$0x0]  }
0x27: {  	s30 =	sand.u32 $0x1, s10;
	v0 =	vld [tilespmem:s16+$0xFFFFFFF0]  }
0x28: {  	s14 =	smul.u32 $0x4080, s30;
	s12 =	sshrl.u32 s12, $0x2  }
0x29: {  	s13 =	sor.u32 $0x2000, s12  }
0x2a: {  	s31 =	sshrl.u32 s14, $0x2;
	s14 =	sadd.s32 $0x0, s13  }
0x2b: {  	s15 =	simm.s32 $0x4;
	s16 =	sadd.s32 $0x20, s16;
	s12 =	sor.u32 $0x2000, s31;
	[tilespmem:s14+$0x810 ss:$0x81] =	vst.msk $0xffff, v1  }
.LBB1_3:
0x2c: {  	v1 =	vld [tilespmem:s16+$0x0];
	p1 =	sne.s32 s15, $0x1FC;
	[tilespmem:s14+$0x0 ss:$0x81] =	vst.msk $0xffff, v0;
	s14 =	smov.u32 s15;
	s15 =	sadd.s32 $0x4, s15  }
.Ltmp3:
0x2d: {  	v0 =	vld [tilespmem:s16+$0xFFFFFFF0];
	(pc) =	sbr.rel @p1 .LBB1_3-.Ltmp3, $4  }
0x2e: {  	_ = 	snop  }
0x2f: {  	s14 =	sshra.s32 s14, $0x2  }
0x30: {  	s14 =	sadd.s32 s14, s13  }
0x31: {  	s16 =	sadd.s32 $0x20, s16;
	[tilespmem:s14+$0x810 ss:$0x81] =	vst.msk $0xffff, v1  }
.Ltmp4:
0x32: {  	_ = 	snop;
	(pc) =	sbr.rel .LBB1_4-.Ltmp4, $1  }
0x33: {  	_ =	sdelay $0x3  }
.LBB1_6:
0x34: {  	_ =	sfence.sel $0x180000  }
0x35: {  	s2 =	simm.s32 $0x1;
	[bflag:$0x0] =	sbarrier.arrive $0xFFFF  }
0x36: {  	s31 =	simm.s32 $0x2;
	[sflag:s2] =	ssyncpa.u1 $0x1  }
0x37: {  	[sflag:s31] =	ssyncpa.u1 $0x1  }
0x38: {  	p0 =	sne.s32 s0, $0x0;
	_ =	strace $0x9000004A  }
0x39: {  	s0 =	sadd.s32 @!p0 $0x100000, s1;
	[bflag:$0x2] =	sbarrier.arrive $0xFFFF  }
0x3a: {  	[sflag:s0] =	ssyncadd.tile.s32 @!p0 $0x1;
	_ =	shalt  }
.Lfunc_end1:
_tile_overlayer_lowered:
.L_overlay_start_2:
0x3b: {  	(tag) =	ssettag $0x2  }
0x3c: {  	s0 =	rddreg [dreg:$0x0];
	s2 =	stileid.u32  }
0x3d: {  	s1 =	rddreg [dreg:$0x1];
	p0 =	sne.s32 s2, $0x0  }
0x3e: {  	s3 =	rddreg [dreg:$0x2];
	[bflag:$0x3] =	sbarrier.arrive $0xFFFF;
	s2 =	simm.s32 @!p0 $0x1C01  }
0x3f: {  	[timem:s3], [sflag:s2] =	dma.local @!p0 [hbm:s0], s1  }
0x40: {  	s0 =	simm.s32 @!p0 $0x1  }
0x41: {  	_ =	swait.ge @!p0 [sflag:s0], s1  }
0x42: {  	s1 =	ssub.s32 @!p0 $0x0, s1;
	[sflag:s0] =	ssyncset.done @!p0 $0x0  }
0x43: {  	[sflag:s0] =	ssyncadd.s32 @!p0 s1  }
0x44: {  	[bflag:$0x3] =	sbarrier.arrive $0xFFFF  }
0x45: {  	_ =	shalt  }

// kernel: sparse-core-data-format-call.cloned.1.call-start
scs
called_computation_lowered:
.L_overlay_start_0:
0x0: {  	s2 =	sld [smem:$0x3FD9]  }
0x1: {  	s3 =	sld [smem:$0x3FFE];
	_ =	sdelay $0x1  }
0x2: {  	s1 =	srdreg.scid  }
0x3: {  	s0 =	sand.u32 $0x1, s1  }
0x4: {  	s16 =	sshll.u32 s0, $0xA;
	s2 =	sadd.s32 s3, s2  }
0x5: {  	s2 =	sadd.s32 s2, s16  }
0x6: {  	[smem:$0x3FC2] =	sst s2  }
0x7: {  	_ = 	snop  }
0x8: {  	s2 =	sld [smem:$0x3FD0];
	_ =	sdelay $0x2  }
0x9: {  	s17 =	simm.s32 $0xB;
	s4 =	simm.s32 $0x10  }
0xa: {  	[smem:s4], [sflag:s17] =	dma.local [hbm:s2], $0x1  }
0xb: {  	_ =	swait.eq [sflag:s17], $0x1  }
0xc: {  	[sflag:s17] =	ssyncset.done $0x0  }
0xd: {  	[sflag:s17] =	ssyncadd.s32 $0xFFFFFFFF  }
0xe: {  	s18 =	sld [smem:$0x11];
	(tm) =	ssettm $0x1  }
0xf: {  	s19 =	sld [smem:$0x3FFB];
	_ =	sdelay $0x3  }
0x10: {  	_ =	strace s19  }
0x11: {  	s2 =	sld [smem:$0x3FFC];
	_ =	sdelay $0x3  }
0x12: {  	_ =	strace s2  }
0x13: {  	s2 =	sld [smem:$0x3FFD];
	_ =	sdelay $0x3  }
0x14: {  	_ =	strace s2  }
0x15: {  	_ =	strace $0x8FFFFFFF  }
0x16: {  	s20 =	sld [smem:$0x3FDB];
	_ =	sdelay $0x1  }
0x17: {  	s21 =	simm.s32 $_scs_section_size  }
0x18: {  	s5 =	simm.s32 $_size__tile_overlayer_lowered;
	s6 =	simm.s32 $_tile_overlayer_lowered  }
0x19: {  	s7 =	simm.s32 $0x1BFF;
	s22 =	sshll.u32 s6, $0x1;
	s4 =	sadd.s32 s21, s20  }
0x1a: {  	s23 =	simm.s32 $0x0;
	s5 =	sshll.u32 s5, $0x1;
	s6 =	sadd.s32 s22, s4  }
0x1b: {  	[timem:s23], [sflag:s7] =	dma.local [hbm:s6], s5  }
0x1c: {  	_ =	swait.ge [sflag:s7], s5  }
0x1d: {  	s5 =	ssub.s32 $0x0, s5;
	[sflag:s7] =	ssyncset.done $0x0  }
0x1e: {  	[sflag:s7] =	ssyncadd.s32 s5;
	_ =	sdelay $0x1  }
0x1f: {  	s24 =	simm.s32 $0x1B8B  }
0x20: {  	_ =	swait.ge [sflag:s24], $0x1  }
0x21: {  	[sflag:s24] =	ssyncset.done $0x0  }
0x22: {  	[sflag:s24] =	ssyncadd.s32 $0xFFFFFFFF  }
0x23: {  	s5 =	sld [smem:$0x0]  }
0x24: {  	s6 =	sand.u32 $0xFFFFFFFE, s1  }
0x25: {  	p0 =	sne.s32 s1, s6  }
0x26: {  	s6 =	sshll.u32 @p0 s6, $0xE  }
0x27: {  	s6 =	sadd.s32 @p0 $0x11B8D, s6;
	s7 =	sshll.u32 @p0 s5, $0x11  }
0x28: {  	s6 =	sor.u32 @p0 s7, s6  }
0x29: {  	[sflag:s6] =	ssyncadd.remote.s32 @p0 $0x1;
	_ =	sdelay $0x1  }
0x2a: {  	s6 =	simm.s32 @p0 $0x1B8D  }
0x2b: {  	_ =	swait.eq @p0 [sflag:s6], $0x1  }
0x2c: {  	[sflag:s6] =	ssyncadd.s32 @p0 $0xFFFFFFFF  }
0x2d: {  	s7 =	sshll.u32 @!p0 s1, $0xE  }
0x2e: {  	s7 =	sor.u32 @!p0 $0x4000, s7;
	s6 =	simm.s32 @!p0 $0x1B8D  }
0x2f: {  	s5 =	sshll.u32 @!p0 s5, $0x11;
	s7 =	sadd.s32 @!p0 $0x11B8D, s7;
	_ =	swait.eq @!p0 [sflag:s6], $0x1  }
0x30: {  	s5 =	sor.u32 @!p0 s5, s7;
	[sflag:s6] =	ssyncadd.s32 @!p0 $0xFFFFFFFF  }
0x31: {  	s26 =	simm.s32 $0x1B8E;
	s25 =	sld [smem:$0x3FFE];
	[sflag:s5] =	ssyncadd.remote.s32 @!p0 $0x1  }
0x32: {  	s27 =	simm.s32 $execute0_lowered;
	[smem:$0x3FD2] =	sst s26  }
0x33: {  	s6 =	sshll.u32 s27, $0x1;
	_ =	strace $0x8000004C;
	[dreg:$0x1] =	wrdreg $0xFFFFFFFF  }
0x34: {  	s28 =	simm.s32 $_size_execute0_lowered;
	s4 =	sadd.s32 s4, s6;
	[dreg:$0x0] =	wrdreg $0x0  }
0x35: {  	s6 =	sshll.u32 s28, $0x1;
	[dreg:$0x2] =	wrdreg s4  }
0x36: {  	[dreg:$0x3] =	wrdreg s6  }
0x37: {  	[dreg:$0x4] =	wrdreg $0xC0  }
0x38: {  	_ =	task [dreg:s23], $0x5FFFF  }
0x39: {  	[dreg:$0x1] =	wrdreg $0xFFFFFFFF  }
0x3a: {  	[dreg:$0x0] =	wrdreg $0x60  }
0x3b: {  	[dreg:$0x2] =	wrdreg s25  }
0x3c: {  	[dreg:$0x3] =	wrdreg s18  }
0x3d: {  	[dreg:$0x4] =	wrdreg $0x9  }
0x3e: {  	_ =	task.clear_ibuf [dreg:s23], $0x5FFFF;
	_ =	strace $0x9000004C  }
0x3f: {  	s29 =	simm.s32 $0x9;
	_ =	strace $0x8000004E  }
0x40: {  	_ =	swait.ge [sflag:s29], $0x1  }
0x41: {  	[sflag:s29] =	ssyncadd.s32 $0xFFFFFFFF  }
0x42: {  	_ =	strace $0x9000004E  }
0x43: {  	_ =	sfence  }
0x44: {  	s30 =	sld [smem:$0x0];
	_ =	sdelay $0x2  }
0x45: {  	s31 =	sshll.u32 s1, $0xD;
	s1 =	sshrl.u32 s1, $0x2  }
0x46: {  	s4 =	sand.u32 $0x4000, s31;
	s1 =	sadd.s32 s1, s30  }
0x47: {  	s0 =	sor.u32 s4, s0;
	s1 =	sshll.u32 s1, $0x11  }
0x48: {  	s0 =	sor.u32 s1, s0  }
0x49: {  	s0 =	sadd.s32 $0x8F2B, s0  }
0x4a: {  	[sflag:s0] =	ssyncadd.remote.s32 $0x1  }
0x4b: {  	_ =	sfence.sel $0xFFFF  }
0x4c: {  	[dreg:$0x0] =	wrdreg $0xFFFFFFFF;
	(pc) =	sbr.abs _section_cstart, $3  }
0x4d: {  	[dreg:$0x1] =	wrdreg $0xFFFFFFFF  }
0x4e: {  	_ =	task.clear_ibuf [dreg:s23], $0x2FFFF;
	_ =	strace $0x9FFFFFFF  }
0x4f: {  	(tm) =	ssettm $0x7FFFFFFF  }
tec
execute0_lowered:
.L_overlay_start_1:
0x0: {  	(tag) =	ssettag $0x1  }
0x1: {  	s0 =	srdreg.scid  }
0x2: {  	s1 =	sshll.u32 s0, $0x4  }
0x3: {  	s4 =	rddreg [dreg:$0x0];
	s0 =	stileid.u32;
	s1 =	sand.u32 $0x10, s1  }
0x4: {  	s2 =	rddreg [dreg:$0x1];
	s7 =	simm.s32 $0x1;
	s1 =	sor.u32 s0, s1  }
0x5: {  	s8 =	simm.s32 $0x2;
	s11 =	simm.s32 $0x0;
	s3 =	sshll.u32 s1, $0x7  }
0x6: {  	s10 =	simm.s32 $0x0;
	s4 =	sadd.s32 $0x401E00, s4;
	s6 =	ssub.s32 $0x40000, s3  }
.Ltmp0:
0x7: {  	s1 =	rddreg [dreg:$0x2];
	s5 =	sand.u32 $0xF80, s6;
	(pc) =	sbr.rel .LBB1_1-.Ltmp0, $4  }
0x8: {  	_ =	strace $0x8000004D;
	s9 =	smov.u32 s3;
	p0 =	sne.s32 s5, $0x0  }
0x9: {  	s6 =	sshrl.u32 s6, $0xC;
	s5 =	simm.s32 $0x1;
	s7 =	simm.s32 @!p0 $0x0  }
0xa: {  	[sflag:s5] =	ssyncpa.u1 $0x0;
	p0 =	por $0x0, $0x0;
	s6 =	sadd.s32 s7, s6  }
0xb: {  	[sflag:s8] =	ssyncpa.u1 $0x0;
	s8 =	simm.s32 $0x200000;
	s7 =	sadd.s32 $0x1, s6  }
.LBB1_4:
0xc: {  	s13 =	sshll.u32 s11, $0x3  }
0xd: {  	s15 =	sand.u32 $0x78, s11;
	s13 =	sand.u32 $0x3FC00, s13  }
0xe: {  	s30 =	sand.u32 $0xF8000, s11;
	s31 =	sand.u32 $0x7, s11;
	s13 =	sor.u32 s15, s13  }
0xf: {  	s11 =	sshll.u32 s31, $0x12;
	s15 =	sadd.s32 s2, s30;
	s13 =	sshrl.u32 s13, $0x3  }
0x10: {  	[tilespmem:s14+$0x0 ss:$0x81] =	vst.msk $0xffff, v0;
	s11 =	sor.u32 $0x400, s11;
	s13 =	sadd.s32 s13, s15  }
0x11: {  	[hbm4b:s13+s11] =	stream.strided.scatter [tilespmem:s12], [sflag:$0x2], $0x1000, s8, s11, $0x20;
	[tilespmem:$0x4040] =	vst v63  }
.LBB1_5:
0x12: {  	s13 =	sadd.s32 $0x1000, s9  }
0x13: {  	p2 =	sgt.s32 s13, $0x3FFFF  }
0x14: {  	s13 =	smov.u32 @p2 s3;
	p2 =	sne.s32 s10, s7  }
.Ltmp1:
0x15: {  	p1 =	slt.u32 s10, $0x2;
	(pc) =	sbr.rel @!p2 .LBB1_6-.Ltmp1, $4  }
0x16: {  	s12 =	simm.s32 @!p1 $0x2  }
0x17: {  	s14 =	sadd.s32 $0x1, s10;
	_ =	swait.ge @!p1 [sflag:s12], $0x1000  }
0x18: {  	s11 =	smov.u32 s9;
	p0 =	por !p0, !p0;
	[sflag:s12] =	ssyncset.done @!p1 $0x0  }
0x19: {  	s10 =	smov.u32 s14;
	s9 =	smov.u32 s13;
	[sflag:s12] =	ssyncadd.s32 @!p1 $0xFFFFF000  }
.LBB1_1:
0x1a: {  	p1 =	sge.u32 s10, s6  }
0x1b: {  	s31 =	sadd.s32 $0xFFFFFFFF, s10;
	s12 =	sxor.u32 @!p1 $0xFFFFFFFF, s10;
	s13 =	sshll.u32 @!p1 s9, $0x4  }
0x1c: {  	s14 =	simm.s32 @!p1 $0x20;
	s12 =	sshll.u32 @!p1 s12, $0xC;
	s13 =	sand.u32 @!p1 $0x3FFFF0, s13  }
0x1d: {  	s15 =	simm.s32 @!p1 $0x80;
	s12 =	sand.u32 @!p1 $0x1000, s12;
	s13 =	sadd.s32 @!p1 s4, s13  }
0x1e: {  	[tilespmem:s12], [sflag:$0x1] =	stream.strided.gather @!p1 [hbm4b:s13+s14], $0x1000, s15, s14, $0x38;
	[tilespmem:$0x4040] =	vst v63  }
0x1f: {  	p1 =	sge.u32 s31, s6  }
.Ltmp2:
0x20: {  	_ = 	snop;
	(pc) =	sbr.rel @p1 .LBB1_5-.Ltmp2, $1  }
0x21: {  	_ =	sdelay $0x3  }
0x22: {  	s12 =	simm.s32 $0x1  }
0x23: {  	_ =	swait.ge [sflag:s5], $0x1000;
	s12 =	simm.s32 @!p0 $0x0  }
0x24: {  	[sflag:s5] =	ssyncset.done $0x0;
	s13 =	sshll.u32 s12, $0xC  }
0x25: {  	[sflag:s5] =	ssyncadd.s32 $0xFFFFF000;
	s16 =	sor.u32 $0x10, s13  }
0x26: {  	s12 =	smul.u32 $0x4080, s12;
	v1 =	vld [tilespmem:s16+$0x0]  }
0x27: {  	s30 =	sand.u32 $0x1, s10;
	v0 =	vld [tilespmem:s16+$0xFFFFFFF0]  }
0x28: {  	s14 =	smul.u32 $0x4080, s30;
	s12 =	sshrl.u32 s12, $0x2  }
0x29: {  	s13 =	sor.u32 $0x2000, s12  }
0x2a: {  	s31 =	sshrl.u32 s14, $0x2;
	s14 =	sadd.s32 $0x0, s13  }
0x2b: {  	s15 =	simm.s32 $0x4;
	s16 =	sadd.s32 $0x20, s16;
	s12 =	sor.u32 $0x2000, s31;
	[tilespmem:s14+$0x810 ss:$0x81] =	vst.msk $0xffff, v1  }
.LBB1_3:
0x2c: {  	v1 =	vld [tilespmem:s16+$0x0];
	p1 =	sne.s32 s15, $0x1FC;
	[tilespmem:s14+$0x0 ss:$0x81] =	vst.msk $0xffff, v0;
	s14 =	smov.u32 s15;
	s15 =	sadd.s32 $0x4, s15  }
.Ltmp3:
0x2d: {  	v0 =	vld [tilespmem:s16+$0xFFFFFFF0];
	(pc) =	sbr.rel @p1 .LBB1_3-.Ltmp3, $4  }
0x2e: {  	_ = 	snop  }
0x2f: {  	s14 =	sshra.s32 s14, $0x2  }
0x30: {  	s14 =	sadd.s32 s14, s13  }
0x31: {  	s16 =	sadd.s32 $0x20, s16;
	[tilespmem:s14+$0x810 ss:$0x81] =	vst.msk $0xffff, v1  }
.Ltmp4:
0x32: {  	_ = 	snop;
	(pc) =	sbr.rel .LBB1_4-.Ltmp4, $1  }
0x33: {  	_ =	sdelay $0x3  }
.LBB1_6:
0x34: {  	_ =	sfence.sel $0x180000  }
0x35: {  	s2 =	simm.s32 $0x1;
	[bflag:$0x0] =	sbarrier.arrive $0xFFFF  }
0x36: {  	s31 =	simm.s32 $0x2;
	[sflag:s2] =	ssyncpa.u1 $0x1  }
0x37: {  	[sflag:s31] =	ssyncpa.u1 $0x1  }
0x38: {  	p0 =	sne.s32 s0, $0x0;
	_ =	strace $0x9000004D  }
0x39: {  	s0 =	sadd.s32 @!p0 $0x100000, s1;
	[bflag:$0x2] =	sbarrier.arrive $0xFFFF  }
0x3a: {  	[sflag:s0] =	ssyncadd.tile.s32 @!p0 $0x1;
	_ =	shalt  }
.Lfunc_end1:
_tile_overlayer_lowered:
.L_overlay_start_2:
0x3b: {  	(tag) =	ssettag $0x2  }
0x3c: {  	s0 =	rddreg [dreg:$0x0];
	s2 =	stileid.u32  }
0x3d: {  	s1 =	rddreg [dreg:$0x1];
	p0 =	sne.s32 s2, $0x0  }
0x3e: {  	s3 =	rddreg [dreg:$0x2];
	[bflag:$0x3] =	sbarrier.arrive $0xFFFF;
	s2 =	simm.s32 @!p0 $0x1C01  }
0x3f: {  	[timem:s3], [sflag:s2] =	dma.local @!p0 [hbm:s0], s1  }
0x40: {  	s0 =	simm.s32 @!p0 $0x1  }
0x41: {  	_ =	swait.ge @!p0 [sflag:s0], s1  }
0x42: {  	s1 =	ssub.s32 @!p0 $0x0, s1;
	[sflag:s0] =	ssyncset.done @!p0 $0x0  }
0x43: {  	[sflag:s0] =	ssyncadd.s32 @!p0 s1  }
0x44: {  	[bflag:$0x3] =	sbarrier.arrive $0xFFFF  }
0x45: {  	_ =	shalt  }

</sc_bundles>
